<compile_context>
chip_gen: v7x
topology: tpu7x:2x2x1
jax: 0.10.2.dev20260603
libtpu: 0.0.44.dev20260713+nightly
codegen_flags: <defaults>
</compile_context>

<pallas_src>
import functools

import jax
import jax.numpy as jnp
from jax import lax
from jax.experimental import pallas as pl
from jax.experimental.pallas import tpu as pltpu
from jax.experimental.pallas import tpu_sc as plsc

_C = 21
_ALPHA = 0.75
_BALANCE = 1.0
_N = 1048576
_L = 16
_NC = 2
_NS = 16
_NW = _NC * _NS
_PER_W = _N // _NW
_CHUNK = 16384
_NCHUNK = _PER_W // _CHUNK
_UNROLL = 8
_NSCAT = 4
_TW = 32

_mesh = plsc.VectorSubcoreMesh(core_axis_name="c", subcore_axis_name="s")


@functools.partial(
    pl.kernel,
    mesh=_mesh,
    compiler_params=pltpu.CompilerParams(needs_layout_passes=False),
    out_type=jax.ShapeDtypeStruct((_NW, _TW), jnp.float32),
    scratch_types=[
        pltpu.VMEM((2, _CHUNK), jnp.int32),
        pltpu.VMEM((2, _CHUNK), jnp.int32),
        [pltpu.VMEM((_L * _TW,), jnp.float32)] * max(_NSCAT, 1),
        pltpu.VMEM((_TW,), jnp.float32),
        pltpu.SemaphoreType.DMA,
        pltpu.SemaphoreType.DMA,
        pltpu.SemaphoreType.DMA,
        pltpu.SemaphoreType.DMA,
    ],
)
def _hist_kernel(t_hbm, p_hbm, out_hbm, tbuf, pbuf, tables, acc, st0, st1, sp0, sp1):
    wid = lax.axis_index("s") * _NC + lax.axis_index("c")
    base = wid * _PER_W
    sems_t = (st0, st1)
    sems_p = (sp0, sp1)

    zeros = jnp.zeros((_L,), jnp.float32)
    for u in range(max(_NSCAT, 1)):
        for r in range(_L * _TW // _L):
            tables[u][pl.ds(r * _L, _L)] = zeros

    laneoff = lax.iota(jnp.int32, _L) * _TW
    ones = jnp.full((_L,), 1.0, jnp.float32)

    def _start(c):
        slot = c % 2
        dt = pltpu.async_copy(
            t_hbm.at[pl.ds(base + c * _CHUNK, _CHUNK)], tbuf.at[slot], sems_t[slot])
        dp = pltpu.async_copy(
            p_hbm.at[pl.ds(base + c * _CHUNK, _CHUNK)], pbuf.at[slot], sems_p[slot])
        return dt, dp

    pending = {0: _start(0)}
    accs = tuple(zeros for _ in range(_C - 1))
    for c in range(_NCHUNK):
        if c + 1 < _NCHUNK:
            pending[c + 1] = _start(c + 1)
        dt, dp = pending.pop(c)
        dt.wait()
        dp.wait()
        slot = c % 2

        def body(j, accs):
            off = pl.multiple_of(j * (_L * _UNROLL), _L * _UNROLL)
            accs = list(accs)
            for u in range(_UNROLL):
                tv = tbuf[slot, pl.ds(off + u * _L, _L)]
                pv = pbuf[slot, pl.ds(off + u * _L, _L)]
                if u < _NSCAT:
                    plsc.addupdate_scatter(tables[u], [laneoff + tv], ones,
                                           mask=tv == pv)
                else:
                    em = jnp.where(tv == pv, tv, -1)
                    for k in range(_C - 1):
                        accs[k] = jnp.where(em == k + 1, accs[k] + 1.0,
                                            accs[k])
            return tuple(accs)

        accs = lax.fori_loop(0, _CHUNK // (_L * _UNROLL), body, accs)

    for k in range(_C - 1):
        plsc.addupdate_scatter(tables[0], [laneoff + (k + 1)], accs[k])

    for h in range(_TW // _L):
        a = zeros
        for u in range(max(_NSCAT, 1)):
            for r in range(_L):
                a = a + tables[u][pl.ds(r * _TW + h * _L, _L)]
        acc[pl.ds(h * _L, _L)] = a
    pltpu.sync_copy(acc, out_hbm.at[wid])


def _finish_body(h_ref, o_ref):
    h = h_ref[...]
    counts = jnp.sum(h, axis=0, keepdims=True)
    col = lax.broadcasted_iota(jnp.int32, (1, _TW), 1)
    terms = jnp.where(col == 0, 0.0,
                      2.0 * counts / (2.0 * counts + 1e-6))
    dice = jnp.sum(terms, keepdims=True) / (_C - 1)
    o_ref[...] = _BALANCE * (1.0 - dice ** _ALPHA)


_finish = pl.pallas_call(
    _finish_body,
    out_shape=jax.ShapeDtypeStruct((1, 1), jnp.float32),
)


@jax.jit
def kernel(pred_labels, target_labels):
    p = pred_labels.reshape(_N)
    t = target_labels.reshape(_N)
    hist = _hist_kernel(t, p)
    return _finish(hist)[0, 0]

# --- scband reference (transcript-rebuilt; emitter-appended) ---
"""Pipeline reference for scband-dice-loss-11038065951148 (READ-ONLY COPY).

The authoritative reference and input builder live on the scoring server;
editing this copy changes nothing except your own understanding.
"""

import jax, jax.numpy as jnp
import numpy as np

NUM_CLASSES = 21
ALPHA = 0.75
BALANCE = 1.0
N = 1048576


def setup_inputs(seed: int = 0) -> dict:
    key = jax.random.key(seed)
    k1, k2 = jax.random.split(key)
    pred_labels = jax.random.randint(k1, (1, N), 0, NUM_CLASSES)
    target_labels = jax.random.randint(k2, (1, N), 0, NUM_CLASSES)
    return {"pred_labels": pred_labels, "target_labels": target_labels}


def reference(pred_labels, target_labels):
    # Faithful translation of DiceLoss.forward:
    # confusion_matrix[t_i, p_i] += (t_i == p_i)  (scalar bool -> 0/1)
    p = pred_labels[0]
    t = target_labels[0]
    eq = (t == p).astype(jnp.float32)
    flat_idx = t * NUM_CLASSES + p
    cm_flat = jnp.zeros((NUM_CLASSES * NUM_CLASSES,), dtype=jnp.float32).at[flat_idx].add(eq)
    cm = cm_flat.reshape(NUM_CLASSES, NUM_CLASSES)
    # dice over classes 1..num_classes-1
    tp = jnp.diag(cm)[1:]
    fn = cm.sum(axis=1)[1:] - tp
    fp = cm.sum(axis=0)[1:] - tp
    dice = (2.0 * tp / (2.0 * tp + fn + fp + 1e-06)).sum()
    dice = dice / (NUM_CLASSES - 1)
    return BALANCE * (1.0 - dice ** ALPHA)

if __name__ == "__main__":
    import jax
    _d = setup_inputs()
    print(jax.jit(kernel)(*tuple(_d.values())))

</pallas_src>

<mosaic_0001>
#map = affine_map<(d0, d1) -> (0)>
#map1 = affine_map<(d0, d1) -> (0, 0)>
module attributes {stable_mosaic.version = 14 : i64} {
  func.func @_hist_kernel(%arg0: i32, %arg1: i32, %arg2: memref<1048576xi32, #tpu.memory_space<hbm>>, %arg3: memref<1048576xi32, #tpu.memory_space<hbm>>, %arg4: memref<32x32xf32, #tpu.memory_space<hbm>>, %arg5: memref<2x16384xi32, #tpu.memory_space<vmem>>, %arg6: memref<2x16384xi32, #tpu.memory_space<vmem>>, %arg7: memref<512xf32, #tpu.memory_space<vmem>>, %arg8: memref<512xf32, #tpu.memory_space<vmem>>, %arg9: memref<512xf32, #tpu.memory_space<vmem>>, %arg10: memref<512xf32, #tpu.memory_space<vmem>>, %arg11: memref<32xf32, #tpu.memory_space<vmem>>, %arg12: memref<!tpu.dma_semaphore, #tpu.memory_space<semaphore_mem>>, %arg13: memref<!tpu.dma_semaphore, #tpu.memory_space<semaphore_mem>>, %arg14: memref<!tpu.dma_semaphore, #tpu.memory_space<semaphore_mem>>, %arg15: memref<!tpu.dma_semaphore, #tpu.memory_space<semaphore_mem>>) attributes {dimension_semantics = [#tpu.dimension_semantics<core_parallel>, #tpu.dimension_semantics<subcore_parallel>], iteration_bounds = array<i64: 2, 16>, scalar_prefetch = 0 : i64, scratch_operands = 11 : i64, tpu.core_type = #tpu.core_type<sc_vector_subcore>, window_params = [{transform_indices = #map}, {transform_indices = #map}, {transform_indices = #map1}]} {
    %mul3A = arith.constant 2 : i32
    %mul3A_0 = arith.muli %arg1, %mul3A : i32
    %add3A = arith.addi %mul3A_0, %arg0 : i32
    %mul3A_1 = arith.constant 32768 : i32
    %mul3A_2 = arith.muli %add3A, %mul3A_1 : i32
    %broadcast_in_dim3A = arith.constant 0.000000e+00 : f32
    %broadcast_in_dim3A_3 = vector.broadcast %broadcast_in_dim3A : f32 to vector<16xf32>
    %swap3A = arith.constant 0 : index
    %swap3A_4 = tpu.vector_load %arg7[%swap3A] {strides = array<i32>} : memref<512xf32, #tpu.memory_space<vmem>>, vector<16xf32>,
    tpu.vector_store %arg7[%swap3A], %broadcast_in_dim3A_3 {strides = array<i32>} : memref<512xf32, #tpu.memory_space<vmem>>, vector<16xf32>,
    %swap3A_5 = arith.constant 16 : index
    %swap3A_6 = tpu.vector_load %arg7[%swap3A_5] {strides = array<i32>} : memref<512xf32, #tpu.memory_space<vmem>>, vector<16xf32>,
    tpu.vector_store %arg7[%swap3A_5], %broadcast_in_dim3A_3 {strides = array<i32>} : memref<512xf32, #tpu.memory_space<vmem>>, vector<16xf32>,
    %swap3A_7 = arith.constant 32 : index
    %swap3A_8 = tpu.vector_load %arg7[%swap3A_7] {strides = array<i32>} : memref<512xf32, #tpu.memory_space<vmem>>, vector<16xf32>,
    tpu.vector_store %arg7[%swap3A_7], %broadcast_in_dim3A_3 {strides = array<i32>} : memref<512xf32, #tpu.memory_space<vmem>>, vector<16xf32>,
    %swap3A_9 = arith.constant 48 : index
    %swap3A_10 = tpu.vector_load %arg7[%swap3A_9] {strides = array<i32>} : memref<512xf32, #tpu.memory_space<vmem>>, vector<16xf32>,
    tpu.vector_store %arg7[%swap3A_9], %broadcast_in_dim3A_3 {strides = array<i32>} : memref<512xf32, #tpu.memory_space<vmem>>, vector<16xf32>,
    %swap3A_11 = arith.constant 64 : index
    %swap3A_12 = tpu.vector_load %arg7[%swap3A_11] {strides = array<i32>} : memref<512xf32, #tpu.memory_space<vmem>>, vector<16xf32>,
    tpu.vector_store %arg7[%swap3A_11], %broadcast_in_dim3A_3 {strides = array<i32>} : memref<512xf32, #tpu.memory_space<vmem>>, vector<16xf32>,
    %swap3A_13 = arith.constant 80 : index
    %swap3A_14 = tpu.vector_load %arg7[%swap3A_13] {strides = array<i32>} : memref<512xf32, #tpu.memory_space<vmem>>, vector<16xf32>,
    tpu.vector_store %arg7[%swap3A_13], %broadcast_in_dim3A_3 {strides = array<i32>} : memref<512xf32, #tpu.memory_space<vmem>>, vector<16xf32>,
    %swap3A_15 = arith.constant 96 : index
    %swap3A_16 = tpu.vector_load %arg7[%swap3A_15] {strides = array<i32>} : memref<512xf32, #tpu.memory_space<vmem>>, vector<16xf32>,
    tpu.vector_store %arg7[%swap3A_15], %broadcast_in_dim3A_3 {strides = array<i32>} : memref<512xf32, #tpu.memory_space<vmem>>, vector<16xf32>,
    %swap3A_17 = arith.constant 112 : index
    %swap3A_18 = tpu.vector_load %arg7[%swap3A_17] {strides = array<i32>} : memref<512xf32, #tpu.memory_space<vmem>>, vector<16xf32>,
    tpu.vector_store %arg7[%swap3A_17], %broadcast_in_dim3A_3 {strides = array<i32>} : memref<512xf32, #tpu.memory_space<vmem>>, vector<16xf32>,
    %swap3A_19 = arith.constant 128 : index
    %swap3A_20 = tpu.vector_load %arg7[%swap3A_19] {strides = array<i32>} : memref<512xf32, #tpu.memory_space<vmem>>, vector<16xf32>,
    tpu.vector_store %arg7[%swap3A_19], %broadcast_in_dim3A_3 {strides = array<i32>} : memref<512xf32, #tpu.memory_space<vmem>>, vector<16xf32>,
    %swap3A_21 = arith.constant 144 : index
    %swap3A_22 = tpu.vector_load %arg7[%swap3A_21] {strides = array<i32>} : memref<512xf32, #tpu.memory_space<vmem>>, vector<16xf32>,
    tpu.vector_store %arg7[%swap3A_21], %broadcast_in_dim3A_3 {strides = array<i32>} : memref<512xf32, #tpu.memory_space<vmem>>, vector<16xf32>,
    %swap3A_23 = arith.constant 160 : index
    %swap3A_24 = tpu.vector_load %arg7[%swap3A_23] {strides = array<i32>} : memref<512xf32, #tpu.memory_space<vmem>>, vector<16xf32>,
    tpu.vector_store %arg7[%swap3A_23], %broadcast_in_dim3A_3 {strides = array<i32>} : memref<512xf32, #tpu.memory_space<vmem>>, vector<16xf32>,
    %swap3A_25 = arith.constant 176 : index
    %swap3A_26 = tpu.vector_load %arg7[%swap3A_25] {strides = array<i32>} : memref<512xf32, #tpu.memory_space<vmem>>, vector<16xf32>,
    tpu.vector_store %arg7[%swap3A_25], %broadcast_in_dim3A_3 {strides = array<i32>} : memref<512xf32, #tpu.memory_space<vmem>>, vector<16xf32>,
    %swap3A_27 = arith.constant 192 : index
    %swap3A_28 = tpu.vector_load %arg7[%swap3A_27] {strides = array<i32>} : memref<512xf32, #tpu.memory_space<vmem>>, vector<16xf32>,
    tpu.vector_store %arg7[%swap3A_27], %broadcast_in_dim3A_3 {strides = array<i32>} : memref<512xf32, #tpu.memory_space<vmem>>, vector<16xf32>,
    %swap3A_29 = arith.constant 208 : index
    %swap3A_30 = tpu.vector_load %arg7[%swap3A_29] {strides = array<i32>} : memref<512xf32, #tpu.memory_space<vmem>>, vector<16xf32>,
    tpu.vector_store %arg7[%swap3A_29], %broadcast_in_dim3A_3 {strides = array<i32>} : memref<512xf32, #tpu.memory_space<vmem>>, vector<16xf32>,
    %swap3A_31 = arith.constant 224 : index
    %swap3A_32 = tpu.vector_load %arg7[%swap3A_31] {strides = array<i32>} : memref<512xf32, #tpu.memory_space<vmem>>, vector<16xf32>,
    tpu.vector_store %arg7[%swap3A_31], %broadcast_in_dim3A_3 {strides = array<i32>} : memref<512xf32, #tpu.memory_space<vmem>>, vector<16xf32>,
    %swap3A_33 = arith.constant 240 : index
    %swap3A_34 = tpu.vector_load %arg7[%swap3A_33] {strides = array<i32>} : memref<512xf32, #tpu.memory_space<vmem>>, vector<16xf32>,
    tpu.vector_store %arg7[%swap3A_33], %broadcast_in_dim3A_3 {strides = array<i32>} : memref<512xf32, #tpu.memory_space<vmem>>, vector<16xf32>,
    %swap3A_35 = arith.constant 256 : index
    %swap3A_36 = tpu.vector_load %arg7[%swap3A_35] {strides = array<i32>} : memref<512xf32, #tpu.memory_space<vmem>>, vector<16xf32>,
    tpu.vector_store %arg7[%swap3A_35], %broadcast_in_dim3A_3 {strides = array<i32>} : memref<512xf32, #tpu.memory_space<vmem>>, vector<16xf32>,
    %swap3A_37 = arith.constant 272 : index
    %swap3A_38 = tpu.vector_load %arg7[%swap3A_37] {strides = array<i32>} : memref<512xf32, #tpu.memory_space<vmem>>, vector<16xf32>,
    tpu.vector_store %arg7[%swap3A_37], %broadcast_in_dim3A_3 {strides = array<i32>} : memref<512xf32, #tpu.memory_space<vmem>>, vector<16xf32>,
    %swap3A_39 = arith.constant 288 : index
    %swap3A_40 = tpu.vector_load %arg7[%swap3A_39] {strides = array<i32>} : memref<512xf32, #tpu.memory_space<vmem>>, vector<16xf32>,
    tpu.vector_store %arg7[%swap3A_39], %broadcast_in_dim3A_3 {strides = array<i32>} : memref<512xf32, #tpu.memory_space<vmem>>, vector<16xf32>,
    %swap3A_41 = arith.constant 304 : index
    %swap3A_42 = tpu.vector_load %arg7[%swap3A_41] {strides = array<i32>} : memref<512xf32, #tpu.memory_space<vmem>>, vector<16xf32>,
    tpu.vector_store %arg7[%swap3A_41], %broadcast_in_dim3A_3 {strides = array<i32>} : memref<512xf32, #tpu.memory_space<vmem>>, vector<16xf32>,
    %swap3A_43 = arith.constant 320 : index
    %swap3A_44 = tpu.vector_load %arg7[%swap3A_43] {strides = array<i32>} : memref<512xf32, #tpu.memory_space<vmem>>, vector<16xf32>,
    tpu.vector_store %arg7[%swap3A_43], %broadcast_in_dim3A_3 {strides = array<i32>} : memref<512xf32, #tpu.memory_space<vmem>>, vector<16xf32>,
    %swap3A_45 = arith.constant 336 : index
    %swap3A_46 = tpu.vector_load %arg7[%swap3A_45] {strides = array<i32>} : memref<512xf32, #tpu.memory_space<vmem>>, vector<16xf32>,
    tpu.vector_store %arg7[%swap3A_45], %broadcast_in_dim3A_3 {strides = array<i32>} : memref<512xf32, #tpu.memory_space<vmem>>, vector<16xf32>,
    %swap3A_47 = arith.constant 352 : index
    %swap3A_48 = tpu.vector_load %arg7[%swap3A_47] {strides = array<i32>} : memref<512xf32, #tpu.memory_space<vmem>>, vector<16xf32>,
    tpu.vector_store %arg7[%swap3A_47], %broadcast_in_dim3A_3 {strides = array<i32>} : memref<512xf32, #tpu.memory_space<vmem>>, vector<16xf32>,
    %swap3A_49 = arith.constant 368 : index
    %swap3A_50 = tpu.vector_load %arg7[%swap3A_49] {strides = array<i32>} : memref<512xf32, #tpu.memory_space<vmem>>, vector<16xf32>,
    tpu.vector_store %arg7[%swap3A_49], %broadcast_in_dim3A_3 {strides = array<i32>} : memref<512xf32, #tpu.memory_space<vmem>>, vector<16xf32>,
    %swap3A_51 = arith.constant 384 : index
    %swap3A_52 = tpu.vector_load %arg7[%swap3A_51] {strides = array<i32>} : memref<512xf32, #tpu.memory_space<vmem>>, vector<16xf32>,
    tpu.vector_store %arg7[%swap3A_51], %broadcast_in_dim3A_3 {strides = array<i32>} : memref<512xf32, #tpu.memory_space<vmem>>, vector<16xf32>,
    %swap3A_53 = arith.constant 400 : index
    %swap3A_54 = tpu.vector_load %arg7[%swap3A_53] {strides = array<i32>} : memref<512xf32, #tpu.memory_space<vmem>>, vector<16xf32>,
    tpu.vector_store %arg7[%swap3A_53], %broadcast_in_dim3A_3 {strides = array<i32>} : memref<512xf32, #tpu.memory_space<vmem>>, vector<16xf32>,
    %swap3A_55 = arith.constant 416 : index
    %swap3A_56 = tpu.vector_load %arg7[%swap3A_55] {strides = array<i32>} : memref<512xf32, #tpu.memory_space<vmem>>, vector<16xf32>,
    tpu.vector_store %arg7[%swap3A_55], %broadcast_in_dim3A_3 {strides = array<i32>} : memref<512xf32, #tpu.memory_space<vmem>>, vector<16xf32>,
    %swap3A_57 = arith.constant 432 : index
    %swap3A_58 = tpu.vector_load %arg7[%swap3A_57] {strides = array<i32>} : memref<512xf32, #tpu.memory_space<vmem>>, vector<16xf32>,
    tpu.vector_store %arg7[%swap3A_57], %broadcast_in_dim3A_3 {strides = array<i32>} : memref<512xf32, #tpu.memory_space<vmem>>, vector<16xf32>,
    %swap3A_59 = arith.constant 448 : index
    %swap3A_60 = tpu.vector_load %arg7[%swap3A_59] {strides = array<i32>} : memref<512xf32, #tpu.memory_space<vmem>>, vector<16xf32>,
    tpu.vector_store %arg7[%swap3A_59], %broadcast_in_dim3A_3 {strides = array<i32>} : memref<512xf32, #tpu.memory_space<vmem>>, vector<16xf32>,
    %swap3A_61 = arith.constant 464 : index
    %swap3A_62 = tpu.vector_load %arg7[%swap3A_61] {strides = array<i32>} : memref<512xf32, #tpu.memory_space<vmem>>, vector<16xf32>,
    tpu.vector_store %arg7[%swap3A_61], %broadcast_in_dim3A_3 {strides = array<i32>} : memref<512xf32, #tpu.memory_space<vmem>>, vector<16xf32>,
    %swap3A_63 = arith.constant 480 : index
    %swap3A_64 = tpu.vector_load %arg7[%swap3A_63] {strides = array<i32>} : memref<512xf32, #tpu.memory_space<vmem>>, vector<16xf32>,
    tpu.vector_store %arg7[%swap3A_63], %broadcast_in_dim3A_3 {strides = array<i32>} : memref<512xf32, #tpu.memory_space<vmem>>, vector<16xf32>,
    %swap3A_65 = arith.constant 496 : index
    %swap3A_66 = tpu.vector_load %arg7[%swap3A_65] {strides = array<i32>} : memref<512xf32, #tpu.memory_space<vmem>>, vector<16xf32>,
    tpu.vector_store %arg7[%swap3A_65], %broadcast_in_dim3A_3 {strides = array<i32>} : memref<512xf32, #tpu.memory_space<vmem>>, vector<16xf32>,
    %swap3A_67 = arith.constant 0 : index
    %swap3A_68 = tpu.vector_load %arg8[%swap3A_67] {strides = array<i32>} : memref<512xf32, #tpu.memory_space<vmem>>, vector<16xf32>,
    tpu.vector_store %arg8[%swap3A_67], %broadcast_in_dim3A_3 {strides = array<i32>} : memref<512xf32, #tpu.memory_space<vmem>>, vector<16xf32>,
    %swap3A_69 = arith.constant 16 : index
    %swap3A_70 = tpu.vector_load %arg8[%swap3A_69] {strides = array<i32>} : memref<512xf32, #tpu.memory_space<vmem>>, vector<16xf32>,
    tpu.vector_store %arg8[%swap3A_69], %broadcast_in_dim3A_3 {strides = array<i32>} : memref<512xf32, #tpu.memory_space<vmem>>, vector<16xf32>,
    %swap3A_71 = arith.constant 32 : index
    %swap3A_72 = tpu.vector_load %arg8[%swap3A_71] {strides = array<i32>} : memref<512xf32, #tpu.memory_space<vmem>>, vector<16xf32>,
    tpu.vector_store %arg8[%swap3A_71], %broadcast_in_dim3A_3 {strides = array<i32>} : memref<512xf32, #tpu.memory_space<vmem>>, vector<16xf32>,
    %swap3A_73 = arith.constant 48 : index
    %swap3A_74 = tpu.vector_load %arg8[%swap3A_73] {strides = array<i32>} : memref<512xf32, #tpu.memory_space<vmem>>, vector<16xf32>,
    tpu.vector_store %arg8[%swap3A_73], %broadcast_in_dim3A_3 {strides = array<i32>} : memref<512xf32, #tpu.memory_space<vmem>>, vector<16xf32>,
    %swap3A_75 = arith.constant 64 : index
    %swap3A_76 = tpu.vector_load %arg8[%swap3A_75] {strides = array<i32>} : memref<512xf32, #tpu.memory_space<vmem>>, vector<16xf32>,
    tpu.vector_store %arg8[%swap3A_75], %broadcast_in_dim3A_3 {strides = array<i32>} : memref<512xf32, #tpu.memory_space<vmem>>, vector<16xf32>,
    %swap3A_77 = arith.constant 80 : index
    %swap3A_78 = tpu.vector_load %arg8[%swap3A_77] {strides = array<i32>} : memref<512xf32, #tpu.memory_space<vmem>>, vector<16xf32>,
    tpu.vector_store %arg8[%swap3A_77], %broadcast_in_dim3A_3 {strides = array<i32>} : memref<512xf32, #tpu.memory_space<vmem>>, vector<16xf32>,
    %swap3A_79 = arith.constant 96 : index
    %swap3A_80 = tpu.vector_load %arg8[%swap3A_79] {strides = array<i32>} : memref<512xf32, #tpu.memory_space<vmem>>, vector<16xf32>,
    tpu.vector_store %arg8[%swap3A_79], %broadcast_in_dim3A_3 {strides = array<i32>} : memref<512xf32, #tpu.memory_space<vmem>>, vector<16xf32>,
    %swap3A_81 = arith.constant 112 : index
    %swap3A_82 = tpu.vector_load %arg8[%swap3A_81] {strides = array<i32>} : memref<512xf32, #tpu.memory_space<vmem>>, vector<16xf32>,
    tpu.vector_store %arg8[%swap3A_81], %broadcast_in_dim3A_3 {strides = array<i32>} : memref<512xf32, #tpu.memory_space<vmem>>, vector<16xf32>,
    %swap3A_83 = arith.constant 128 : index
    %swap3A_84 = tpu.vector_load %arg8[%swap3A_83] {strides = array<i32>} : memref<512xf32, #tpu.memory_space<vmem>>, vector<16xf32>,
    tpu.vector_store %arg8[%swap3A_83], %broadcast_in_dim3A_3 {strides = array<i32>} : memref<512xf32, #tpu.memory_space<vmem>>, vector<16xf32>,
    %swap3A_85 = arith.constant 144 : index
    %swap3A_86 = tpu.vector_load %arg8[%swap3A_85] {strides = array<i32>} : memref<512xf32, #tpu.memory_space<vmem>>, vector<16xf32>,
    tpu.vector_store %arg8[%swap3A_85], %broadcast_in_dim3A_3 {strides = array<i32>} : memref<512xf32, #tpu.memory_space<vmem>>, vector<16xf32>,
    %swap3A_87 = arith.constant 160 : index
    %swap3A_88 = tpu.vector_load %arg8[%swap3A_87] {strides = array<i32>} : memref<512xf32, #tpu.memory_space<vmem>>, vector<16xf32>,
    tpu.vector_store %arg8[%swap3A_87], %broadcast_in_dim3A_3 {strides = array<i32>} : memref<512xf32, #tpu.memory_space<vmem>>, vector<16xf32>,
    %swap3A_89 = arith.constant 176 : index
    %swap3A_90 = tpu.vector_load %arg8[%swap3A_89] {strides = array<i32>} : memref<512xf32, #tpu.memory_space<vmem>>, vector<16xf32>,
    tpu.vector_store %arg8[%swap3A_89], %broadcast_in_dim3A_3 {strides = array<i32>} : memref<512xf32, #tpu.memory_space<vmem>>, vector<16xf32>,
    %swap3A_91 = arith.constant 192 : index
    %swap3A_92 = tpu.vector_load %arg8[%swap3A_91] {strides = array<i32>} : memref<512xf32, #tpu.memory_space<vmem>>, vector<16xf32>,
    tpu.vector_store %arg8[%swap3A_91], %broadcast_in_dim3A_3 {strides = array<i32>} : memref<512xf32, #tpu.memory_space<vmem>>, vector<16xf32>,
    %swap3A_93 = arith.constant 208 : index
    %swap3A_94 = tpu.vector_load %arg8[%swap3A_93] {strides = array<i32>} : memref<512xf32, #tpu.memory_space<vmem>>, vector<16xf32>,
    tpu.vector_store %arg8[%swap3A_93], %broadcast_in_dim3A_3 {strides = array<i32>} : memref<512xf32, #tpu.memory_space<vmem>>, vector<16xf32>,
    %swap3A_95 = arith.constant 224 : index
    %swap3A_96 = tpu.vector_load %arg8[%swap3A_95] {strides = array<i32>} : memref<512xf32, #tpu.memory_space<vmem>>, vector<16xf32>,
    tpu.vector_store %arg8[%swap3A_95], %broadcast_in_dim3A_3 {strides = array<i32>} : memref<512xf32, #tpu.memory_space<vmem>>, vector<16xf32>,
    %swap3A_97 = arith.constant 240 : index
    %swap3A_98 = tpu.vector_load %arg8[%swap3A_97] {strides = array<i32>} : memref<512xf32, #tpu.memory_space<vmem>>, vector<16xf32>,
    tpu.vector_store %arg8[%swap3A_97], %broadcast_in_dim3A_3 {strides = array<i32>} : memref<512xf32, #tpu.memory_space<vmem>>, vector<16xf32>,
    %swap3A_99 = arith.constant 256 : index
    %swap3A_100 = tpu.vector_load %arg8[%swap3A_99] {strides = array<i32>} : memref<512xf32, #tpu.memory_space<vmem>>, vector<16xf32>,
    tpu.vector_store %arg8[%swap3A_99], %broadcast_in_dim3A_3 {strides = array<i32>} : memref<512xf32, #tpu.memory_space<vmem>>, vector<16xf32>,
    %swap3A_101 = arith.constant 272 : index
    %swap3A_102 = tpu.vector_load %arg8[%swap3A_101] {strides = array<i32>} : memref<512xf32, #tpu.memory_space<vmem>>, vector<16xf32>,
    tpu.vector_store %arg8[%swap3A_101], %broadcast_in_dim3A_3 {strides = array<i32>} : memref<512xf32, #tpu.memory_space<vmem>>, vector<16xf32>,
    %swap3A_103 = arith.constant 288 : index
    %swap3A_104 = tpu.vector_load %arg8[%swap3A_103] {strides = array<i32>} : memref<512xf32, #tpu.memory_space<vmem>>, vector<16xf32>,
    tpu.vector_store %arg8[%swap3A_103], %broadcast_in_dim3A_3 {strides = array<i32>} : memref<512xf32, #tpu.memory_space<vmem>>, vector<16xf32>,
    %swap3A_105 = arith.constant 304 : index
    %swap3A_106 = tpu.vector_load %arg8[%swap3A_105] {strides = array<i32>} : memref<512xf32, #tpu.memory_space<vmem>>, vector<16xf32>,
    tpu.vector_store %arg8[%swap3A_105], %broadcast_in_dim3A_3 {strides = array<i32>} : memref<512xf32, #tpu.memory_space<vmem>>, vector<16xf32>,
    %swap3A_107 = arith.constant 320 : index
    %swap3A_108 = tpu.vector_load %arg8[%swap3A_107] {strides = array<i32>} : memref<512xf32, #tpu.memory_space<vmem>>, vector<16xf32>,
    tpu.vector_store %arg8[%swap3A_107], %broadcast_in_dim3A_3 {strides = array<i32>} : memref<512xf32, #tpu.memory_space<vmem>>, vector<16xf32>,
    %swap3A_109 = arith.constant 336 : index
    %swap3A_110 = tpu.vector_load %arg8[%swap3A_109] {strides = array<i32>} : memref<512xf32, #tpu.memory_space<vmem>>, vector<16xf32>,
    tpu.vector_store %arg8[%swap3A_109], %broadcast_in_dim3A_3 {strides = array<i32>} : memref<512xf32, #tpu.memory_space<vmem>>, vector<16xf32>,
    %swap3A_111 = arith.constant 352 : index
    %swap3A_112 = tpu.vector_load %arg8[%swap3A_111] {strides = array<i32>} : memref<512xf32, #tpu.memory_space<vmem>>, vector<16xf32>,
    tpu.vector_store %arg8[%swap3A_111], %broadcast_in_dim3A_3 {strides = array<i32>} : memref<512xf32, #tpu.memory_space<vmem>>, vector<16xf32>,
    %swap3A_113 = arith.constant 368 : index
    %swap3A_114 = tpu.vector_load %arg8[%swap3A_113] {strides = array<i32>} : memref<512xf32, #tpu.memory_space<vmem>>, vector<16xf32>,
    tpu.vector_store %arg8[%swap3A_113], %broadcast_in_dim3A_3 {strides = array<i32>} : memref<512xf32, #tpu.memory_space<vmem>>, vector<16xf32>,
    %swap3A_115 = arith.constant 384 : index
    %swap3A_116 = tpu.vector_load %arg8[%swap3A_115] {strides = array<i32>} : memref<512xf32, #tpu.memory_space<vmem>>, vector<16xf32>,
    tpu.vector_store %arg8[%swap3A_115], %broadcast_in_dim3A_3 {strides = array<i32>} : memref<512xf32, #tpu.memory_space<vmem>>, vector<16xf32>,
    %swap3A_117 = arith.constant 400 : index
    %swap3A_118 = tpu.vector_load %arg8[%swap3A_117] {strides = array<i32>} : memref<512xf32, #tpu.memory_space<vmem>>, vector<16xf32>,
    tpu.vector_store %arg8[%swap3A_117], %broadcast_in_dim3A_3 {strides = array<i32>} : memref<512xf32, #tpu.memory_space<vmem>>, vector<16xf32>,
    %swap3A_119 = arith.constant 416 : index
    %swap3A_120 = tpu.vector_load %arg8[%swap3A_119] {strides = array<i32>} : memref<512xf32, #tpu.memory_space<vmem>>, vector<16xf32>,
    tpu.vector_store %arg8[%swap3A_119], %broadcast_in_dim3A_3 {strides = array<i32>} : memref<512xf32, #tpu.memory_space<vmem>>, vector<16xf32>,
    %swap3A_121 = arith.constant 432 : index
    %swap3A_122 = tpu.vector_load %arg8[%swap3A_121] {strides = array<i32>} : memref<512xf32, #tpu.memory_space<vmem>>, vector<16xf32>,
    tpu.vector_store %arg8[%swap3A_121], %broadcast_in_dim3A_3 {strides = array<i32>} : memref<512xf32, #tpu.memory_space<vmem>>, vector<16xf32>,
    %swap3A_123 = arith.constant 448 : index
    %swap3A_124 = tpu.vector_load %arg8[%swap3A_123] {strides = array<i32>} : memref<512xf32, #tpu.memory_space<vmem>>, vector<16xf32>,
    tpu.vector_store %arg8[%swap3A_123], %broadcast_in_dim3A_3 {strides = array<i32>} : memref<512xf32, #tpu.memory_space<vmem>>, vector<16xf32>,
    %swap3A_125 = arith.constant 464 : index
    %swap3A_126 = tpu.vector_load %arg8[%swap3A_125] {strides = array<i32>} : memref<512xf32, #tpu.memory_space<vmem>>, vector<16xf32>,
    tpu.vector_store %arg8[%swap3A_125], %broadcast_in_dim3A_3 {strides = array<i32>} : memref<512xf32, #tpu.memory_space<vmem>>, vector<16xf32>,
    %swap3A_127 = arith.constant 480 : index
    %swap3A_128 = tpu.vector_load %arg8[%swap3A_127] {strides = array<i32>} : memref<512xf32, #tpu.memory_space<vmem>>, vector<16xf32>,
    tpu.vector_store %arg8[%swap3A_127], %broadcast_in_dim3A_3 {strides = array<i32>} : memref<512xf32, #tpu.memory_space<vmem>>, vector<16xf32>,
    %swap3A_129 = arith.constant 496 : index
    %swap3A_130 = tpu.vector_load %arg8[%swap3A_129] {strides = array<i32>} : memref<512xf32, #tpu.memory_space<vmem>>, vector<16xf32>,
    tpu.vector_store %arg8[%swap3A_129], %broadcast_in_dim3A_3 {strides = array<i32>} : memref<512xf32, #tpu.memory_space<vmem>>, vector<16xf32>,
    %swap3A_131 = arith.constant 0 : index
    %swap3A_132 = tpu.vector_load %arg9[%swap3A_131] {strides = array<i32>} : memref<512xf32, #tpu.memory_space<vmem>>, vector<16xf32>,
    tpu.vector_store %arg9[%swap3A_131], %broadcast_in_dim3A_3 {strides = array<i32>} : memref<512xf32, #tpu.memory_space<vmem>>, vector<16xf32>,
    %swap3A_133 = arith.constant 16 : index
    %swap3A_134 = tpu.vector_load %arg9[%swap3A_133] {strides = array<i32>} : memref<512xf32, #tpu.memory_space<vmem>>, vector<16xf32>,
    tpu.vector_store %arg9[%swap3A_133], %broadcast_in_dim3A_3 {strides = array<i32>} : memref<512xf32, #tpu.memory_space<vmem>>, vector<16xf32>,
    %swap3A_135 = arith.constant 32 : index
    %swap3A_136 = tpu.vector_load %arg9[%swap3A_135] {strides = array<i32>} : memref<512xf32, #tpu.memory_space<vmem>>, vector<16xf32>,
    tpu.vector_store %arg9[%swap3A_135], %broadcast_in_dim3A_3 {strides = array<i32>} : memref<512xf32, #tpu.memory_space<vmem>>, vector<16xf32>,
    %swap3A_137 = arith.constant 48 : index
    %swap3A_138 = tpu.vector_load %arg9[%swap3A_137] {strides = array<i32>} : memref<512xf32, #tpu.memory_space<vmem>>, vector<16xf32>,
    tpu.vector_store %arg9[%swap3A_137], %broadcast_in_dim3A_3 {strides = array<i32>} : memref<512xf32, #tpu.memory_space<vmem>>, vector<16xf32>,
    %swap3A_139 = arith.constant 64 : index
    %swap3A_140 = tpu.vector_load %arg9[%swap3A_139] {strides = array<i32>} : memref<512xf32, #tpu.memory_space<vmem>>, vector<16xf32>,
    tpu.vector_store %arg9[%swap3A_139], %broadcast_in_dim3A_3 {strides = array<i32>} : memref<512xf32, #tpu.memory_space<vmem>>, vector<16xf32>,
    %swap3A_141 = arith.constant 80 : index
    %swap3A_142 = tpu.vector_load %arg9[%swap3A_141] {strides = array<i32>} : memref<512xf32, #tpu.memory_space<vmem>>, vector<16xf32>,
    tpu.vector_store %arg9[%swap3A_141], %broadcast_in_dim3A_3 {strides = array<i32>} : memref<512xf32, #tpu.memory_space<vmem>>, vector<16xf32>,
    %swap3A_143 = arith.constant 96 : index
    %swap3A_144 = tpu.vector_load %arg9[%swap3A_143] {strides = array<i32>} : memref<512xf32, #tpu.memory_space<vmem>>, vector<16xf32>,
    tpu.vector_store %arg9[%swap3A_143], %broadcast_in_dim3A_3 {strides = array<i32>} : memref<512xf32, #tpu.memory_space<vmem>>, vector<16xf32>,
    %swap3A_145 = arith.constant 112 : index
    %swap3A_146 = tpu.vector_load %arg9[%swap3A_145] {strides = array<i32>} : memref<512xf32, #tpu.memory_space<vmem>>, vector<16xf32>,
    tpu.vector_store %arg9[%swap3A_145], %broadcast_in_dim3A_3 {strides = array<i32>} : memref<512xf32, #tpu.memory_space<vmem>>, vector<16xf32>,
    %swap3A_147 = arith.constant 128 : index
    %swap3A_148 = tpu.vector_load %arg9[%swap3A_147] {strides = array<i32>} : memref<512xf32, #tpu.memory_space<vmem>>, vector<16xf32>,
    tpu.vector_store %arg9[%swap3A_147], %broadcast_in_dim3A_3 {strides = array<i32>} : memref<512xf32, #tpu.memory_space<vmem>>, vector<16xf32>,
    %swap3A_149 = arith.constant 144 : index
    %swap3A_150 = tpu.vector_load %arg9[%swap3A_149] {strides = array<i32>} : memref<512xf32, #tpu.memory_space<vmem>>, vector<16xf32>,
    tpu.vector_store %arg9[%swap3A_149], %broadcast_in_dim3A_3 {strides = array<i32>} : memref<512xf32, #tpu.memory_space<vmem>>, vector<16xf32>,
    %swap3A_151 = arith.constant 160 : index
    %swap3A_152 = tpu.vector_load %arg9[%swap3A_151] {strides = array<i32>} : memref<512xf32, #tpu.memory_space<vmem>>, vector<16xf32>,
    tpu.vector_store %arg9[%swap3A_151], %broadcast_in_dim3A_3 {strides = array<i32>} : memref<512xf32, #tpu.memory_space<vmem>>, vector<16xf32>,
    %swap3A_153 = arith.constant 176 : index
    %swap3A_154 = tpu.vector_load %arg9[%swap3A_153] {strides = array<i32>} : memref<512xf32, #tpu.memory_space<vmem>>, vector<16xf32>,
    tpu.vector_store %arg9[%swap3A_153], %broadcast_in_dim3A_3 {strides = array<i32>} : memref<512xf32, #tpu.memory_space<vmem>>, vector<16xf32>,
    %swap3A_155 = arith.constant 192 : index
    %swap3A_156 = tpu.vector_load %arg9[%swap3A_155] {strides = array<i32>} : memref<512xf32, #tpu.memory_space<vmem>>, vector<16xf32>,
    tpu.vector_store %arg9[%swap3A_155], %broadcast_in_dim3A_3 {strides = array<i32>} : memref<512xf32, #tpu.memory_space<vmem>>, vector<16xf32>,
    %swap3A_157 = arith.constant 208 : index
    %swap3A_158 = tpu.vector_load %arg9[%swap3A_157] {strides = array<i32>} : memref<512xf32, #tpu.memory_space<vmem>>, vector<16xf32>,
    tpu.vector_store %arg9[%swap3A_157], %broadcast_in_dim3A_3 {strides = array<i32>} : memref<512xf32, #tpu.memory_space<vmem>>, vector<16xf32>,
    %swap3A_159 = arith.constant 224 : index
    %swap3A_160 = tpu.vector_load %arg9[%swap3A_159] {strides = array<i32>} : memref<512xf32, #tpu.memory_space<vmem>>, vector<16xf32>,
    tpu.vector_store %arg9[%swap3A_159], %broadcast_in_dim3A_3 {strides = array<i32>} : memref<512xf32, #tpu.memory_space<vmem>>, vector<16xf32>,
    %swap3A_161 = arith.constant 240 : index
    %swap3A_162 = tpu.vector_load %arg9[%swap3A_161] {strides = array<i32>} : memref<512xf32, #tpu.memory_space<vmem>>, vector<16xf32>,
    tpu.vector_store %arg9[%swap3A_161], %broadcast_in_dim3A_3 {strides = array<i32>} : memref<512xf32, #tpu.memory_space<vmem>>, vector<16xf32>,
    %swap3A_163 = arith.constant 256 : index
    %swap3A_164 = tpu.vector_load %arg9[%swap3A_163] {strides = array<i32>} : memref<512xf32, #tpu.memory_space<vmem>>, vector<16xf32>,
    tpu.vector_store %arg9[%swap3A_163], %broadcast_in_dim3A_3 {strides = array<i32>} : memref<512xf32, #tpu.memory_space<vmem>>, vector<16xf32>,
    %swap3A_165 = arith.constant 272 : index
    %swap3A_166 = tpu.vector_load %arg9[%swap3A_165] {strides = array<i32>} : memref<512xf32, #tpu.memory_space<vmem>>, vector<16xf32>,
    tpu.vector_store %arg9[%swap3A_165], %broadcast_in_dim3A_3 {strides = array<i32>} : memref<512xf32, #tpu.memory_space<vmem>>, vector<16xf32>,
    %swap3A_167 = arith.constant 288 : index
    %swap3A_168 = tpu.vector_load %arg9[%swap3A_167] {strides = array<i32>} : memref<512xf32, #tpu.memory_space<vmem>>, vector<16xf32>,
    tpu.vector_store %arg9[%swap3A_167], %broadcast_in_dim3A_3 {strides = array<i32>} : memref<512xf32, #tpu.memory_space<vmem>>, vector<16xf32>,
    %swap3A_169 = arith.constant 304 : index
    %swap3A_170 = tpu.vector_load %arg9[%swap3A_169] {strides = array<i32>} : memref<512xf32, #tpu.memory_space<vmem>>, vector<16xf32>,
    tpu.vector_store %arg9[%swap3A_169], %broadcast_in_dim3A_3 {strides = array<i32>} : memref<512xf32, #tpu.memory_space<vmem>>, vector<16xf32>,
    %swap3A_171 = arith.constant 320 : index
    %swap3A_172 = tpu.vector_load %arg9[%swap3A_171] {strides = array<i32>} : memref<512xf32, #tpu.memory_space<vmem>>, vector<16xf32>,
    tpu.vector_store %arg9[%swap3A_171], %broadcast_in_dim3A_3 {strides = array<i32>} : memref<512xf32, #tpu.memory_space<vmem>>, vector<16xf32>,
    %swap3A_173 = arith.constant 336 : index
    %swap3A_174 = tpu.vector_load %arg9[%swap3A_173] {strides = array<i32>} : memref<512xf32, #tpu.memory_space<vmem>>, vector<16xf32>,
    tpu.vector_store %arg9[%swap3A_173], %broadcast_in_dim3A_3 {strides = array<i32>} : memref<512xf32, #tpu.memory_space<vmem>>, vector<16xf32>,
    %swap3A_175 = arith.constant 352 : index
    %swap3A_176 = tpu.vector_load %arg9[%swap3A_175] {strides = array<i32>} : memref<512xf32, #tpu.memory_space<vmem>>, vector<16xf32>,
    tpu.vector_store %arg9[%swap3A_175], %broadcast_in_dim3A_3 {strides = array<i32>} : memref<512xf32, #tpu.memory_space<vmem>>, vector<16xf32>,
    %swap3A_177 = arith.constant 368 : index
    %swap3A_178 = tpu.vector_load %arg9[%swap3A_177] {strides = array<i32>} : memref<512xf32, #tpu.memory_space<vmem>>, vector<16xf32>,
    tpu.vector_store %arg9[%swap3A_177], %broadcast_in_dim3A_3 {strides = array<i32>} : memref<512xf32, #tpu.memory_space<vmem>>, vector<16xf32>,
    %swap3A_179 = arith.constant 384 : index
    %swap3A_180 = tpu.vector_load %arg9[%swap3A_179] {strides = array<i32>} : memref<512xf32, #tpu.memory_space<vmem>>, vector<16xf32>,
    tpu.vector_store %arg9[%swap3A_179], %broadcast_in_dim3A_3 {strides = array<i32>} : memref<512xf32, #tpu.memory_space<vmem>>, vector<16xf32>,
    %swap3A_181 = arith.constant 400 : index
    %swap3A_182 = tpu.vector_load %arg9[%swap3A_181] {strides = array<i32>} : memref<512xf32, #tpu.memory_space<vmem>>, vector<16xf32>,
    tpu.vector_store %arg9[%swap3A_181], %broadcast_in_dim3A_3 {strides = array<i32>} : memref<512xf32, #tpu.memory_space<vmem>>, vector<16xf32>,
    %swap3A_183 = arith.constant 416 : index
    %swap3A_184 = tpu.vector_load %arg9[%swap3A_183] {strides = array<i32>} : memref<512xf32, #tpu.memory_space<vmem>>, vector<16xf32>,
    tpu.vector_store %arg9[%swap3A_183], %broadcast_in_dim3A_3 {strides = array<i32>} : memref<512xf32, #tpu.memory_space<vmem>>, vector<16xf32>,
    %swap3A_185 = arith.constant 432 : index
    %swap3A_186 = tpu.vector_load %arg9[%swap3A_185] {strides = array<i32>} : memref<512xf32, #tpu.memory_space<vmem>>, vector<16xf32>,
    tpu.vector_store %arg9[%swap3A_185], %broadcast_in_dim3A_3 {strides = array<i32>} : memref<512xf32, #tpu.memory_space<vmem>>, vector<16xf32>,
    %swap3A_187 = arith.constant 448 : index
    %swap3A_188 = tpu.vector_load %arg9[%swap3A_187] {strides = array<i32>} : memref<512xf32, #tpu.memory_space<vmem>>, vector<16xf32>,
    tpu.vector_store %arg9[%swap3A_187], %broadcast_in_dim3A_3 {strides = array<i32>} : memref<512xf32, #tpu.memory_space<vmem>>, vector<16xf32>,
    %swap3A_189 = arith.constant 464 : index
    %swap3A_190 = tpu.vector_load %arg9[%swap3A_189] {strides = array<i32>} : memref<512xf32, #tpu.memory_space<vmem>>, vector<16xf32>,
    tpu.vector_store %arg9[%swap3A_189], %broadcast_in_dim3A_3 {strides = array<i32>} : memref<512xf32, #tpu.memory_space<vmem>>, vector<16xf32>,
    %swap3A_191 = arith.constant 480 : index
    %swap3A_192 = tpu.vector_load %arg9[%swap3A_191] {strides = array<i32>} : memref<512xf32, #tpu.memory_space<vmem>>, vector<16xf32>,
    tpu.vector_store %arg9[%swap3A_191], %broadcast_in_dim3A_3 {strides = array<i32>} : memref<512xf32, #tpu.memory_space<vmem>>, vector<16xf32>,
    %swap3A_193 = arith.constant 496 : index
    %swap3A_194 = tpu.vector_load %arg9[%swap3A_193] {strides = array<i32>} : memref<512xf32, #tpu.memory_space<vmem>>, vector<16xf32>,
    tpu.vector_store %arg9[%swap3A_193], %broadcast_in_dim3A_3 {strides = array<i32>} : memref<512xf32, #tpu.memory_space<vmem>>, vector<16xf32>,
    %swap3A_195 = arith.constant 0 : index
    %swap3A_196 = tpu.vector_load %arg10[%swap3A_195] {strides = array<i32>} : memref<512xf32, #tpu.memory_space<vmem>>, vector<16xf32>,
    tpu.vector_store %arg10[%swap3A_195], %broadcast_in_dim3A_3 {strides = array<i32>} : memref<512xf32, #tpu.memory_space<vmem>>, vector<16xf32>,
    %swap3A_197 = arith.constant 16 : index
    %swap3A_198 = tpu.vector_load %arg10[%swap3A_197] {strides = array<i32>} : memref<512xf32, #tpu.memory_space<vmem>>, vector<16xf32>,
    tpu.vector_store %arg10[%swap3A_197], %broadcast_in_dim3A_3 {strides = array<i32>} : memref<512xf32, #tpu.memory_space<vmem>>, vector<16xf32>,
    %swap3A_199 = arith.constant 32 : index
    %swap3A_200 = tpu.vector_load %arg10[%swap3A_199] {strides = array<i32>} : memref<512xf32, #tpu.memory_space<vmem>>, vector<16xf32>,
    tpu.vector_store %arg10[%swap3A_199], %broadcast_in_dim3A_3 {strides = array<i32>} : memref<512xf32, #tpu.memory_space<vmem>>, vector<16xf32>,
    %swap3A_201 = arith.constant 48 : index
    %swap3A_202 = tpu.vector_load %arg10[%swap3A_201] {strides = array<i32>} : memref<512xf32, #tpu.memory_space<vmem>>, vector<16xf32>,
    tpu.vector_store %arg10[%swap3A_201], %broadcast_in_dim3A_3 {strides = array<i32>} : memref<512xf32, #tpu.memory_space<vmem>>, vector<16xf32>,
    %swap3A_203 = arith.constant 64 : index
    %swap3A_204 = tpu.vector_load %arg10[%swap3A_203] {strides = array<i32>} : memref<512xf32, #tpu.memory_space<vmem>>, vector<16xf32>,
    tpu.vector_store %arg10[%swap3A_203], %broadcast_in_dim3A_3 {strides = array<i32>} : memref<512xf32, #tpu.memory_space<vmem>>, vector<16xf32>,
    %swap3A_205 = arith.constant 80 : index
    %swap3A_206 = tpu.vector_load %arg10[%swap3A_205] {strides = array<i32>} : memref<512xf32, #tpu.memory_space<vmem>>, vector<16xf32>,
    tpu.vector_store %arg10[%swap3A_205], %broadcast_in_dim3A_3 {strides = array<i32>} : memref<512xf32, #tpu.memory_space<vmem>>, vector<16xf32>,
    %swap3A_207 = arith.constant 96 : index
    %swap3A_208 = tpu.vector_load %arg10[%swap3A_207] {strides = array<i32>} : memref<512xf32, #tpu.memory_space<vmem>>, vector<16xf32>,
    tpu.vector_store %arg10[%swap3A_207], %broadcast_in_dim3A_3 {strides = array<i32>} : memref<512xf32, #tpu.memory_space<vmem>>, vector<16xf32>,
    %swap3A_209 = arith.constant 112 : index
    %swap3A_210 = tpu.vector_load %arg10[%swap3A_209] {strides = array<i32>} : memref<512xf32, #tpu.memory_space<vmem>>, vector<16xf32>,
    tpu.vector_store %arg10[%swap3A_209], %broadcast_in_dim3A_3 {strides = array<i32>} : memref<512xf32, #tpu.memory_space<vmem>>, vector<16xf32>,
    %swap3A_211 = arith.constant 128 : index
    %swap3A_212 = tpu.vector_load %arg10[%swap3A_211] {strides = array<i32>} : memref<512xf32, #tpu.memory_space<vmem>>, vector<16xf32>,
    tpu.vector_store %arg10[%swap3A_211], %broadcast_in_dim3A_3 {strides = array<i32>} : memref<512xf32, #tpu.memory_space<vmem>>, vector<16xf32>,
    %swap3A_213 = arith.constant 144 : index
    %swap3A_214 = tpu.vector_load %arg10[%swap3A_213] {strides = array<i32>} : memref<512xf32, #tpu.memory_space<vmem>>, vector<16xf32>,
    tpu.vector_store %arg10[%swap3A_213], %broadcast_in_dim3A_3 {strides = array<i32>} : memref<512xf32, #tpu.memory_space<vmem>>, vector<16xf32>,
    %swap3A_215 = arith.constant 160 : index
    %swap3A_216 = tpu.vector_load %arg10[%swap3A_215] {strides = array<i32>} : memref<512xf32, #tpu.memory_space<vmem>>, vector<16xf32>,
    tpu.vector_store %arg10[%swap3A_215], %broadcast_in_dim3A_3 {strides = array<i32>} : memref<512xf32, #tpu.memory_space<vmem>>, vector<16xf32>,
    %swap3A_217 = arith.constant 176 : index
    %swap3A_218 = tpu.vector_load %arg10[%swap3A_217] {strides = array<i32>} : memref<512xf32, #tpu.memory_space<vmem>>, vector<16xf32>,
    tpu.vector_store %arg10[%swap3A_217], %broadcast_in_dim3A_3 {strides = array<i32>} : memref<512xf32, #tpu.memory_space<vmem>>, vector<16xf32>,
    %swap3A_219 = arith.constant 192 : index
    %swap3A_220 = tpu.vector_load %arg10[%swap3A_219] {strides = array<i32>} : memref<512xf32, #tpu.memory_space<vmem>>, vector<16xf32>,
    tpu.vector_store %arg10[%swap3A_219], %broadcast_in_dim3A_3 {strides = array<i32>} : memref<512xf32, #tpu.memory_space<vmem>>, vector<16xf32>,
    %swap3A_221 = arith.constant 208 : index
    %swap3A_222 = tpu.vector_load %arg10[%swap3A_221] {strides = array<i32>} : memref<512xf32, #tpu.memory_space<vmem>>, vector<16xf32>,
    tpu.vector_store %arg10[%swap3A_221], %broadcast_in_dim3A_3 {strides = array<i32>} : memref<512xf32, #tpu.memory_space<vmem>>, vector<16xf32>,
    %swap3A_223 = arith.constant 224 : index
    %swap3A_224 = tpu.vector_load %arg10[%swap3A_223] {strides = array<i32>} : memref<512xf32, #tpu.memory_space<vmem>>, vector<16xf32>,
    tpu.vector_store %arg10[%swap3A_223], %broadcast_in_dim3A_3 {strides = array<i32>} : memref<512xf32, #tpu.memory_space<vmem>>, vector<16xf32>,
    %swap3A_225 = arith.constant 240 : index
    %swap3A_226 = tpu.vector_load %arg10[%swap3A_225] {strides = array<i32>} : memref<512xf32, #tpu.memory_space<vmem>>, vector<16xf32>,
    tpu.vector_store %arg10[%swap3A_225], %broadcast_in_dim3A_3 {strides = array<i32>} : memref<512xf32, #tpu.memory_space<vmem>>, vector<16xf32>,
    %swap3A_227 = arith.constant 256 : index
    %swap3A_228 = tpu.vector_load %arg10[%swap3A_227] {strides = array<i32>} : memref<512xf32, #tpu.memory_space<vmem>>, vector<16xf32>,
    tpu.vector_store %arg10[%swap3A_227], %broadcast_in_dim3A_3 {strides = array<i32>} : memref<512xf32, #tpu.memory_space<vmem>>, vector<16xf32>,
    %swap3A_229 = arith.constant 272 : index
    %swap3A_230 = tpu.vector_load %arg10[%swap3A_229] {strides = array<i32>} : memref<512xf32, #tpu.memory_space<vmem>>, vector<16xf32>,
    tpu.vector_store %arg10[%swap3A_229], %broadcast_in_dim3A_3 {strides = array<i32>} : memref<512xf32, #tpu.memory_space<vmem>>, vector<16xf32>,
    %swap3A_231 = arith.constant 288 : index
    %swap3A_232 = tpu.vector_load %arg10[%swap3A_231] {strides = array<i32>} : memref<512xf32, #tpu.memory_space<vmem>>, vector<16xf32>,
    tpu.vector_store %arg10[%swap3A_231], %broadcast_in_dim3A_3 {strides = array<i32>} : memref<512xf32, #tpu.memory_space<vmem>>, vector<16xf32>,
    %swap3A_233 = arith.constant 304 : index
    %swap3A_234 = tpu.vector_load %arg10[%swap3A_233] {strides = array<i32>} : memref<512xf32, #tpu.memory_space<vmem>>, vector<16xf32>,
    tpu.vector_store %arg10[%swap3A_233], %broadcast_in_dim3A_3 {strides = array<i32>} : memref<512xf32, #tpu.memory_space<vmem>>, vector<16xf32>,
    %swap3A_235 = arith.constant 320 : index
    %swap3A_236 = tpu.vector_load %arg10[%swap3A_235] {strides = array<i32>} : memref<512xf32, #tpu.memory_space<vmem>>, vector<16xf32>,
    tpu.vector_store %arg10[%swap3A_235], %broadcast_in_dim3A_3 {strides = array<i32>} : memref<512xf32, #tpu.memory_space<vmem>>, vector<16xf32>,
    %swap3A_237 = arith.constant 336 : index
    %swap3A_238 = tpu.vector_load %arg10[%swap3A_237] {strides = array<i32>} : memref<512xf32, #tpu.memory_space<vmem>>, vector<16xf32>,
    tpu.vector_store %arg10[%swap3A_237], %broadcast_in_dim3A_3 {strides = array<i32>} : memref<512xf32, #tpu.memory_space<vmem>>, vector<16xf32>,
    %swap3A_239 = arith.constant 352 : index
    %swap3A_240 = tpu.vector_load %arg10[%swap3A_239] {strides = array<i32>} : memref<512xf32, #tpu.memory_space<vmem>>, vector<16xf32>,
    tpu.vector_store %arg10[%swap3A_239], %broadcast_in_dim3A_3 {strides = array<i32>} : memref<512xf32, #tpu.memory_space<vmem>>, vector<16xf32>,
    %swap3A_241 = arith.constant 368 : index
    %swap3A_242 = tpu.vector_load %arg10[%swap3A_241] {strides = array<i32>} : memref<512xf32, #tpu.memory_space<vmem>>, vector<16xf32>,
    tpu.vector_store %arg10[%swap3A_241], %broadcast_in_dim3A_3 {strides = array<i32>} : memref<512xf32, #tpu.memory_space<vmem>>, vector<16xf32>,
    %swap3A_243 = arith.constant 384 : index
    %swap3A_244 = tpu.vector_load %arg10[%swap3A_243] {strides = array<i32>} : memref<512xf32, #tpu.memory_space<vmem>>, vector<16xf32>,
    tpu.vector_store %arg10[%swap3A_243], %broadcast_in_dim3A_3 {strides = array<i32>} : memref<512xf32, #tpu.memory_space<vmem>>, vector<16xf32>,
    %swap3A_245 = arith.constant 400 : index
    %swap3A_246 = tpu.vector_load %arg10[%swap3A_245] {strides = array<i32>} : memref<512xf32, #tpu.memory_space<vmem>>, vector<16xf32>,
    tpu.vector_store %arg10[%swap3A_245], %broadcast_in_dim3A_3 {strides = array<i32>} : memref<512xf32, #tpu.memory_space<vmem>>, vector<16xf32>,
    %swap3A_247 = arith.constant 416 : index
    %swap3A_248 = tpu.vector_load %arg10[%swap3A_247] {strides = array<i32>} : memref<512xf32, #tpu.memory_space<vmem>>, vector<16xf32>,
    tpu.vector_store %arg10[%swap3A_247], %broadcast_in_dim3A_3 {strides = array<i32>} : memref<512xf32, #tpu.memory_space<vmem>>, vector<16xf32>,
    %swap3A_249 = arith.constant 432 : index
    %swap3A_250 = tpu.vector_load %arg10[%swap3A_249] {strides = array<i32>} : memref<512xf32, #tpu.memory_space<vmem>>, vector<16xf32>,
    tpu.vector_store %arg10[%swap3A_249], %broadcast_in_dim3A_3 {strides = array<i32>} : memref<512xf32, #tpu.memory_space<vmem>>, vector<16xf32>,
    %swap3A_251 = arith.constant 448 : index
    %swap3A_252 = tpu.vector_load %arg10[%swap3A_251] {strides = array<i32>} : memref<512xf32, #tpu.memory_space<vmem>>, vector<16xf32>,
    tpu.vector_store %arg10[%swap3A_251], %broadcast_in_dim3A_3 {strides = array<i32>} : memref<512xf32, #tpu.memory_space<vmem>>, vector<16xf32>,
    %swap3A_253 = arith.constant 464 : index
    %swap3A_254 = tpu.vector_load %arg10[%swap3A_253] {strides = array<i32>} : memref<512xf32, #tpu.memory_space<vmem>>, vector<16xf32>,
    tpu.vector_store %arg10[%swap3A_253], %broadcast_in_dim3A_3 {strides = array<i32>} : memref<512xf32, #tpu.memory_space<vmem>>, vector<16xf32>,
    %swap3A_255 = arith.constant 480 : index
    %swap3A_256 = tpu.vector_load %arg10[%swap3A_255] {strides = array<i32>} : memref<512xf32, #tpu.memory_space<vmem>>, vector<16xf32>,
    tpu.vector_store %arg10[%swap3A_255], %broadcast_in_dim3A_3 {strides = array<i32>} : memref<512xf32, #tpu.memory_space<vmem>>, vector<16xf32>,
    %swap3A_257 = arith.constant 496 : index
    %swap3A_258 = tpu.vector_load %arg10[%swap3A_257] {strides = array<i32>} : memref<512xf32, #tpu.memory_space<vmem>>, vector<16xf32>,
    tpu.vector_store %arg10[%swap3A_257], %broadcast_in_dim3A_3 {strides = array<i32>} : memref<512xf32, #tpu.memory_space<vmem>>, vector<16xf32>,
    %iota3A = tpu.iota {dimensions = array<i32: 0>} : vector<16xi32>
    %mul3A_259 = arith.constant 32 : i32
    %mul3A_260 = vector.broadcast %mul3A_259 : i32 to vector<16xi32>
    %mul3A_261 = arith.muli %iota3A, %mul3A_260 : vector<16xi32>
    %broadcast_in_dim3A_262 = arith.constant 1.000000e+00 : f32
    %broadcast_in_dim3A_263 = vector.broadcast %broadcast_in_dim3A_262 : f32 to vector<16xf32>
    %add3A_264 = arith.constant 0 : i32
    %add3A_265 = arith.addi %mul3A_2, %add3A_264 : i32
    %dma_start3A = arith.constant 0 : i32
    %dma_start3A_266 = arith.constant 0 : i32
    %dma_start3A_267 = tpu.memref_slice %arg5[%dma_start3A, %dma_start3A_266] : memref<2x16384xi32, #tpu.memory_space<vmem>> -> memref<1x16384xi32, #tpu.memory_space<vmem>>
    %dma_start3A_268 = tpu.memref_squeeze %dma_start3A_267 : memref<1x16384xi32, #tpu.memory_space<vmem>> -> memref<16384xi32, #tpu.memory_space<vmem>>
    %dma_start3A_269 = tpu.memref_slice %arg2[%add3A_265] : memref<1048576xi32, #tpu.memory_space<hbm>> -> memref<16384xi32, #tpu.memory_space<hbm>>
    %dma_start3A_270 = arith.constant 0 : i32
    %dma_start3A_271 = tpu.memref_slice %arg5[%dma_start3A, %dma_start3A_270] : memref<2x16384xi32, #tpu.memory_space<vmem>> -> memref<1x16384xi32, #tpu.memory_space<vmem>>
    %dma_start3A_272 = tpu.memref_squeeze %dma_start3A_271 : memref<1x16384xi32, #tpu.memory_space<vmem>> -> memref<16384xi32, #tpu.memory_space<vmem>>
    %dma_start3A_273 = tpu.memref_slice %arg2[%add3A_265] : memref<1048576xi32, #tpu.memory_space<hbm>> -> memref<16384xi32, #tpu.memory_space<hbm>>
    tpu.enqueue_dma source(%dma_start3A_273 : memref<16384xi32, #tpu.memory_space<hbm>>) target(%dma_start3A_272 : memref<16384xi32, #tpu.memory_space<vmem>>) target_semaphore(%arg12 : memref<!tpu.dma_semaphore, #tpu.memory_space<semaphore_mem>>)
    %add3A_274 = arith.constant 0 : i32
    %add3A_275 = arith.addi %mul3A_2, %add3A_274 : i32
    %dma_start3A_276 = arith.constant 0 : i32
    %dma_start3A_277 = arith.constant 0 : i32
    %dma_start3A_278 = tpu.memref_slice %arg6[%dma_start3A_276, %dma_start3A_277] : memref<2x16384xi32, #tpu.memory_space<vmem>> -> memref<1x16384xi32, #tpu.memory_space<vmem>>
    %dma_start3A_279 = tpu.memref_squeeze %dma_start3A_278 : memref<1x16384xi32, #tpu.memory_space<vmem>> -> memref<16384xi32, #tpu.memory_space<vmem>>
    %dma_start3A_280 = tpu.memref_slice %arg3[%add3A_275] : memref<1048576xi32, #tpu.memory_space<hbm>> -> memref<16384xi32, #tpu.memory_space<hbm>>
    %dma_start3A_281 = arith.constant 0 : i32
    %dma_start3A_282 = tpu.memref_slice %arg6[%dma_start3A_276, %dma_start3A_281] : memref<2x16384xi32, #tpu.memory_space<vmem>> -> memref<1x16384xi32, #tpu.memory_space<vmem>>
    %dma_start3A_283 = tpu.memref_squeeze %dma_start3A_282 : memref<1x16384xi32, #tpu.memory_space<vmem>> -> memref<16384xi32, #tpu.memory_space<vmem>>
    %dma_start3A_284 = tpu.memref_slice %arg3[%add3A_275] : memref<1048576xi32, #tpu.memory_space<hbm>> -> memref<16384xi32, #tpu.memory_space<hbm>>
    tpu.enqueue_dma source(%dma_start3A_284 : memref<16384xi32, #tpu.memory_space<hbm>>) target(%dma_start3A_283 : memref<16384xi32, #tpu.memory_space<vmem>>) target_semaphore(%arg14 : memref<!tpu.dma_semaphore, #tpu.memory_space<semaphore_mem>>)
    %add3A_285 = arith.constant 16384 : i32
    %add3A_286 = arith.addi %mul3A_2, %add3A_285 : i32
    %dma_start3A_287 = arith.constant 1 : i32
    %dma_start3A_288 = arith.constant 0 : i32
    %dma_start3A_289 = tpu.memref_slice %arg5[%dma_start3A_287, %dma_start3A_288] : memref<2x16384xi32, #tpu.memory_space<vmem>> -> memref<1x16384xi32, #tpu.memory_space<vmem>>
    %dma_start3A_290 = tpu.memref_squeeze %dma_start3A_289 : memref<1x16384xi32, #tpu.memory_space<vmem>> -> memref<16384xi32, #tpu.memory_space<vmem>>
    %dma_start3A_291 = tpu.memref_slice %arg2[%add3A_286] : memref<1048576xi32, #tpu.memory_space<hbm>> -> memref<16384xi32, #tpu.memory_space<hbm>>
    %dma_start3A_292 = arith.constant 0 : i32
    %dma_start3A_293 = tpu.memref_slice %arg5[%dma_start3A_287, %dma_start3A_292] : memref<2x16384xi32, #tpu.memory_space<vmem>> -> memref<1x16384xi32, #tpu.memory_space<vmem>>
    %dma_start3A_294 = tpu.memref_squeeze %dma_start3A_293 : memref<1x16384xi32, #tpu.memory_space<vmem>> -> memref<16384xi32, #tpu.memory_space<vmem>>
    %dma_start3A_295 = tpu.memref_slice %arg2[%add3A_286] : memref<1048576xi32, #tpu.memory_space<hbm>> -> memref<16384xi32, #tpu.memory_space<hbm>>
    tpu.enqueue_dma source(%dma_start3A_295 : memref<16384xi32, #tpu.memory_space<hbm>>) target(%dma_start3A_294 : memref<16384xi32, #tpu.memory_space<vmem>>) target_semaphore(%arg13 : memref<!tpu.dma_semaphore, #tpu.memory_space<semaphore_mem>>)
    %add3A_296 = arith.constant 16384 : i32
    %add3A_297 = arith.addi %mul3A_2, %add3A_296 : i32
    %dma_start3A_298 = arith.constant 1 : i32
    %dma_start3A_299 = arith.constant 0 : i32
    %dma_start3A_300 = tpu.memref_slice %arg6[%dma_start3A_298, %dma_start3A_299] : memref<2x16384xi32, #tpu.memory_space<vmem>> -> memref<1x16384xi32, #tpu.memory_space<vmem>>
    %dma_start3A_301 = tpu.memref_squeeze %dma_start3A_300 : memref<1x16384xi32, #tpu.memory_space<vmem>> -> memref<16384xi32, #tpu.memory_space<vmem>>
    %dma_start3A_302 = tpu.memref_slice %arg3[%add3A_297] : memref<1048576xi32, #tpu.memory_space<hbm>> -> memref<16384xi32, #tpu.memory_space<hbm>>
    %dma_start3A_303 = arith.constant 0 : i32
    %dma_start3A_304 = tpu.memref_slice %arg6[%dma_start3A_298, %dma_start3A_303] : memref<2x16384xi32, #tpu.memory_space<vmem>> -> memref<1x16384xi32, #tpu.memory_space<vmem>>
    %dma_start3A_305 = tpu.memref_squeeze %dma_start3A_304 : memref<1x16384xi32, #tpu.memory_space<vmem>> -> memref<16384xi32, #tpu.memory_space<vmem>>
    %dma_start3A_306 = tpu.memref_slice %arg3[%add3A_297] : memref<1048576xi32, #tpu.memory_space<hbm>> -> memref<16384xi32, #tpu.memory_space<hbm>>
    tpu.enqueue_dma source(%dma_start3A_306 : memref<16384xi32, #tpu.memory_space<hbm>>) target(%dma_start3A_305 : memref<16384xi32, #tpu.memory_space<vmem>>) target_semaphore(%arg15 : memref<!tpu.dma_semaphore, #tpu.memory_space<semaphore_mem>>)
    %dma_wait3A = arith.constant 0 : i32
    %dma_wait3A_307 = arith.constant 0 : i32
    %dma_wait3A_308 = tpu.memref_slice %arg5[%dma_wait3A, %dma_wait3A_307] : memref<2x16384xi32, #tpu.memory_space<vmem>> -> memref<1x16384xi32, #tpu.memory_space<vmem>>
    %dma_wait3A_309 = tpu.memref_squeeze %dma_wait3A_308 : memref<1x16384xi32, #tpu.memory_space<vmem>> -> memref<16384xi32, #tpu.memory_space<vmem>>
    %dma_wait3A_310 = tpu.memref_slice %arg2[%add3A_265] : memref<1048576xi32, #tpu.memory_space<hbm>> -> memref<16384xi32, #tpu.memory_space<hbm>>
    %dma_wait3A_311 = arith.constant 0 : i32
    %dma_wait3A_312 = tpu.memref_slice %arg5[%dma_wait3A, %dma_wait3A_311] : memref<2x16384xi32, #tpu.memory_space<vmem>> -> memref<1x16384xi32, #tpu.memory_space<vmem>>
    %dma_wait3A_313 = tpu.memref_squeeze %dma_wait3A_312 : memref<1x16384xi32, #tpu.memory_space<vmem>> -> memref<16384xi32, #tpu.memory_space<vmem>>
    %dma_wait3A_314 = tpu.memref_slice %arg2[%add3A_265] : memref<1048576xi32, #tpu.memory_space<hbm>> -> memref<16384xi32, #tpu.memory_space<hbm>>
    tpu.wait_dma2 semaphore(%arg12 : memref<!tpu.dma_semaphore, #tpu.memory_space<semaphore_mem>>) src(%dma_wait3A_314 : memref<16384xi32, #tpu.memory_space<hbm>>) dst(%dma_wait3A_313 : memref<16384xi32, #tpu.memory_space<vmem>>)
    %dma_wait3A_315 = arith.constant 0 : i32
    %dma_wait3A_316 = arith.constant 0 : i32
    %dma_wait3A_317 = tpu.memref_slice %arg6[%dma_wait3A_315, %dma_wait3A_316] : memref<2x16384xi32, #tpu.memory_space<vmem>> -> memref<1x16384xi32, #tpu.memory_space<vmem>>
    %dma_wait3A_318 = tpu.memref_squeeze %dma_wait3A_317 : memref<1x16384xi32, #tpu.memory_space<vmem>> -> memref<16384xi32, #tpu.memory_space<vmem>>
    %dma_wait3A_319 = tpu.memref_slice %arg3[%add3A_275] : memref<1048576xi32, #tpu.memory_space<hbm>> -> memref<16384xi32, #tpu.memory_space<hbm>>
    %dma_wait3A_320 = arith.constant 0 : i32
    %dma_wait3A_321 = tpu.memref_slice %arg6[%dma_wait3A_315, %dma_wait3A_320] : memref<2x16384xi32, #tpu.memory_space<vmem>> -> memref<1x16384xi32, #tpu.memory_space<vmem>>
    %dma_wait3A_322 = tpu.memref_squeeze %dma_wait3A_321 : memref<1x16384xi32, #tpu.memory_space<vmem>> -> memref<16384xi32, #tpu.memory_space<vmem>>
    %dma_wait3A_323 = tpu.memref_slice %arg3[%add3A_275] : memref<1048576xi32, #tpu.memory_space<hbm>> -> memref<16384xi32, #tpu.memory_space<hbm>>
    tpu.wait_dma2 semaphore(%arg14 : memref<!tpu.dma_semaphore, #tpu.memory_space<semaphore_mem>>) src(%dma_wait3A_323 : memref<16384xi32, #tpu.memory_space<hbm>>) dst(%dma_wait3A_322 : memref<16384xi32, #tpu.memory_space<vmem>>)
    %scan3A = arith.constant 0 : i32
    %scan3A_324 = arith.constant 128 : i32
    %scan3A_325 = arith.addi %scan3A, %scan3A_324 : i32
    %scan3A_326 = arith.constant 1 : i32
    %scan3A_327:20 = scf.for %scan3A_800 = %scan3A to %scan3A_325 step %scan3A_326 iter_args(%scan3A_801 = %broadcast_in_dim3A_3, %scan3A_802 = %broadcast_in_dim3A_3, %scan3A_803 = %broadcast_in_dim3A_3, %scan3A_804 = %broadcast_in_dim3A_3, %scan3A_805 = %broadcast_in_dim3A_3, %scan3A_806 = %broadcast_in_dim3A_3, %scan3A_807 = %broadcast_in_dim3A_3, %scan3A_808 = %broadcast_in_dim3A_3, %scan3A_809 = %broadcast_in_dim3A_3, %scan3A_810 = %broadcast_in_dim3A_3, %scan3A_811 = %broadcast_in_dim3A_3, %scan3A_812 = %broadcast_in_dim3A_3, %scan3A_813 = %broadcast_in_dim3A_3, %scan3A_814 = %broadcast_in_dim3A_3, %scan3A_815 = %broadcast_in_dim3A_3, %scan3A_816 = %broadcast_in_dim3A_3, %scan3A_817 = %broadcast_in_dim3A_3, %scan3A_818 = %broadcast_in_dim3A_3, %scan3A_819 = %broadcast_in_dim3A_3, %scan3A_820 = %broadcast_in_dim3A_3) -> (vector<16xf32>, vector<16xf32>, vector<16xf32>, vector<16xf32>, vector<16xf32>, vector<16xf32>, vector<16xf32>, vector<16xf32>, vector<16xf32>, vector<16xf32>, vector<16xf32>, vector<16xf32>, vector<16xf32>, vector<16xf32>, vector<16xf32>, vector<16xf32>, vector<16xf32>, vector<16xf32>, vector<16xf32>, vector<16xf32>)  : i32 {
      %mul3A_821 = arith.constant 128 : i32
      %mul3A_822 = arith.muli %scan3A_800, %mul3A_821 : i32
      %multiple_of3A = tpu.assume_multiple %mul3A_822, 128 : i32
      %add3A_823 = arith.constant 0 : i32
      %add3A_824 = arith.addi %multiple_of3A, %add3A_823 : i32
      %get3A_825 = arith.constant 0 : i32
      %get3A_826 = arith.index_cast %get3A_825 : i32 to index
      %get3A_827 = arith.index_cast %add3A_824 : i32 to index
      %get3A_828 = tpu.vector_load %arg5[%get3A_826, %get3A_827] {strides = array<i32>} : memref<2x16384xi32, #tpu.memory_space<vmem>>, vector<16xi32>,
      %add3A_829 = arith.constant 0 : i32
      %add3A_830 = arith.addi %multiple_of3A, %add3A_829 : i32
      %get3A_831 = arith.constant 0 : i32
      %get3A_832 = arith.index_cast %get3A_831 : i32 to index
      %get3A_833 = arith.index_cast %add3A_830 : i32 to index
      %get3A_834 = tpu.vector_load %arg6[%get3A_832, %get3A_833] {strides = array<i32>} : memref<2x16384xi32, #tpu.memory_space<vmem>>, vector<16xi32>,
      %add3A_835 = arith.addi %mul3A_261, %get3A_828 : vector<16xi32>
      %eq3A = arith.cmpi eq, %get3A_828, %get3A_834 : vector<16xi32>
      tpu.vector_store_idx %arg7[%add3A_835], %broadcast_in_dim3A_263 masked %eq3A {add = true} : memref<512xf32, #tpu.memory_space<vmem>>[vector<16xi32>], vector<16xf32>, vector<16xi1>
      %add3A_836 = arith.constant 16 : i32
      %add3A_837 = arith.addi %multiple_of3A, %add3A_836 : i32
      %get3A_838 = arith.constant 0 : i32
      %get3A_839 = arith.index_cast %get3A_838 : i32 to index
      %get3A_840 = arith.index_cast %add3A_837 : i32 to index
      %get3A_841 = tpu.vector_load %arg5[%get3A_839, %get3A_840] {strides = array<i32>} : memref<2x16384xi32, #tpu.memory_space<vmem>>, vector<16xi32>,
      %add3A_842 = arith.constant 16 : i32
      %add3A_843 = arith.addi %multiple_of3A, %add3A_842 : i32
      %get3A_844 = arith.constant 0 : i32
      %get3A_845 = arith.index_cast %get3A_844 : i32 to index
      %get3A_846 = arith.index_cast %add3A_843 : i32 to index
      %get3A_847 = tpu.vector_load %arg6[%get3A_845, %get3A_846] {strides = array<i32>} : memref<2x16384xi32, #tpu.memory_space<vmem>>, vector<16xi32>,
      %add3A_848 = arith.addi %mul3A_261, %get3A_841 : vector<16xi32>
      %eq3A_849 = arith.cmpi eq, %get3A_841, %get3A_847 : vector<16xi32>
      tpu.vector_store_idx %arg8[%add3A_848], %broadcast_in_dim3A_263 masked %eq3A_849 {add = true} : memref<512xf32, #tpu.memory_space<vmem>>[vector<16xi32>], vector<16xf32>, vector<16xi1>
      %add3A_850 = arith.constant 32 : i32
      %add3A_851 = arith.addi %multiple_of3A, %add3A_850 : i32
      %get3A_852 = arith.constant 0 : i32
      %get3A_853 = arith.index_cast %get3A_852 : i32 to index
      %get3A_854 = arith.index_cast %add3A_851 : i32 to index
      %get3A_855 = tpu.vector_load %arg5[%get3A_853, %get3A_854] {strides = array<i32>} : memref<2x16384xi32, #tpu.memory_space<vmem>>, vector<16xi32>,
      %add3A_856 = arith.constant 32 : i32
      %add3A_857 = arith.addi %multiple_of3A, %add3A_856 : i32
      %get3A_858 = arith.constant 0 : i32
      %get3A_859 = arith.index_cast %get3A_858 : i32 to index
      %get3A_860 = arith.index_cast %add3A_857 : i32 to index
      %get3A_861 = tpu.vector_load %arg6[%get3A_859, %get3A_860] {strides = array<i32>} : memref<2x16384xi32, #tpu.memory_space<vmem>>, vector<16xi32>,
      %add3A_862 = arith.addi %mul3A_261, %get3A_855 : vector<16xi32>
      %eq3A_863 = arith.cmpi eq, %get3A_855, %get3A_861 : vector<16xi32>
      tpu.vector_store_idx %arg9[%add3A_862], %broadcast_in_dim3A_263 masked %eq3A_863 {add = true} : memref<512xf32, #tpu.memory_space<vmem>>[vector<16xi32>], vector<16xf32>, vector<16xi1>
      %add3A_864 = arith.constant 48 : i32
      %add3A_865 = arith.addi %multiple_of3A, %add3A_864 : i32
      %get3A_866 = arith.constant 0 : i32
      %get3A_867 = arith.index_cast %get3A_866 : i32 to index
      %get3A_868 = arith.index_cast %add3A_865 : i32 to index
      %get3A_869 = tpu.vector_load %arg5[%get3A_867, %get3A_868] {strides = array<i32>} : memref<2x16384xi32, #tpu.memory_space<vmem>>, vector<16xi32>,
      %add3A_870 = arith.constant 48 : i32
      %add3A_871 = arith.addi %multiple_of3A, %add3A_870 : i32
      %get3A_872 = arith.constant 0 : i32
      %get3A_873 = arith.index_cast %get3A_872 : i32 to index
      %get3A_874 = arith.index_cast %add3A_871 : i32 to index
      %get3A_875 = tpu.vector_load %arg6[%get3A_873, %get3A_874] {strides = array<i32>} : memref<2x16384xi32, #tpu.memory_space<vmem>>, vector<16xi32>,
      %add3A_876 = arith.addi %mul3A_261, %get3A_869 : vector<16xi32>
      %eq3A_877 = arith.cmpi eq, %get3A_869, %get3A_875 : vector<16xi32>
      tpu.vector_store_idx %arg10[%add3A_876], %broadcast_in_dim3A_263 masked %eq3A_877 {add = true} : memref<512xf32, #tpu.memory_space<vmem>>[vector<16xi32>], vector<16xf32>, vector<16xi1>
      %add3A_878 = arith.constant 64 : i32
      %add3A_879 = arith.addi %multiple_of3A, %add3A_878 : i32
      %get3A_880 = arith.constant 0 : i32
      %get3A_881 = arith.index_cast %get3A_880 : i32 to index
      %get3A_882 = arith.index_cast %add3A_879 : i32 to index
      %get3A_883 = tpu.vector_load %arg5[%get3A_881, %get3A_882] {strides = array<i32>} : memref<2x16384xi32, #tpu.memory_space<vmem>>, vector<16xi32>,
      %add3A_884 = arith.constant 64 : i32
      %add3A_885 = arith.addi %multiple_of3A, %add3A_884 : i32
      %get3A_886 = arith.constant 0 : i32
      %get3A_887 = arith.index_cast %get3A_886 : i32 to index
      %get3A_888 = arith.index_cast %add3A_885 : i32 to index
      %get3A_889 = tpu.vector_load %arg6[%get3A_887, %get3A_888] {strides = array<i32>} : memref<2x16384xi32, #tpu.memory_space<vmem>>, vector<16xi32>,
      %eq3A_890 = arith.cmpi eq, %get3A_883, %get3A_889 : vector<16xi32>
      %jit3A = arith.constant -1 : i32
      %broadcast_in_dim3A_891 = vector.broadcast %jit3A : i32 to vector<16xi32>
      %select_n3A = arith.select %eq3A_890, %get3A_883, %broadcast_in_dim3A_891 : vector<16xi1>, vector<16xi32>
      %eq3A_892 = arith.constant 1 : i32
      %eq3A_893 = vector.broadcast %eq3A_892 : i32 to vector<16xi32>
      %eq3A_894 = arith.cmpi eq, %select_n3A, %eq3A_893 : vector<16xi32>
      %add3A_895 = arith.constant 1.000000e+00 : f32
      %add3A_896 = vector.broadcast %add3A_895 : f32 to vector<16xf32>
      %add3A_897 = arith.addf %scan3A_801, %add3A_896 : vector<16xf32>
      %select_n3A_898 = arith.select %eq3A_894, %add3A_897, %scan3A_801 : vector<16xi1>, vector<16xf32>
      %eq3A_899 = arith.constant 2 : i32
      %eq3A_900 = vector.broadcast %eq3A_899 : i32 to vector<16xi32>
      %eq3A_901 = arith.cmpi eq, %select_n3A, %eq3A_900 : vector<16xi32>
      %add3A_902 = arith.constant 1.000000e+00 : f32
      %add3A_903 = vector.broadcast %add3A_902 : f32 to vector<16xf32>
      %add3A_904 = arith.addf %scan3A_802, %add3A_903 : vector<16xf32>
      %select_n3A_905 = arith.select %eq3A_901, %add3A_904, %scan3A_802 : vector<16xi1>, vector<16xf32>
      %eq3A_906 = arith.constant 3 : i32
      %eq3A_907 = vector.broadcast %eq3A_906 : i32 to vector<16xi32>
      %eq3A_908 = arith.cmpi eq, %select_n3A, %eq3A_907 : vector<16xi32>
      %add3A_909 = arith.constant 1.000000e+00 : f32
      %add3A_910 = vector.broadcast %add3A_909 : f32 to vector<16xf32>
      %add3A_911 = arith.addf %scan3A_803, %add3A_910 : vector<16xf32>
      %select_n3A_912 = arith.select %eq3A_908, %add3A_911, %scan3A_803 : vector<16xi1>, vector<16xf32>
      %eq3A_913 = arith.constant 4 : i32
      %eq3A_914 = vector.broadcast %eq3A_913 : i32 to vector<16xi32>
      %eq3A_915 = arith.cmpi eq, %select_n3A, %eq3A_914 : vector<16xi32>
      %add3A_916 = arith.constant 1.000000e+00 : f32
      %add3A_917 = vector.broadcast %add3A_916 : f32 to vector<16xf32>
      %add3A_918 = arith.addf %scan3A_804, %add3A_917 : vector<16xf32>
      %select_n3A_919 = arith.select %eq3A_915, %add3A_918, %scan3A_804 : vector<16xi1>, vector<16xf32>
      %eq3A_920 = arith.constant 5 : i32
      %eq3A_921 = vector.broadcast %eq3A_920 : i32 to vector<16xi32>
      %eq3A_922 = arith.cmpi eq, %select_n3A, %eq3A_921 : vector<16xi32>
      %add3A_923 = arith.constant 1.000000e+00 : f32
      %add3A_924 = vector.broadcast %add3A_923 : f32 to vector<16xf32>
      %add3A_925 = arith.addf %scan3A_805, %add3A_924 : vector<16xf32>
      %select_n3A_926 = arith.select %eq3A_922, %add3A_925, %scan3A_805 : vector<16xi1>, vector<16xf32>
      %eq3A_927 = arith.constant 6 : i32
      %eq3A_928 = vector.broadcast %eq3A_927 : i32 to vector<16xi32>
      %eq3A_929 = arith.cmpi eq, %select_n3A, %eq3A_928 : vector<16xi32>
      %add3A_930 = arith.constant 1.000000e+00 : f32
      %add3A_931 = vector.broadcast %add3A_930 : f32 to vector<16xf32>
      %add3A_932 = arith.addf %scan3A_806, %add3A_931 : vector<16xf32>
      %select_n3A_933 = arith.select %eq3A_929, %add3A_932, %scan3A_806 : vector<16xi1>, vector<16xf32>
      %eq3A_934 = arith.constant 7 : i32
      %eq3A_935 = vector.broadcast %eq3A_934 : i32 to vector<16xi32>
      %eq3A_936 = arith.cmpi eq, %select_n3A, %eq3A_935 : vector<16xi32>
      %add3A_937 = arith.constant 1.000000e+00 : f32
      %add3A_938 = vector.broadcast %add3A_937 : f32 to vector<16xf32>
      %add3A_939 = arith.addf %scan3A_807, %add3A_938 : vector<16xf32>
      %select_n3A_940 = arith.select %eq3A_936, %add3A_939, %scan3A_807 : vector<16xi1>, vector<16xf32>
      %eq3A_941 = arith.constant 8 : i32
      %eq3A_942 = vector.broadcast %eq3A_941 : i32 to vector<16xi32>
      %eq3A_943 = arith.cmpi eq, %select_n3A, %eq3A_942 : vector<16xi32>
      %add3A_944 = arith.constant 1.000000e+00 : f32
      %add3A_945 = vector.broadcast %add3A_944 : f32 to vector<16xf32>
      %add3A_946 = arith.addf %scan3A_808, %add3A_945 : vector<16xf32>
      %select_n3A_947 = arith.select %eq3A_943, %add3A_946, %scan3A_808 : vector<16xi1>, vector<16xf32>
      %eq3A_948 = arith.constant 9 : i32
      %eq3A_949 = vector.broadcast %eq3A_948 : i32 to vector<16xi32>
      %eq3A_950 = arith.cmpi eq, %select_n3A, %eq3A_949 : vector<16xi32>
      %add3A_951 = arith.constant 1.000000e+00 : f32
      %add3A_952 = vector.broadcast %add3A_951 : f32 to vector<16xf32>
      %add3A_953 = arith.addf %scan3A_809, %add3A_952 : vector<16xf32>
      %select_n3A_954 = arith.select %eq3A_950, %add3A_953, %scan3A_809 : vector<16xi1>, vector<16xf32>
      %eq3A_955 = arith.constant 10 : i32
      %eq3A_956 = vector.broadcast %eq3A_955 : i32 to vector<16xi32>
      %eq3A_957 = arith.cmpi eq, %select_n3A, %eq3A_956 : vector<16xi32>
      %add3A_958 = arith.constant 1.000000e+00 : f32
      %add3A_959 = vector.broadcast %add3A_958 : f32 to vector<16xf32>
      %add3A_960 = arith.addf %scan3A_810, %add3A_959 : vector<16xf32>
      %select_n3A_961 = arith.select %eq3A_957, %add3A_960, %scan3A_810 : vector<16xi1>, vector<16xf32>
      %eq3A_962 = arith.constant 11 : i32
      %eq3A_963 = vector.broadcast %eq3A_962 : i32 to vector<16xi32>
      %eq3A_964 = arith.cmpi eq, %select_n3A, %eq3A_963 : vector<16xi32>
      %add3A_965 = arith.constant 1.000000e+00 : f32
      %add3A_966 = vector.broadcast %add3A_965 : f32 to vector<16xf32>
      %add3A_967 = arith.addf %scan3A_811, %add3A_966 : vector<16xf32>
      %select_n3A_968 = arith.select %eq3A_964, %add3A_967, %scan3A_811 : vector<16xi1>, vector<16xf32>
      %eq3A_969 = arith.constant 12 : i32
      %eq3A_970 = vector.broadcast %eq3A_969 : i32 to vector<16xi32>
      %eq3A_971 = arith.cmpi eq, %select_n3A, %eq3A_970 : vector<16xi32>
      %add3A_972 = arith.constant 1.000000e+00 : f32
      %add3A_973 = vector.broadcast %add3A_972 : f32 to vector<16xf32>
      %add3A_974 = arith.addf %scan3A_812, %add3A_973 : vector<16xf32>
      %select_n3A_975 = arith.select %eq3A_971, %add3A_974, %scan3A_812 : vector<16xi1>, vector<16xf32>
      %eq3A_976 = arith.constant 13 : i32
      %eq3A_977 = vector.broadcast %eq3A_976 : i32 to vector<16xi32>
      %eq3A_978 = arith.cmpi eq, %select_n3A, %eq3A_977 : vector<16xi32>
      %add3A_979 = arith.constant 1.000000e+00 : f32
      %add3A_980 = vector.broadcast %add3A_979 : f32 to vector<16xf32>
      %add3A_981 = arith.addf %scan3A_813, %add3A_980 : vector<16xf32>
      %select_n3A_982 = arith.select %eq3A_978, %add3A_981, %scan3A_813 : vector<16xi1>, vector<16xf32>
      %eq3A_983 = arith.constant 14 : i32
      %eq3A_984 = vector.broadcast %eq3A_983 : i32 to vector<16xi32>
      %eq3A_985 = arith.cmpi eq, %select_n3A, %eq3A_984 : vector<16xi32>
      %add3A_986 = arith.constant 1.000000e+00 : f32
      %add3A_987 = vector.broadcast %add3A_986 : f32 to vector<16xf32>
      %add3A_988 = arith.addf %scan3A_814, %add3A_987 : vector<16xf32>
      %select_n3A_989 = arith.select %eq3A_985, %add3A_988, %scan3A_814 : vector<16xi1>, vector<16xf32>
      %eq3A_990 = arith.constant 15 : i32
      %eq3A_991 = vector.broadcast %eq3A_990 : i32 to vector<16xi32>
      %eq3A_992 = arith.cmpi eq, %select_n3A, %eq3A_991 : vector<16xi32>
      %add3A_993 = arith.constant 1.000000e+00 : f32
      %add3A_994 = vector.broadcast %add3A_993 : f32 to vector<16xf32>
      %add3A_995 = arith.addf %scan3A_815, %add3A_994 : vector<16xf32>
      %select_n3A_996 = arith.select %eq3A_992, %add3A_995, %scan3A_815 : vector<16xi1>, vector<16xf32>
      %eq3A_997 = arith.constant 16 : i32
      %eq3A_998 = vector.broadcast %eq3A_997 : i32 to vector<16xi32>
      %eq3A_999 = arith.cmpi eq, %select_n3A, %eq3A_998 : vector<16xi32>
      %add3A_1000 = arith.constant 1.000000e+00 : f32
      %add3A_1001 = vector.broadcast %add3A_1000 : f32 to vector<16xf32>
      %add3A_1002 = arith.addf %scan3A_816, %add3A_1001 : vector<16xf32>
      %select_n3A_1003 = arith.select %eq3A_999, %add3A_1002, %scan3A_816 : vector<16xi1>, vector<16xf32>
      %eq3A_1004 = arith.constant 17 : i32
      %eq3A_1005 = vector.broadcast %eq3A_1004 : i32 to vector<16xi32>
      %eq3A_1006 = arith.cmpi eq, %select_n3A, %eq3A_1005 : vector<16xi32>
      %add3A_1007 = arith.constant 1.000000e+00 : f32
      %add3A_1008 = vector.broadcast %add3A_1007 : f32 to vector<16xf32>
      %add3A_1009 = arith.addf %scan3A_817, %add3A_1008 : vector<16xf32>
      %select_n3A_1010 = arith.select %eq3A_1006, %add3A_1009, %scan3A_817 : vector<16xi1>, vector<16xf32>
      %eq3A_1011 = arith.constant 18 : i32
      %eq3A_1012 = vector.broadcast %eq3A_1011 : i32 to vector<16xi32>
      %eq3A_1013 = arith.cmpi eq, %select_n3A, %eq3A_1012 : vector<16xi32>
      %add3A_1014 = arith.constant 1.000000e+00 : f32
      %add3A_1015 = vector.broadcast %add3A_1014 : f32 to vector<16xf32>
      %add3A_1016 = arith.addf %scan3A_818, %add3A_1015 : vector<16xf32>
      %select_n3A_1017 = arith.select %eq3A_1013, %add3A_1016, %scan3A_818 : vector<16xi1>, vector<16xf32>
      %eq3A_1018 = arith.constant 19 : i32
      %eq3A_1019 = vector.broadcast %eq3A_1018 : i32 to vector<16xi32>
      %eq3A_1020 = arith.cmpi eq, %select_n3A, %eq3A_1019 : vector<16xi32>
      %add3A_1021 = arith.constant 1.000000e+00 : f32
      %add3A_1022 = vector.broadcast %add3A_1021 : f32 to vector<16xf32>
      %add3A_1023 = arith.addf %scan3A_819, %add3A_1022 : vector<16xf32>
      %select_n3A_1024 = arith.select %eq3A_1020, %add3A_1023, %scan3A_819 : vector<16xi1>, vector<16xf32>
      %eq3A_1025 = arith.constant 20 : i32
      %eq3A_1026 = vector.broadcast %eq3A_1025 : i32 to vector<16xi32>
      %eq3A_1027 = arith.cmpi eq, %select_n3A, %eq3A_1026 : vector<16xi32>
      %add3A_1028 = arith.constant 1.000000e+00 : f32
      %add3A_1029 = vector.broadcast %add3A_1028 : f32 to vector<16xf32>
      %add3A_1030 = arith.addf %scan3A_820, %add3A_1029 : vector<16xf32>
      %select_n3A_1031 = arith.select %eq3A_1027, %add3A_1030, %scan3A_820 : vector<16xi1>, vector<16xf32>
      %add3A_1032 = arith.constant 80 : i32
      %add3A_1033 = arith.addi %multiple_of3A, %add3A_1032 : i32
      %get3A_1034 = arith.constant 0 : i32
      %get3A_1035 = arith.index_cast %get3A_1034 : i32 to index
      %get3A_1036 = arith.index_cast %add3A_1033 : i32 to index
      %get3A_1037 = tpu.vector_load %arg5[%get3A_1035, %get3A_1036] {strides = array<i32>} : memref<2x16384xi32, #tpu.memory_space<vmem>>, vector<16xi32>,
      %add3A_1038 = arith.constant 80 : i32
      %add3A_1039 = arith.addi %multiple_of3A, %add3A_1038 : i32
      %get3A_1040 = arith.constant 0 : i32
      %get3A_1041 = arith.index_cast %get3A_1040 : i32 to index
      %get3A_1042 = arith.index_cast %add3A_1039 : i32 to index
      %get3A_1043 = tpu.vector_load %arg6[%get3A_1041, %get3A_1042] {strides = array<i32>} : memref<2x16384xi32, #tpu.memory_space<vmem>>, vector<16xi32>,
      %eq3A_1044 = arith.cmpi eq, %get3A_1037, %get3A_1043 : vector<16xi32>
      %jit3A_1045 = arith.constant -1 : i32
      %broadcast_in_dim3A_1046 = vector.broadcast %jit3A_1045 : i32 to vector<16xi32>
      %select_n3A_1047 = arith.select %eq3A_1044, %get3A_1037, %broadcast_in_dim3A_1046 : vector<16xi1>, vector<16xi32>
      %eq3A_1048 = arith.constant 1 : i32
      %eq3A_1049 = vector.broadcast %eq3A_1048 : i32 to vector<16xi32>
      %eq3A_1050 = arith.cmpi eq, %select_n3A_1047, %eq3A_1049 : vector<16xi32>
      %add3A_1051 = arith.constant 1.000000e+00 : f32
      %add3A_1052 = vector.broadcast %add3A_1051 : f32 to vector<16xf32>
      %add3A_1053 = arith.addf %select_n3A_898, %add3A_1052 : vector<16xf32>
      %select_n3A_1054 = arith.select %eq3A_1050, %add3A_1053, %select_n3A_898 : vector<16xi1>, vector<16xf32>
      %eq3A_1055 = arith.constant 2 : i32
      %eq3A_1056 = vector.broadcast %eq3A_1055 : i32 to vector<16xi32>
      %eq3A_1057 = arith.cmpi eq, %select_n3A_1047, %eq3A_1056 : vector<16xi32>
      %add3A_1058 = arith.constant 1.000000e+00 : f32
      %add3A_1059 = vector.broadcast %add3A_1058 : f32 to vector<16xf32>
      %add3A_1060 = arith.addf %select_n3A_905, %add3A_1059 : vector<16xf32>
      %select_n3A_1061 = arith.select %eq3A_1057, %add3A_1060, %select_n3A_905 : vector<16xi1>, vector<16xf32>
      %eq3A_1062 = arith.constant 3 : i32
      %eq3A_1063 = vector.broadcast %eq3A_1062 : i32 to vector<16xi32>
      %eq3A_1064 = arith.cmpi eq, %select_n3A_1047, %eq3A_1063 : vector<16xi32>
      %add3A_1065 = arith.constant 1.000000e+00 : f32
      %add3A_1066 = vector.broadcast %add3A_1065 : f32 to vector<16xf32>
      %add3A_1067 = arith.addf %select_n3A_912, %add3A_1066 : vector<16xf32>
      %select_n3A_1068 = arith.select %eq3A_1064, %add3A_1067, %select_n3A_912 : vector<16xi1>, vector<16xf32>
      %eq3A_1069 = arith.constant 4 : i32
      %eq3A_1070 = vector.broadcast %eq3A_1069 : i32 to vector<16xi32>
      %eq3A_1071 = arith.cmpi eq, %select_n3A_1047, %eq3A_1070 : vector<16xi32>
      %add3A_1072 = arith.constant 1.000000e+00 : f32
      %add3A_1073 = vector.broadcast %add3A_1072 : f32 to vector<16xf32>
      %add3A_1074 = arith.addf %select_n3A_919, %add3A_1073 : vector<16xf32>
      %select_n3A_1075 = arith.select %eq3A_1071, %add3A_1074, %select_n3A_919 : vector<16xi1>, vector<16xf32>
      %eq3A_1076 = arith.constant 5 : i32
      %eq3A_1077 = vector.broadcast %eq3A_1076 : i32 to vector<16xi32>
      %eq3A_1078 = arith.cmpi eq, %select_n3A_1047, %eq3A_1077 : vector<16xi32>
      %add3A_1079 = arith.constant 1.000000e+00 : f32
      %add3A_1080 = vector.broadcast %add3A_1079 : f32 to vector<16xf32>
      %add3A_1081 = arith.addf %select_n3A_926, %add3A_1080 : vector<16xf32>
      %select_n3A_1082 = arith.select %eq3A_1078, %add3A_1081, %select_n3A_926 : vector<16xi1>, vector<16xf32>
      %eq3A_1083 = arith.constant 6 : i32
      %eq3A_1084 = vector.broadcast %eq3A_1083 : i32 to vector<16xi32>
      %eq3A_1085 = arith.cmpi eq, %select_n3A_1047, %eq3A_1084 : vector<16xi32>
      %add3A_1086 = arith.constant 1.000000e+00 : f32
      %add3A_1087 = vector.broadcast %add3A_1086 : f32 to vector<16xf32>
      %add3A_1088 = arith.addf %select_n3A_933, %add3A_1087 : vector<16xf32>
      %select_n3A_1089 = arith.select %eq3A_1085, %add3A_1088, %select_n3A_933 : vector<16xi1>, vector<16xf32>
      %eq3A_1090 = arith.constant 7 : i32
      %eq3A_1091 = vector.broadcast %eq3A_1090 : i32 to vector<16xi32>
      %eq3A_1092 = arith.cmpi eq, %select_n3A_1047, %eq3A_1091 : vector<16xi32>
      %add3A_1093 = arith.constant 1.000000e+00 : f32
      %add3A_1094 = vector.broadcast %add3A_1093 : f32 to vector<16xf32>
      %add3A_1095 = arith.addf %select_n3A_940, %add3A_1094 : vector<16xf32>
      %select_n3A_1096 = arith.select %eq3A_1092, %add3A_1095, %select_n3A_940 : vector<16xi1>, vector<16xf32>
      %eq3A_1097 = arith.constant 8 : i32
      %eq3A_1098 = vector.broadcast %eq3A_1097 : i32 to vector<16xi32>
      %eq3A_1099 = arith.cmpi eq, %select_n3A_1047, %eq3A_1098 : vector<16xi32>
      %add3A_1100 = arith.constant 1.000000e+00 : f32
      %add3A_1101 = vector.broadcast %add3A_1100 : f32 to vector<16xf32>
      %add3A_1102 = arith.addf %select_n3A_947, %add3A_1101 : vector<16xf32>
      %select_n3A_1103 = arith.select %eq3A_1099, %add3A_1102, %select_n3A_947 : vector<16xi1>, vector<16xf32>
      %eq3A_1104 = arith.constant 9 : i32
      %eq3A_1105 = vector.broadcast %eq3A_1104 : i32 to vector<16xi32>
      %eq3A_1106 = arith.cmpi eq, %select_n3A_1047, %eq3A_1105 : vector<16xi32>
      %add3A_1107 = arith.constant 1.000000e+00 : f32
      %add3A_1108 = vector.broadcast %add3A_1107 : f32 to vector<16xf32>
      %add3A_1109 = arith.addf %select_n3A_954, %add3A_1108 : vector<16xf32>
      %select_n3A_1110 = arith.select %eq3A_1106, %add3A_1109, %select_n3A_954 : vector<16xi1>, vector<16xf32>
      %eq3A_1111 = arith.constant 10 : i32
      %eq3A_1112 = vector.broadcast %eq3A_1111 : i32 to vector<16xi32>
      %eq3A_1113 = arith.cmpi eq, %select_n3A_1047, %eq3A_1112 : vector<16xi32>
      %add3A_1114 = arith.constant 1.000000e+00 : f32
      %add3A_1115 = vector.broadcast %add3A_1114 : f32 to vector<16xf32>
      %add3A_1116 = arith.addf %select_n3A_961, %add3A_1115 : vector<16xf32>
      %select_n3A_1117 = arith.select %eq3A_1113, %add3A_1116, %select_n3A_961 : vector<16xi1>, vector<16xf32>
      %eq3A_1118 = arith.constant 11 : i32
      %eq3A_1119 = vector.broadcast %eq3A_1118 : i32 to vector<16xi32>
      %eq3A_1120 = arith.cmpi eq, %select_n3A_1047, %eq3A_1119 : vector<16xi32>
      %add3A_1121 = arith.constant 1.000000e+00 : f32
      %add3A_1122 = vector.broadcast %add3A_1121 : f32 to vector<16xf32>
      %add3A_1123 = arith.addf %select_n3A_968, %add3A_1122 : vector<16xf32>
      %select_n3A_1124 = arith.select %eq3A_1120, %add3A_1123, %select_n3A_968 : vector<16xi1>, vector<16xf32>
      %eq3A_1125 = arith.constant 12 : i32
      %eq3A_1126 = vector.broadcast %eq3A_1125 : i32 to vector<16xi32>
      %eq3A_1127 = arith.cmpi eq, %select_n3A_1047, %eq3A_1126 : vector<16xi32>
      %add3A_1128 = arith.constant 1.000000e+00 : f32
      %add3A_1129 = vector.broadcast %add3A_1128 : f32 to vector<16xf32>
      %add3A_1130 = arith.addf %select_n3A_975, %add3A_1129 : vector<16xf32>
      %select_n3A_1131 = arith.select %eq3A_1127, %add3A_1130, %select_n3A_975 : vector<16xi1>, vector<16xf32>
      %eq3A_1132 = arith.constant 13 : i32
      %eq3A_1133 = vector.broadcast %eq3A_1132 : i32 to vector<16xi32>
      %eq3A_1134 = arith.cmpi eq, %select_n3A_1047, %eq3A_1133 : vector<16xi32>
      %add3A_1135 = arith.constant 1.000000e+00 : f32
      %add3A_1136 = vector.broadcast %add3A_1135 : f32 to vector<16xf32>
      %add3A_1137 = arith.addf %select_n3A_982, %add3A_1136 : vector<16xf32>
      %select_n3A_1138 = arith.select %eq3A_1134, %add3A_1137, %select_n3A_982 : vector<16xi1>, vector<16xf32>
      %eq3A_1139 = arith.constant 14 : i32
      %eq3A_1140 = vector.broadcast %eq3A_1139 : i32 to vector<16xi32>
      %eq3A_1141 = arith.cmpi eq, %select_n3A_1047, %eq3A_1140 : vector<16xi32>
      %add3A_1142 = arith.constant 1.000000e+00 : f32
      %add3A_1143 = vector.broadcast %add3A_1142 : f32 to vector<16xf32>
      %add3A_1144 = arith.addf %select_n3A_989, %add3A_1143 : vector<16xf32>
      %select_n3A_1145 = arith.select %eq3A_1141, %add3A_1144, %select_n3A_989 : vector<16xi1>, vector<16xf32>
      %eq3A_1146 = arith.constant 15 : i32
      %eq3A_1147 = vector.broadcast %eq3A_1146 : i32 to vector<16xi32>
      %eq3A_1148 = arith.cmpi eq, %select_n3A_1047, %eq3A_1147 : vector<16xi32>
      %add3A_1149 = arith.constant 1.000000e+00 : f32
      %add3A_1150 = vector.broadcast %add3A_1149 : f32 to vector<16xf32>
      %add3A_1151 = arith.addf %select_n3A_996, %add3A_1150 : vector<16xf32>
      %select_n3A_1152 = arith.select %eq3A_1148, %add3A_1151, %select_n3A_996 : vector<16xi1>, vector<16xf32>
      %eq3A_1153 = arith.constant 16 : i32
      %eq3A_1154 = vector.broadcast %eq3A_1153 : i32 to vector<16xi32>
      %eq3A_1155 = arith.cmpi eq, %select_n3A_1047, %eq3A_1154 : vector<16xi32>
      %add3A_1156 = arith.constant 1.000000e+00 : f32
      %add3A_1157 = vector.broadcast %add3A_1156 : f32 to vector<16xf32>
      %add3A_1158 = arith.addf %select_n3A_1003, %add3A_1157 : vector<16xf32>
      %select_n3A_1159 = arith.select %eq3A_1155, %add3A_1158, %select_n3A_1003 : vector<16xi1>, vector<16xf32>
      %eq3A_1160 = arith.constant 17 : i32
      %eq3A_1161 = vector.broadcast %eq3A_1160 : i32 to vector<16xi32>
      %eq3A_1162 = arith.cmpi eq, %select_n3A_1047, %eq3A_1161 : vector<16xi32>
      %add3A_1163 = arith.constant 1.000000e+00 : f32
      %add3A_1164 = vector.broadcast %add3A_1163 : f32 to vector<16xf32>
      %add3A_1165 = arith.addf %select_n3A_1010, %add3A_1164 : vector<16xf32>
      %select_n3A_1166 = arith.select %eq3A_1162, %add3A_1165, %select_n3A_1010 : vector<16xi1>, vector<16xf32>
      %eq3A_1167 = arith.constant 18 : i32
      %eq3A_1168 = vector.broadcast %eq3A_1167 : i32 to vector<16xi32>
      %eq3A_1169 = arith.cmpi eq, %select_n3A_1047, %eq3A_1168 : vector<16xi32>
      %add3A_1170 = arith.constant 1.000000e+00 : f32
      %add3A_1171 = vector.broadcast %add3A_1170 : f32 to vector<16xf32>
      %add3A_1172 = arith.addf %select_n3A_1017, %add3A_1171 : vector<16xf32>
      %select_n3A_1173 = arith.select %eq3A_1169, %add3A_1172, %select_n3A_1017 : vector<16xi1>, vector<16xf32>
      %eq3A_1174 = arith.constant 19 : i32
      %eq3A_1175 = vector.broadcast %eq3A_1174 : i32 to vector<16xi32>
      %eq3A_1176 = arith.cmpi eq, %select_n3A_1047, %eq3A_1175 : vector<16xi32>
      %add3A_1177 = arith.constant 1.000000e+00 : f32
      %add3A_1178 = vector.broadcast %add3A_1177 : f32 to vector<16xf32>
      %add3A_1179 = arith.addf %select_n3A_1024, %add3A_1178 : vector<16xf32>
      %select_n3A_1180 = arith.select %eq3A_1176, %add3A_1179, %select_n3A_1024 : vector<16xi1>, vector<16xf32>
      %eq3A_1181 = arith.constant 20 : i32
      %eq3A_1182 = vector.broadcast %eq3A_1181 : i32 to vector<16xi32>
      %eq3A_1183 = arith.cmpi eq, %select_n3A_1047, %eq3A_1182 : vector<16xi32>
      %add3A_1184 = arith.constant 1.000000e+00 : f32
      %add3A_1185 = vector.broadcast %add3A_1184 : f32 to vector<16xf32>
      %add3A_1186 = arith.addf %select_n3A_1031, %add3A_1185 : vector<16xf32>
      %select_n3A_1187 = arith.select %eq3A_1183, %add3A_1186, %select_n3A_1031 : vector<16xi1>, vector<16xf32>
      %add3A_1188 = arith.constant 96 : i32
      %add3A_1189 = arith.addi %multiple_of3A, %add3A_1188 : i32
      %get3A_1190 = arith.constant 0 : i32
      %get3A_1191 = arith.index_cast %get3A_1190 : i32 to index
      %get3A_1192 = arith.index_cast %add3A_1189 : i32 to index
      %get3A_1193 = tpu.vector_load %arg5[%get3A_1191, %get3A_1192] {strides = array<i32>} : memref<2x16384xi32, #tpu.memory_space<vmem>>, vector<16xi32>,
      %add3A_1194 = arith.constant 96 : i32
      %add3A_1195 = arith.addi %multiple_of3A, %add3A_1194 : i32
      %get3A_1196 = arith.constant 0 : i32
      %get3A_1197 = arith.index_cast %get3A_1196 : i32 to index
      %get3A_1198 = arith.index_cast %add3A_1195 : i32 to index
      %get3A_1199 = tpu.vector_load %arg6[%get3A_1197, %get3A_1198] {strides = array<i32>} : memref<2x16384xi32, #tpu.memory_space<vmem>>, vector<16xi32>,
      %eq3A_1200 = arith.cmpi eq, %get3A_1193, %get3A_1199 : vector<16xi32>
      %jit3A_1201 = arith.constant -1 : i32
      %broadcast_in_dim3A_1202 = vector.broadcast %jit3A_1201 : i32 to vector<16xi32>
      %select_n3A_1203 = arith.select %eq3A_1200, %get3A_1193, %broadcast_in_dim3A_1202 : vector<16xi1>, vector<16xi32>
      %eq3A_1204 = arith.constant 1 : i32
      %eq3A_1205 = vector.broadcast %eq3A_1204 : i32 to vector<16xi32>
      %eq3A_1206 = arith.cmpi eq, %select_n3A_1203, %eq3A_1205 : vector<16xi32>
      %add3A_1207 = arith.constant 1.000000e+00 : f32
      %add3A_1208 = vector.broadcast %add3A_1207 : f32 to vector<16xf32>
      %add3A_1209 = arith.addf %select_n3A_1054, %add3A_1208 : vector<16xf32>
      %select_n3A_1210 = arith.select %eq3A_1206, %add3A_1209, %select_n3A_1054 : vector<16xi1>, vector<16xf32>
      %eq3A_1211 = arith.constant 2 : i32
      %eq3A_1212 = vector.broadcast %eq3A_1211 : i32 to vector<16xi32>
      %eq3A_1213 = arith.cmpi eq, %select_n3A_1203, %eq3A_1212 : vector<16xi32>
      %add3A_1214 = arith.constant 1.000000e+00 : f32
      %add3A_1215 = vector.broadcast %add3A_1214 : f32 to vector<16xf32>
      %add3A_1216 = arith.addf %select_n3A_1061, %add3A_1215 : vector<16xf32>
      %select_n3A_1217 = arith.select %eq3A_1213, %add3A_1216, %select_n3A_1061 : vector<16xi1>, vector<16xf32>
      %eq3A_1218 = arith.constant 3 : i32
      %eq3A_1219 = vector.broadcast %eq3A_1218 : i32 to vector<16xi32>
      %eq3A_1220 = arith.cmpi eq, %select_n3A_1203, %eq3A_1219 : vector<16xi32>
      %add3A_1221 = arith.constant 1.000000e+00 : f32
      %add3A_1222 = vector.broadcast %add3A_1221 : f32 to vector<16xf32>
      %add3A_1223 = arith.addf %select_n3A_1068, %add3A_1222 : vector<16xf32>
      %select_n3A_1224 = arith.select %eq3A_1220, %add3A_1223, %select_n3A_1068 : vector<16xi1>, vector<16xf32>
      %eq3A_1225 = arith.constant 4 : i32
      %eq3A_1226 = vector.broadcast %eq3A_1225 : i32 to vector<16xi32>
      %eq3A_1227 = arith.cmpi eq, %select_n3A_1203, %eq3A_1226 : vector<16xi32>
      %add3A_1228 = arith.constant 1.000000e+00 : f32
      %add3A_1229 = vector.broadcast %add3A_1228 : f32 to vector<16xf32>
      %add3A_1230 = arith.addf %select_n3A_1075, %add3A_1229 : vector<16xf32>
      %select_n3A_1231 = arith.select %eq3A_1227, %add3A_1230, %select_n3A_1075 : vector<16xi1>, vector<16xf32>
      %eq3A_1232 = arith.constant 5 : i32
      %eq3A_1233 = vector.broadcast %eq3A_1232 : i32 to vector<16xi32>
      %eq3A_1234 = arith.cmpi eq, %select_n3A_1203, %eq3A_1233 : vector<16xi32>
      %add3A_1235 = arith.constant 1.000000e+00 : f32
      %add3A_1236 = vector.broadcast %add3A_1235 : f32 to vector<16xf32>
      %add3A_1237 = arith.addf %select_n3A_1082, %add3A_1236 : vector<16xf32>
      %select_n3A_1238 = arith.select %eq3A_1234, %add3A_1237, %select_n3A_1082 : vector<16xi1>, vector<16xf32>
      %eq3A_1239 = arith.constant 6 : i32
      %eq3A_1240 = vector.broadcast %eq3A_1239 : i32 to vector<16xi32>
      %eq3A_1241 = arith.cmpi eq, %select_n3A_1203, %eq3A_1240 : vector<16xi32>
      %add3A_1242 = arith.constant 1.000000e+00 : f32
      %add3A_1243 = vector.broadcast %add3A_1242 : f32 to vector<16xf32>
      %add3A_1244 = arith.addf %select_n3A_1089, %add3A_1243 : vector<16xf32>
      %select_n3A_1245 = arith.select %eq3A_1241, %add3A_1244, %select_n3A_1089 : vector<16xi1>, vector<16xf32>
      %eq3A_1246 = arith.constant 7 : i32
      %eq3A_1247 = vector.broadcast %eq3A_1246 : i32 to vector<16xi32>
      %eq3A_1248 = arith.cmpi eq, %select_n3A_1203, %eq3A_1247 : vector<16xi32>
      %add3A_1249 = arith.constant 1.000000e+00 : f32
      %add3A_1250 = vector.broadcast %add3A_1249 : f32 to vector<16xf32>
      %add3A_1251 = arith.addf %select_n3A_1096, %add3A_1250 : vector<16xf32>
      %select_n3A_1252 = arith.select %eq3A_1248, %add3A_1251, %select_n3A_1096 : vector<16xi1>, vector<16xf32>
      %eq3A_1253 = arith.constant 8 : i32
      %eq3A_1254 = vector.broadcast %eq3A_1253 : i32 to vector<16xi32>
      %eq3A_1255 = arith.cmpi eq, %select_n3A_1203, %eq3A_1254 : vector<16xi32>
      %add3A_1256 = arith.constant 1.000000e+00 : f32
      %add3A_1257 = vector.broadcast %add3A_1256 : f32 to vector<16xf32>
      %add3A_1258 = arith.addf %select_n3A_1103, %add3A_1257 : vector<16xf32>
      %select_n3A_1259 = arith.select %eq3A_1255, %add3A_1258, %select_n3A_1103 : vector<16xi1>, vector<16xf32>
      %eq3A_1260 = arith.constant 9 : i32
      %eq3A_1261 = vector.broadcast %eq3A_1260 : i32 to vector<16xi32>
      %eq3A_1262 = arith.cmpi eq, %select_n3A_1203, %eq3A_1261 : vector<16xi32>
      %add3A_1263 = arith.constant 1.000000e+00 : f32
      %add3A_1264 = vector.broadcast %add3A_1263 : f32 to vector<16xf32>
      %add3A_1265 = arith.addf %select_n3A_1110, %add3A_1264 : vector<16xf32>
      %select_n3A_1266 = arith.select %eq3A_1262, %add3A_1265, %select_n3A_1110 : vector<16xi1>, vector<16xf32>
      %eq3A_1267 = arith.constant 10 : i32
      %eq3A_1268 = vector.broadcast %eq3A_1267 : i32 to vector<16xi32>
      %eq3A_1269 = arith.cmpi eq, %select_n3A_1203, %eq3A_1268 : vector<16xi32>
      %add3A_1270 = arith.constant 1.000000e+00 : f32
      %add3A_1271 = vector.broadcast %add3A_1270 : f32 to vector<16xf32>
      %add3A_1272 = arith.addf %select_n3A_1117, %add3A_1271 : vector<16xf32>
      %select_n3A_1273 = arith.select %eq3A_1269, %add3A_1272, %select_n3A_1117 : vector<16xi1>, vector<16xf32>
      %eq3A_1274 = arith.constant 11 : i32
      %eq3A_1275 = vector.broadcast %eq3A_1274 : i32 to vector<16xi32>
      %eq3A_1276 = arith.cmpi eq, %select_n3A_1203, %eq3A_1275 : vector<16xi32>
      %add3A_1277 = arith.constant 1.000000e+00 : f32
      %add3A_1278 = vector.broadcast %add3A_1277 : f32 to vector<16xf32>
      %add3A_1279 = arith.addf %select_n3A_1124, %add3A_1278 : vector<16xf32>
      %select_n3A_1280 = arith.select %eq3A_1276, %add3A_1279, %select_n3A_1124 : vector<16xi1>, vector<16xf32>
      %eq3A_1281 = arith.constant 12 : i32
      %eq3A_1282 = vector.broadcast %eq3A_1281 : i32 to vector<16xi32>
      %eq3A_1283 = arith.cmpi eq, %select_n3A_1203, %eq3A_1282 : vector<16xi32>
      %add3A_1284 = arith.constant 1.000000e+00 : f32
      %add3A_1285 = vector.broadcast %add3A_1284 : f32 to vector<16xf32>
      %add3A_1286 = arith.addf %select_n3A_1131, %add3A_1285 : vector<16xf32>
      %select_n3A_1287 = arith.select %eq3A_1283, %add3A_1286, %select_n3A_1131 : vector<16xi1>, vector<16xf32>
      %eq3A_1288 = arith.constant 13 : i32
      %eq3A_1289 = vector.broadcast %eq3A_1288 : i32 to vector<16xi32>
      %eq3A_1290 = arith.cmpi eq, %select_n3A_1203, %eq3A_1289 : vector<16xi32>
      %add3A_1291 = arith.constant 1.000000e+00 : f32
      %add3A_1292 = vector.broadcast %add3A_1291 : f32 to vector<16xf32>
      %add3A_1293 = arith.addf %select_n3A_1138, %add3A_1292 : vector<16xf32>
      %select_n3A_1294 = arith.select %eq3A_1290, %add3A_1293, %select_n3A_1138 : vector<16xi1>, vector<16xf32>
      %eq3A_1295 = arith.constant 14 : i32
      %eq3A_1296 = vector.broadcast %eq3A_1295 : i32 to vector<16xi32>
      %eq3A_1297 = arith.cmpi eq, %select_n3A_1203, %eq3A_1296 : vector<16xi32>
      %add3A_1298 = arith.constant 1.000000e+00 : f32
      %add3A_1299 = vector.broadcast %add3A_1298 : f32 to vector<16xf32>
      %add3A_1300 = arith.addf %select_n3A_1145, %add3A_1299 : vector<16xf32>
      %select_n3A_1301 = arith.select %eq3A_1297, %add3A_1300, %select_n3A_1145 : vector<16xi1>, vector<16xf32>
      %eq3A_1302 = arith.constant 15 : i32
      %eq3A_1303 = vector.broadcast %eq3A_1302 : i32 to vector<16xi32>
      %eq3A_1304 = arith.cmpi eq, %select_n3A_1203, %eq3A_1303 : vector<16xi32>
      %add3A_1305 = arith.constant 1.000000e+00 : f32
      %add3A_1306 = vector.broadcast %add3A_1305 : f32 to vector<16xf32>
      %add3A_1307 = arith.addf %select_n3A_1152, %add3A_1306 : vector<16xf32>
      %select_n3A_1308 = arith.select %eq3A_1304, %add3A_1307, %select_n3A_1152 : vector<16xi1>, vector<16xf32>
      %eq3A_1309 = arith.constant 16 : i32
      %eq3A_1310 = vector.broadcast %eq3A_1309 : i32 to vector<16xi32>
      %eq3A_1311 = arith.cmpi eq, %select_n3A_1203, %eq3A_1310 : vector<16xi32>
      %add3A_1312 = arith.constant 1.000000e+00 : f32
      %add3A_1313 = vector.broadcast %add3A_1312 : f32 to vector<16xf32>
      %add3A_1314 = arith.addf %select_n3A_1159, %add3A_1313 : vector<16xf32>
      %select_n3A_1315 = arith.select %eq3A_1311, %add3A_1314, %select_n3A_1159 : vector<16xi1>, vector<16xf32>
      %eq3A_1316 = arith.constant 17 : i32
      %eq3A_1317 = vector.broadcast %eq3A_1316 : i32 to vector<16xi32>
      %eq3A_1318 = arith.cmpi eq, %select_n3A_1203, %eq3A_1317 : vector<16xi32>
      %add3A_1319 = arith.constant 1.000000e+00 : f32
      %add3A_1320 = vector.broadcast %add3A_1319 : f32 to vector<16xf32>
      %add3A_1321 = arith.addf %select_n3A_1166, %add3A_1320 : vector<16xf32>
      %select_n3A_1322 = arith.select %eq3A_1318, %add3A_1321, %select_n3A_1166 : vector<16xi1>, vector<16xf32>
      %eq3A_1323 = arith.constant 18 : i32
      %eq3A_1324 = vector.broadcast %eq3A_1323 : i32 to vector<16xi32>
      %eq3A_1325 = arith.cmpi eq, %select_n3A_1203, %eq3A_1324 : vector<16xi32>
      %add3A_1326 = arith.constant 1.000000e+00 : f32
      %add3A_1327 = vector.broadcast %add3A_1326 : f32 to vector<16xf32>
      %add3A_1328 = arith.addf %select_n3A_1173, %add3A_1327 : vector<16xf32>
      %select_n3A_1329 = arith.select %eq3A_1325, %add3A_1328, %select_n3A_1173 : vector<16xi1>, vector<16xf32>
      %eq3A_1330 = arith.constant 19 : i32
      %eq3A_1331 = vector.broadcast %eq3A_1330 : i32 to vector<16xi32>
      %eq3A_1332 = arith.cmpi eq, %select_n3A_1203, %eq3A_1331 : vector<16xi32>
      %add3A_1333 = arith.constant 1.000000e+00 : f32
      %add3A_1334 = vector.broadcast %add3A_1333 : f32 to vector<16xf32>
      %add3A_1335 = arith.addf %select_n3A_1180, %add3A_1334 : vector<16xf32>
      %select_n3A_1336 = arith.select %eq3A_1332, %add3A_1335, %select_n3A_1180 : vector<16xi1>, vector<16xf32>
      %eq3A_1337 = arith.constant 20 : i32
      %eq3A_1338 = vector.broadcast %eq3A_1337 : i32 to vector<16xi32>
      %eq3A_1339 = arith.cmpi eq, %select_n3A_1203, %eq3A_1338 : vector<16xi32>
      %add3A_1340 = arith.constant 1.000000e+00 : f32
      %add3A_1341 = vector.broadcast %add3A_1340 : f32 to vector<16xf32>
      %add3A_1342 = arith.addf %select_n3A_1187, %add3A_1341 : vector<16xf32>
      %select_n3A_1343 = arith.select %eq3A_1339, %add3A_1342, %select_n3A_1187 : vector<16xi1>, vector<16xf32>
      %add3A_1344 = arith.constant 112 : i32
      %add3A_1345 = arith.addi %multiple_of3A, %add3A_1344 : i32
      %get3A_1346 = arith.constant 0 : i32
      %get3A_1347 = arith.index_cast %get3A_1346 : i32 to index
      %get3A_1348 = arith.index_cast %add3A_1345 : i32 to index
      %get3A_1349 = tpu.vector_load %arg5[%get3A_1347, %get3A_1348] {strides = array<i32>} : memref<2x16384xi32, #tpu.memory_space<vmem>>, vector<16xi32>,
      %add3A_1350 = arith.constant 112 : i32
      %add3A_1351 = arith.addi %multiple_of3A, %add3A_1350 : i32
      %get3A_1352 = arith.constant 0 : i32
      %get3A_1353 = arith.index_cast %get3A_1352 : i32 to index
      %get3A_1354 = arith.index_cast %add3A_1351 : i32 to index
      %get3A_1355 = tpu.vector_load %arg6[%get3A_1353, %get3A_1354] {strides = array<i32>} : memref<2x16384xi32, #tpu.memory_space<vmem>>, vector<16xi32>,
      %eq3A_1356 = arith.cmpi eq, %get3A_1349, %get3A_1355 : vector<16xi32>
      %jit3A_1357 = arith.constant -1 : i32
      %broadcast_in_dim3A_1358 = vector.broadcast %jit3A_1357 : i32 to vector<16xi32>
      %select_n3A_1359 = arith.select %eq3A_1356, %get3A_1349, %broadcast_in_dim3A_1358 : vector<16xi1>, vector<16xi32>
      %eq3A_1360 = arith.constant 1 : i32
      %eq3A_1361 = vector.broadcast %eq3A_1360 : i32 to vector<16xi32>
      %eq3A_1362 = arith.cmpi eq, %select_n3A_1359, %eq3A_1361 : vector<16xi32>
      %add3A_1363 = arith.constant 1.000000e+00 : f32
      %add3A_1364 = vector.broadcast %add3A_1363 : f32 to vector<16xf32>
      %add3A_1365 = arith.addf %select_n3A_1210, %add3A_1364 : vector<16xf32>
      %select_n3A_1366 = arith.select %eq3A_1362, %add3A_1365, %select_n3A_1210 : vector<16xi1>, vector<16xf32>
      %eq3A_1367 = arith.constant 2 : i32
      %eq3A_1368 = vector.broadcast %eq3A_1367 : i32 to vector<16xi32>
      %eq3A_1369 = arith.cmpi eq, %select_n3A_1359, %eq3A_1368 : vector<16xi32>
      %add3A_1370 = arith.constant 1.000000e+00 : f32
      %add3A_1371 = vector.broadcast %add3A_1370 : f32 to vector<16xf32>
      %add3A_1372 = arith.addf %select_n3A_1217, %add3A_1371 : vector<16xf32>
      %select_n3A_1373 = arith.select %eq3A_1369, %add3A_1372, %select_n3A_1217 : vector<16xi1>, vector<16xf32>
      %eq3A_1374 = arith.constant 3 : i32
      %eq3A_1375 = vector.broadcast %eq3A_1374 : i32 to vector<16xi32>
      %eq3A_1376 = arith.cmpi eq, %select_n3A_1359, %eq3A_1375 : vector<16xi32>
      %add3A_1377 = arith.constant 1.000000e+00 : f32
      %add3A_1378 = vector.broadcast %add3A_1377 : f32 to vector<16xf32>
      %add3A_1379 = arith.addf %select_n3A_1224, %add3A_1378 : vector<16xf32>
      %select_n3A_1380 = arith.select %eq3A_1376, %add3A_1379, %select_n3A_1224 : vector<16xi1>, vector<16xf32>
      %eq3A_1381 = arith.constant 4 : i32
      %eq3A_1382 = vector.broadcast %eq3A_1381 : i32 to vector<16xi32>
      %eq3A_1383 = arith.cmpi eq, %select_n3A_1359, %eq3A_1382 : vector<16xi32>
      %add3A_1384 = arith.constant 1.000000e+00 : f32
      %add3A_1385 = vector.broadcast %add3A_1384 : f32 to vector<16xf32>
      %add3A_1386 = arith.addf %select_n3A_1231, %add3A_1385 : vector<16xf32>
      %select_n3A_1387 = arith.select %eq3A_1383, %add3A_1386, %select_n3A_1231 : vector<16xi1>, vector<16xf32>
      %eq3A_1388 = arith.constant 5 : i32
      %eq3A_1389 = vector.broadcast %eq3A_1388 : i32 to vector<16xi32>
      %eq3A_1390 = arith.cmpi eq, %select_n3A_1359, %eq3A_1389 : vector<16xi32>
      %add3A_1391 = arith.constant 1.000000e+00 : f32
      %add3A_1392 = vector.broadcast %add3A_1391 : f32 to vector<16xf32>
      %add3A_1393 = arith.addf %select_n3A_1238, %add3A_1392 : vector<16xf32>
      %select_n3A_1394 = arith.select %eq3A_1390, %add3A_1393, %select_n3A_1238 : vector<16xi1>, vector<16xf32>
      %eq3A_1395 = arith.constant 6 : i32
      %eq3A_1396 = vector.broadcast %eq3A_1395 : i32 to vector<16xi32>
      %eq3A_1397 = arith.cmpi eq, %select_n3A_1359, %eq3A_1396 : vector<16xi32>
      %add3A_1398 = arith.constant 1.000000e+00 : f32
      %add3A_1399 = vector.broadcast %add3A_1398 : f32 to vector<16xf32>
      %add3A_1400 = arith.addf %select_n3A_1245, %add3A_1399 : vector<16xf32>
      %select_n3A_1401 = arith.select %eq3A_1397, %add3A_1400, %select_n3A_1245 : vector<16xi1>, vector<16xf32>
      %eq3A_1402 = arith.constant 7 : i32
      %eq3A_1403 = vector.broadcast %eq3A_1402 : i32 to vector<16xi32>
      %eq3A_1404 = arith.cmpi eq, %select_n3A_1359, %eq3A_1403 : vector<16xi32>
      %add3A_1405 = arith.constant 1.000000e+00 : f32
      %add3A_1406 = vector.broadcast %add3A_1405 : f32 to vector<16xf32>
      %add3A_1407 = arith.addf %select_n3A_1252, %add3A_1406 : vector<16xf32>
      %select_n3A_1408 = arith.select %eq3A_1404, %add3A_1407, %select_n3A_1252 : vector<16xi1>, vector<16xf32>
      %eq3A_1409 = arith.constant 8 : i32
      %eq3A_1410 = vector.broadcast %eq3A_1409 : i32 to vector<16xi32>
      %eq3A_1411 = arith.cmpi eq, %select_n3A_1359, %eq3A_1410 : vector<16xi32>
      %add3A_1412 = arith.constant 1.000000e+00 : f32
      %add3A_1413 = vector.broadcast %add3A_1412 : f32 to vector<16xf32>
      %add3A_1414 = arith.addf %select_n3A_1259, %add3A_1413 : vector<16xf32>
      %select_n3A_1415 = arith.select %eq3A_1411, %add3A_1414, %select_n3A_1259 : vector<16xi1>, vector<16xf32>
      %eq3A_1416 = arith.constant 9 : i32
      %eq3A_1417 = vector.broadcast %eq3A_1416 : i32 to vector<16xi32>
      %eq3A_1418 = arith.cmpi eq, %select_n3A_1359, %eq3A_1417 : vector<16xi32>
      %add3A_1419 = arith.constant 1.000000e+00 : f32
      %add3A_1420 = vector.broadcast %add3A_1419 : f32 to vector<16xf32>
      %add3A_1421 = arith.addf %select_n3A_1266, %add3A_1420 : vector<16xf32>
      %select_n3A_1422 = arith.select %eq3A_1418, %add3A_1421, %select_n3A_1266 : vector<16xi1>, vector<16xf32>
      %eq3A_1423 = arith.constant 10 : i32
      %eq3A_1424 = vector.broadcast %eq3A_1423 : i32 to vector<16xi32>
      %eq3A_1425 = arith.cmpi eq, %select_n3A_1359, %eq3A_1424 : vector<16xi32>
      %add3A_1426 = arith.constant 1.000000e+00 : f32
      %add3A_1427 = vector.broadcast %add3A_1426 : f32 to vector<16xf32>
      %add3A_1428 = arith.addf %select_n3A_1273, %add3A_1427 : vector<16xf32>
      %select_n3A_1429 = arith.select %eq3A_1425, %add3A_1428, %select_n3A_1273 : vector<16xi1>, vector<16xf32>
      %eq3A_1430 = arith.constant 11 : i32
      %eq3A_1431 = vector.broadcast %eq3A_1430 : i32 to vector<16xi32>
      %eq3A_1432 = arith.cmpi eq, %select_n3A_1359, %eq3A_1431 : vector<16xi32>
      %add3A_1433 = arith.constant 1.000000e+00 : f32
      %add3A_1434 = vector.broadcast %add3A_1433 : f32 to vector<16xf32>
      %add3A_1435 = arith.addf %select_n3A_1280, %add3A_1434 : vector<16xf32>
      %select_n3A_1436 = arith.select %eq3A_1432, %add3A_1435, %select_n3A_1280 : vector<16xi1>, vector<16xf32>
      %eq3A_1437 = arith.constant 12 : i32
      %eq3A_1438 = vector.broadcast %eq3A_1437 : i32 to vector<16xi32>
      %eq3A_1439 = arith.cmpi eq, %select_n3A_1359, %eq3A_1438 : vector<16xi32>
      %add3A_1440 = arith.constant 1.000000e+00 : f32
      %add3A_1441 = vector.broadcast %add3A_1440 : f32 to vector<16xf32>
      %add3A_1442 = arith.addf %select_n3A_1287, %add3A_1441 : vector<16xf32>
      %select_n3A_1443 = arith.select %eq3A_1439, %add3A_1442, %select_n3A_1287 : vector<16xi1>, vector<16xf32>
      %eq3A_1444 = arith.constant 13 : i32
      %eq3A_1445 = vector.broadcast %eq3A_1444 : i32 to vector<16xi32>
      %eq3A_1446 = arith.cmpi eq, %select_n3A_1359, %eq3A_1445 : vector<16xi32>
      %add3A_1447 = arith.constant 1.000000e+00 : f32
      %add3A_1448 = vector.broadcast %add3A_1447 : f32 to vector<16xf32>
      %add3A_1449 = arith.addf %select_n3A_1294, %add3A_1448 : vector<16xf32>
      %select_n3A_1450 = arith.select %eq3A_1446, %add3A_1449, %select_n3A_1294 : vector<16xi1>, vector<16xf32>
      %eq3A_1451 = arith.constant 14 : i32
      %eq3A_1452 = vector.broadcast %eq3A_1451 : i32 to vector<16xi32>
      %eq3A_1453 = arith.cmpi eq, %select_n3A_1359, %eq3A_1452 : vector<16xi32>
      %add3A_1454 = arith.constant 1.000000e+00 : f32
      %add3A_1455 = vector.broadcast %add3A_1454 : f32 to vector<16xf32>
      %add3A_1456 = arith.addf %select_n3A_1301, %add3A_1455 : vector<16xf32>
      %select_n3A_1457 = arith.select %eq3A_1453, %add3A_1456, %select_n3A_1301 : vector<16xi1>, vector<16xf32>
      %eq3A_1458 = arith.constant 15 : i32
      %eq3A_1459 = vector.broadcast %eq3A_1458 : i32 to vector<16xi32>
      %eq3A_1460 = arith.cmpi eq, %select_n3A_1359, %eq3A_1459 : vector<16xi32>
      %add3A_1461 = arith.constant 1.000000e+00 : f32
      %add3A_1462 = vector.broadcast %add3A_1461 : f32 to vector<16xf32>
      %add3A_1463 = arith.addf %select_n3A_1308, %add3A_1462 : vector<16xf32>
      %select_n3A_1464 = arith.select %eq3A_1460, %add3A_1463, %select_n3A_1308 : vector<16xi1>, vector<16xf32>
      %eq3A_1465 = arith.constant 16 : i32
      %eq3A_1466 = vector.broadcast %eq3A_1465 : i32 to vector<16xi32>
      %eq3A_1467 = arith.cmpi eq, %select_n3A_1359, %eq3A_1466 : vector<16xi32>
      %add3A_1468 = arith.constant 1.000000e+00 : f32
      %add3A_1469 = vector.broadcast %add3A_1468 : f32 to vector<16xf32>
      %add3A_1470 = arith.addf %select_n3A_1315, %add3A_1469 : vector<16xf32>
      %select_n3A_1471 = arith.select %eq3A_1467, %add3A_1470, %select_n3A_1315 : vector<16xi1>, vector<16xf32>
      %eq3A_1472 = arith.constant 17 : i32
      %eq3A_1473 = vector.broadcast %eq3A_1472 : i32 to vector<16xi32>
      %eq3A_1474 = arith.cmpi eq, %select_n3A_1359, %eq3A_1473 : vector<16xi32>
      %add3A_1475 = arith.constant 1.000000e+00 : f32
      %add3A_1476 = vector.broadcast %add3A_1475 : f32 to vector<16xf32>
      %add3A_1477 = arith.addf %select_n3A_1322, %add3A_1476 : vector<16xf32>
      %select_n3A_1478 = arith.select %eq3A_1474, %add3A_1477, %select_n3A_1322 : vector<16xi1>, vector<16xf32>
      %eq3A_1479 = arith.constant 18 : i32
      %eq3A_1480 = vector.broadcast %eq3A_1479 : i32 to vector<16xi32>
      %eq3A_1481 = arith.cmpi eq, %select_n3A_1359, %eq3A_1480 : vector<16xi32>
      %add3A_1482 = arith.constant 1.000000e+00 : f32
      %add3A_1483 = vector.broadcast %add3A_1482 : f32 to vector<16xf32>
      %add3A_1484 = arith.addf %select_n3A_1329, %add3A_1483 : vector<16xf32>
      %select_n3A_1485 = arith.select %eq3A_1481, %add3A_1484, %select_n3A_1329 : vector<16xi1>, vector<16xf32>
      %eq3A_1486 = arith.constant 19 : i32
      %eq3A_1487 = vector.broadcast %eq3A_1486 : i32 to vector<16xi32>
      %eq3A_1488 = arith.cmpi eq, %select_n3A_1359, %eq3A_1487 : vector<16xi32>
      %add3A_1489 = arith.constant 1.000000e+00 : f32
      %add3A_1490 = vector.broadcast %add3A_1489 : f32 to vector<16xf32>
      %add3A_1491 = arith.addf %select_n3A_1336, %add3A_1490 : vector<16xf32>
      %select_n3A_1492 = arith.select %eq3A_1488, %add3A_1491, %select_n3A_1336 : vector<16xi1>, vector<16xf32>
      %eq3A_1493 = arith.constant 20 : i32
      %eq3A_1494 = vector.broadcast %eq3A_1493 : i32 to vector<16xi32>
      %eq3A_1495 = arith.cmpi eq, %select_n3A_1359, %eq3A_1494 : vector<16xi32>
      %add3A_1496 = arith.constant 1.000000e+00 : f32
      %add3A_1497 = vector.broadcast %add3A_1496 : f32 to vector<16xf32>
      %add3A_1498 = arith.addf %select_n3A_1343, %add3A_1497 : vector<16xf32>
      %select_n3A_1499 = arith.select %eq3A_1495, %add3A_1498, %select_n3A_1343 : vector<16xi1>, vector<16xf32>
      scf.yield %select_n3A_1366, %select_n3A_1373, %select_n3A_1380, %select_n3A_1387, %select_n3A_1394, %select_n3A_1401, %select_n3A_1408, %select_n3A_1415, %select_n3A_1422, %select_n3A_1429, %select_n3A_1436, %select_n3A_1443, %select_n3A_1450, %select_n3A_1457, %select_n3A_1464, %select_n3A_1471, %select_n3A_1478, %select_n3A_1485, %select_n3A_1492, %select_n3A_1499 : vector<16xf32>, vector<16xf32>, vector<16xf32>, vector<16xf32>, vector<16xf32>, vector<16xf32>, vector<16xf32>, vector<16xf32>, vector<16xf32>, vector<16xf32>, vector<16xf32>, vector<16xf32>, vector<16xf32>, vector<16xf32>, vector<16xf32>, vector<16xf32>, vector<16xf32>, vector<16xf32>, vector<16xf32>, vector<16xf32>
    }
    %scan3A_328 = arith.constant 128 : i32
    %dma_wait3A_329 = arith.constant 1 : i32
    %dma_wait3A_330 = arith.constant 0 : i32
    %dma_wait3A_331 = tpu.memref_slice %arg5[%dma_wait3A_329, %dma_wait3A_330] : memref<2x16384xi32, #tpu.memory_space<vmem>> -> memref<1x16384xi32, #tpu.memory_space<vmem>>
    %dma_wait3A_332 = tpu.memref_squeeze %dma_wait3A_331 : memref<1x16384xi32, #tpu.memory_space<vmem>> -> memref<16384xi32, #tpu.memory_space<vmem>>
    %dma_wait3A_333 = tpu.memref_slice %arg2[%add3A_286] : memref<1048576xi32, #tpu.memory_space<hbm>> -> memref<16384xi32, #tpu.memory_space<hbm>>
    %dma_wait3A_334 = arith.constant 0 : i32
    %dma_wait3A_335 = tpu.memref_slice %arg5[%dma_wait3A_329, %dma_wait3A_334] : memref<2x16384xi32, #tpu.memory_space<vmem>> -> memref<1x16384xi32, #tpu.memory_space<vmem>>
    %dma_wait3A_336 = tpu.memref_squeeze %dma_wait3A_335 : memref<1x16384xi32, #tpu.memory_space<vmem>> -> memref<16384xi32, #tpu.memory_space<vmem>>
    %dma_wait3A_337 = tpu.memref_slice %arg2[%add3A_286] : memref<1048576xi32, #tpu.memory_space<hbm>> -> memref<16384xi32, #tpu.memory_space<hbm>>
    tpu.wait_dma2 semaphore(%arg13 : memref<!tpu.dma_semaphore, #tpu.memory_space<semaphore_mem>>) src(%dma_wait3A_337 : memref<16384xi32, #tpu.memory_space<hbm>>) dst(%dma_wait3A_336 : memref<16384xi32, #tpu.memory_space<vmem>>)
    %dma_wait3A_338 = arith.constant 1 : i32
    %dma_wait3A_339 = arith.constant 0 : i32
    %dma_wait3A_340 = tpu.memref_slice %arg6[%dma_wait3A_338, %dma_wait3A_339] : memref<2x16384xi32, #tpu.memory_space<vmem>> -> memref<1x16384xi32, #tpu.memory_space<vmem>>
    %dma_wait3A_341 = tpu.memref_squeeze %dma_wait3A_340 : memref<1x16384xi32, #tpu.memory_space<vmem>> -> memref<16384xi32, #tpu.memory_space<vmem>>
    %dma_wait3A_342 = tpu.memref_slice %arg3[%add3A_297] : memref<1048576xi32, #tpu.memory_space<hbm>> -> memref<16384xi32, #tpu.memory_space<hbm>>
    %dma_wait3A_343 = arith.constant 0 : i32
    %dma_wait3A_344 = tpu.memref_slice %arg6[%dma_wait3A_338, %dma_wait3A_343] : memref<2x16384xi32, #tpu.memory_space<vmem>> -> memref<1x16384xi32, #tpu.memory_space<vmem>>
    %dma_wait3A_345 = tpu.memref_squeeze %dma_wait3A_344 : memref<1x16384xi32, #tpu.memory_space<vmem>> -> memref<16384xi32, #tpu.memory_space<vmem>>
    %dma_wait3A_346 = tpu.memref_slice %arg3[%add3A_297] : memref<1048576xi32, #tpu.memory_space<hbm>> -> memref<16384xi32, #tpu.memory_space<hbm>>
    tpu.wait_dma2 semaphore(%arg15 : memref<!tpu.dma_semaphore, #tpu.memory_space<semaphore_mem>>) src(%dma_wait3A_346 : memref<16384xi32, #tpu.memory_space<hbm>>) dst(%dma_wait3A_345 : memref<16384xi32, #tpu.memory_space<vmem>>)
    %scan3A_347 = arith.constant 0 : i32
    %scan3A_348 = arith.constant 128 : i32
    %scan3A_349 = arith.addi %scan3A_347, %scan3A_348 : i32
    %scan3A_350 = arith.constant 1 : i32
    %scan3A_351:20 = scf.for %scan3A_800 = %scan3A_347 to %scan3A_349 step %scan3A_350 iter_args(%scan3A_801 = %scan3A_327#0, %scan3A_802 = %scan3A_327#1, %scan3A_803 = %scan3A_327#2, %scan3A_804 = %scan3A_327#3, %scan3A_805 = %scan3A_327#4, %scan3A_806 = %scan3A_327#5, %scan3A_807 = %scan3A_327#6, %scan3A_808 = %scan3A_327#7, %scan3A_809 = %scan3A_327#8, %scan3A_810 = %scan3A_327#9, %scan3A_811 = %scan3A_327#10, %scan3A_812 = %scan3A_327#11, %scan3A_813 = %scan3A_327#12, %scan3A_814 = %scan3A_327#13, %scan3A_815 = %scan3A_327#14, %scan3A_816 = %scan3A_327#15, %scan3A_817 = %scan3A_327#16, %scan3A_818 = %scan3A_327#17, %scan3A_819 = %scan3A_327#18, %scan3A_820 = %scan3A_327#19) -> (vector<16xf32>, vector<16xf32>, vector<16xf32>, vector<16xf32>, vector<16xf32>, vector<16xf32>, vector<16xf32>, vector<16xf32>, vector<16xf32>, vector<16xf32>, vector<16xf32>, vector<16xf32>, vector<16xf32>, vector<16xf32>, vector<16xf32>, vector<16xf32>, vector<16xf32>, vector<16xf32>, vector<16xf32>, vector<16xf32>)  : i32 {
      %mul3A_821 = arith.constant 128 : i32
      %mul3A_822 = arith.muli %scan3A_800, %mul3A_821 : i32
      %multiple_of3A = tpu.assume_multiple %mul3A_822, 128 : i32
      %add3A_823 = arith.constant 0 : i32
      %add3A_824 = arith.addi %multiple_of3A, %add3A_823 : i32
      %get3A_825 = arith.constant 1 : i32
      %get3A_826 = arith.index_cast %get3A_825 : i32 to index
      %get3A_827 = arith.index_cast %add3A_824 : i32 to index
      %get3A_828 = tpu.vector_load %arg5[%get3A_826, %get3A_827] {strides = array<i32>} : memref<2x16384xi32, #tpu.memory_space<vmem>>, vector<16xi32>,
      %add3A_829 = arith.constant 0 : i32
      %add3A_830 = arith.addi %multiple_of3A, %add3A_829 : i32
      %get3A_831 = arith.constant 1 : i32
      %get3A_832 = arith.index_cast %get3A_831 : i32 to index
      %get3A_833 = arith.index_cast %add3A_830 : i32 to index
      %get3A_834 = tpu.vector_load %arg6[%get3A_832, %get3A_833] {strides = array<i32>} : memref<2x16384xi32, #tpu.memory_space<vmem>>, vector<16xi32>,
      %add3A_835 = arith.addi %mul3A_261, %get3A_828 : vector<16xi32>
      %eq3A = arith.cmpi eq, %get3A_828, %get3A_834 : vector<16xi32>
      tpu.vector_store_idx %arg7[%add3A_835], %broadcast_in_dim3A_263 masked %eq3A {add = true} : memref<512xf32, #tpu.memory_space<vmem>>[vector<16xi32>], vector<16xf32>, vector<16xi1>
      %add3A_836 = arith.constant 16 : i32
      %add3A_837 = arith.addi %multiple_of3A, %add3A_836 : i32
      %get3A_838 = arith.constant 1 : i32
      %get3A_839 = arith.index_cast %get3A_838 : i32 to index
      %get3A_840 = arith.index_cast %add3A_837 : i32 to index
      %get3A_841 = tpu.vector_load %arg5[%get3A_839, %get3A_840] {strides = array<i32>} : memref<2x16384xi32, #tpu.memory_space<vmem>>, vector<16xi32>,
      %add3A_842 = arith.constant 16 : i32
      %add3A_843 = arith.addi %multiple_of3A, %add3A_842 : i32
      %get3A_844 = arith.constant 1 : i32
      %get3A_845 = arith.index_cast %get3A_844 : i32 to index
      %get3A_846 = arith.index_cast %add3A_843 : i32 to index
      %get3A_847 = tpu.vector_load %arg6[%get3A_845, %get3A_846] {strides = array<i32>} : memref<2x16384xi32, #tpu.memory_space<vmem>>, vector<16xi32>,
      %add3A_848 = arith.addi %mul3A_261, %get3A_841 : vector<16xi32>
      %eq3A_849 = arith.cmpi eq, %get3A_841, %get3A_847 : vector<16xi32>
      tpu.vector_store_idx %arg8[%add3A_848], %broadcast_in_dim3A_263 masked %eq3A_849 {add = true} : memref<512xf32, #tpu.memory_space<vmem>>[vector<16xi32>], vector<16xf32>, vector<16xi1>
      %add3A_850 = arith.constant 32 : i32
      %add3A_851 = arith.addi %multiple_of3A, %add3A_850 : i32
      %get3A_852 = arith.constant 1 : i32
      %get3A_853 = arith.index_cast %get3A_852 : i32 to index
      %get3A_854 = arith.index_cast %add3A_851 : i32 to index
      %get3A_855 = tpu.vector_load %arg5[%get3A_853, %get3A_854] {strides = array<i32>} : memref<2x16384xi32, #tpu.memory_space<vmem>>, vector<16xi32>,
      %add3A_856 = arith.constant 32 : i32
      %add3A_857 = arith.addi %multiple_of3A, %add3A_856 : i32
      %get3A_858 = arith.constant 1 : i32
      %get3A_859 = arith.index_cast %get3A_858 : i32 to index
      %get3A_860 = arith.index_cast %add3A_857 : i32 to index
      %get3A_861 = tpu.vector_load %arg6[%get3A_859, %get3A_860] {strides = array<i32>} : memref<2x16384xi32, #tpu.memory_space<vmem>>, vector<16xi32>,
      %add3A_862 = arith.addi %mul3A_261, %get3A_855 : vector<16xi32>
      %eq3A_863 = arith.cmpi eq, %get3A_855, %get3A_861 : vector<16xi32>
      tpu.vector_store_idx %arg9[%add3A_862], %broadcast_in_dim3A_263 masked %eq3A_863 {add = true} : memref<512xf32, #tpu.memory_space<vmem>>[vector<16xi32>], vector<16xf32>, vector<16xi1>
      %add3A_864 = arith.constant 48 : i32
      %add3A_865 = arith.addi %multiple_of3A, %add3A_864 : i32
      %get3A_866 = arith.constant 1 : i32
      %get3A_867 = arith.index_cast %get3A_866 : i32 to index
      %get3A_868 = arith.index_cast %add3A_865 : i32 to index
      %get3A_869 = tpu.vector_load %arg5[%get3A_867, %get3A_868] {strides = array<i32>} : memref<2x16384xi32, #tpu.memory_space<vmem>>, vector<16xi32>,
      %add3A_870 = arith.constant 48 : i32
      %add3A_871 = arith.addi %multiple_of3A, %add3A_870 : i32
      %get3A_872 = arith.constant 1 : i32
      %get3A_873 = arith.index_cast %get3A_872 : i32 to index
      %get3A_874 = arith.index_cast %add3A_871 : i32 to index
      %get3A_875 = tpu.vector_load %arg6[%get3A_873, %get3A_874] {strides = array<i32>} : memref<2x16384xi32, #tpu.memory_space<vmem>>, vector<16xi32>,
      %add3A_876 = arith.addi %mul3A_261, %get3A_869 : vector<16xi32>
      %eq3A_877 = arith.cmpi eq, %get3A_869, %get3A_875 : vector<16xi32>
      tpu.vector_store_idx %arg10[%add3A_876], %broadcast_in_dim3A_263 masked %eq3A_877 {add = true} : memref<512xf32, #tpu.memory_space<vmem>>[vector<16xi32>], vector<16xf32>, vector<16xi1>
      %add3A_878 = arith.constant 64 : i32
      %add3A_879 = arith.addi %multiple_of3A, %add3A_878 : i32
      %get3A_880 = arith.constant 1 : i32
      %get3A_881 = arith.index_cast %get3A_880 : i32 to index
      %get3A_882 = arith.index_cast %add3A_879 : i32 to index
      %get3A_883 = tpu.vector_load %arg5[%get3A_881, %get3A_882] {strides = array<i32>} : memref<2x16384xi32, #tpu.memory_space<vmem>>, vector<16xi32>,
      %add3A_884 = arith.constant 64 : i32
      %add3A_885 = arith.addi %multiple_of3A, %add3A_884 : i32
      %get3A_886 = arith.constant 1 : i32
      %get3A_887 = arith.index_cast %get3A_886 : i32 to index
      %get3A_888 = arith.index_cast %add3A_885 : i32 to index
      %get3A_889 = tpu.vector_load %arg6[%get3A_887, %get3A_888] {strides = array<i32>} : memref<2x16384xi32, #tpu.memory_space<vmem>>, vector<16xi32>,
      %eq3A_890 = arith.cmpi eq, %get3A_883, %get3A_889 : vector<16xi32>
      %jit3A = arith.constant -1 : i32
      %broadcast_in_dim3A_891 = vector.broadcast %jit3A : i32 to vector<16xi32>
      %select_n3A = arith.select %eq3A_890, %get3A_883, %broadcast_in_dim3A_891 : vector<16xi1>, vector<16xi32>
      %eq3A_892 = arith.constant 1 : i32
      %eq3A_893 = vector.broadcast %eq3A_892 : i32 to vector<16xi32>
      %eq3A_894 = arith.cmpi eq, %select_n3A, %eq3A_893 : vector<16xi32>
      %add3A_895 = arith.constant 1.000000e+00 : f32
      %add3A_896 = vector.broadcast %add3A_895 : f32 to vector<16xf32>
      %add3A_897 = arith.addf %scan3A_801, %add3A_896 : vector<16xf32>
      %select_n3A_898 = arith.select %eq3A_894, %add3A_897, %scan3A_801 : vector<16xi1>, vector<16xf32>
      %eq3A_899 = arith.constant 2 : i32
      %eq3A_900 = vector.broadcast %eq3A_899 : i32 to vector<16xi32>
      %eq3A_901 = arith.cmpi eq, %select_n3A, %eq3A_900 : vector<16xi32>
      %add3A_902 = arith.constant 1.000000e+00 : f32
      %add3A_903 = vector.broadcast %add3A_902 : f32 to vector<16xf32>
      %add3A_904 = arith.addf %scan3A_802, %add3A_903 : vector<16xf32>
      %select_n3A_905 = arith.select %eq3A_901, %add3A_904, %scan3A_802 : vector<16xi1>, vector<16xf32>
      %eq3A_906 = arith.constant 3 : i32
      %eq3A_907 = vector.broadcast %eq3A_906 : i32 to vector<16xi32>
      %eq3A_908 = arith.cmpi eq, %select_n3A, %eq3A_907 : vector<16xi32>
      %add3A_909 = arith.constant 1.000000e+00 : f32
      %add3A_910 = vector.broadcast %add3A_909 : f32 to vector<16xf32>
      %add3A_911 = arith.addf %scan3A_803, %add3A_910 : vector<16xf32>
      %select_n3A_912 = arith.select %eq3A_908, %add3A_911, %scan3A_803 : vector<16xi1>, vector<16xf32>
      %eq3A_913 = arith.constant 4 : i32
      %eq3A_914 = vector.broadcast %eq3A_913 : i32 to vector<16xi32>
      %eq3A_915 = arith.cmpi eq, %select_n3A, %eq3A_914 : vector<16xi32>
      %add3A_916 = arith.constant 1.000000e+00 : f32
      %add3A_917 = vector.broadcast %add3A_916 : f32 to vector<16xf32>
      %add3A_918 = arith.addf %scan3A_804, %add3A_917 : vector<16xf32>
      %select_n3A_919 = arith.select %eq3A_915, %add3A_918, %scan3A_804 : vector<16xi1>, vector<16xf32>
      %eq3A_920 = arith.constant 5 : i32
      %eq3A_921 = vector.broadcast %eq3A_920 : i32 to vector<16xi32>
      %eq3A_922 = arith.cmpi eq, %select_n3A, %eq3A_921 : vector<16xi32>
      %add3A_923 = arith.constant 1.000000e+00 : f32
      %add3A_924 = vector.broadcast %add3A_923 : f32 to vector<16xf32>
      %add3A_925 = arith.addf %scan3A_805, %add3A_924 : vector<16xf32>
      %select_n3A_926 = arith.select %eq3A_922, %add3A_925, %scan3A_805 : vector<16xi1>, vector<16xf32>
      %eq3A_927 = arith.constant 6 : i32
      %eq3A_928 = vector.broadcast %eq3A_927 : i32 to vector<16xi32>
      %eq3A_929 = arith.cmpi eq, %select_n3A, %eq3A_928 : vector<16xi32>
      %add3A_930 = arith.constant 1.000000e+00 : f32
      %add3A_931 = vector.broadcast %add3A_930 : f32 to vector<16xf32>
      %add3A_932 = arith.addf %scan3A_806, %add3A_931 : vector<16xf32>
      %select_n3A_933 = arith.select %eq3A_929, %add3A_932, %scan3A_806 : vector<16xi1>, vector<16xf32>
      %eq3A_934 = arith.constant 7 : i32
      %eq3A_935 = vector.broadcast %eq3A_934 : i32 to vector<16xi32>
      %eq3A_936 = arith.cmpi eq, %select_n3A, %eq3A_935 : vector<16xi32>
      %add3A_937 = arith.constant 1.000000e+00 : f32
      %add3A_938 = vector.broadcast %add3A_937 : f32 to vector<16xf32>
      %add3A_939 = arith.addf %scan3A_807, %add3A_938 : vector<16xf32>
      %select_n3A_940 = arith.select %eq3A_936, %add3A_939, %scan3A_807 : vector<16xi1>, vector<16xf32>
      %eq3A_941 = arith.constant 8 : i32
      %eq3A_942 = vector.broadcast %eq3A_941 : i32 to vector<16xi32>
      %eq3A_943 = arith.cmpi eq, %select_n3A, %eq3A_942 : vector<16xi32>
      %add3A_944 = arith.constant 1.000000e+00 : f32
      %add3A_945 = vector.broadcast %add3A_944 : f32 to vector<16xf32>
      %add3A_946 = arith.addf %scan3A_808, %add3A_945 : vector<16xf32>
      %select_n3A_947 = arith.select %eq3A_943, %add3A_946, %scan3A_808 : vector<16xi1>, vector<16xf32>
      %eq3A_948 = arith.constant 9 : i32
      %eq3A_949 = vector.broadcast %eq3A_948 : i32 to vector<16xi32>
      %eq3A_950 = arith.cmpi eq, %select_n3A, %eq3A_949 : vector<16xi32>
      %add3A_951 = arith.constant 1.000000e+00 : f32
      %add3A_952 = vector.broadcast %add3A_951 : f32 to vector<16xf32>
      %add3A_953 = arith.addf %scan3A_809, %add3A_952 : vector<16xf32>
      %select_n3A_954 = arith.select %eq3A_950, %add3A_953, %scan3A_809 : vector<16xi1>, vector<16xf32>
      %eq3A_955 = arith.constant 10 : i32
      %eq3A_956 = vector.broadcast %eq3A_955 : i32 to vector<16xi32>
      %eq3A_957 = arith.cmpi eq, %select_n3A, %eq3A_956 : vector<16xi32>
      %add3A_958 = arith.constant 1.000000e+00 : f32
      %add3A_959 = vector.broadcast %add3A_958 : f32 to vector<16xf32>
      %add3A_960 = arith.addf %scan3A_810, %add3A_959 : vector<16xf32>
      %select_n3A_961 = arith.select %eq3A_957, %add3A_960, %scan3A_810 : vector<16xi1>, vector<16xf32>
      %eq3A_962 = arith.constant 11 : i32
      %eq3A_963 = vector.broadcast %eq3A_962 : i32 to vector<16xi32>
      %eq3A_964 = arith.cmpi eq, %select_n3A, %eq3A_963 : vector<16xi32>
      %add3A_965 = arith.constant 1.000000e+00 : f32
      %add3A_966 = vector.broadcast %add3A_965 : f32 to vector<16xf32>
      %add3A_967 = arith.addf %scan3A_811, %add3A_966 : vector<16xf32>
      %select_n3A_968 = arith.select %eq3A_964, %add3A_967, %scan3A_811 : vector<16xi1>, vector<16xf32>
      %eq3A_969 = arith.constant 12 : i32
      %eq3A_970 = vector.broadcast %eq3A_969 : i32 to vector<16xi32>
      %eq3A_971 = arith.cmpi eq, %select_n3A, %eq3A_970 : vector<16xi32>
      %add3A_972 = arith.constant 1.000000e+00 : f32
      %add3A_973 = vector.broadcast %add3A_972 : f32 to vector<16xf32>
      %add3A_974 = arith.addf %scan3A_812, %add3A_973 : vector<16xf32>
      %select_n3A_975 = arith.select %eq3A_971, %add3A_974, %scan3A_812 : vector<16xi1>, vector<16xf32>
      %eq3A_976 = arith.constant 13 : i32
      %eq3A_977 = vector.broadcast %eq3A_976 : i32 to vector<16xi32>
      %eq3A_978 = arith.cmpi eq, %select_n3A, %eq3A_977 : vector<16xi32>
      %add3A_979 = arith.constant 1.000000e+00 : f32
      %add3A_980 = vector.broadcast %add3A_979 : f32 to vector<16xf32>
      %add3A_981 = arith.addf %scan3A_813, %add3A_980 : vector<16xf32>
      %select_n3A_982 = arith.select %eq3A_978, %add3A_981, %scan3A_813 : vector<16xi1>, vector<16xf32>
      %eq3A_983 = arith.constant 14 : i32
      %eq3A_984 = vector.broadcast %eq3A_983 : i32 to vector<16xi32>
      %eq3A_985 = arith.cmpi eq, %select_n3A, %eq3A_984 : vector<16xi32>
      %add3A_986 = arith.constant 1.000000e+00 : f32
      %add3A_987 = vector.broadcast %add3A_986 : f32 to vector<16xf32>
      %add3A_988 = arith.addf %scan3A_814, %add3A_987 : vector<16xf32>
      %select_n3A_989 = arith.select %eq3A_985, %add3A_988, %scan3A_814 : vector<16xi1>, vector<16xf32>
      %eq3A_990 = arith.constant 15 : i32
      %eq3A_991 = vector.broadcast %eq3A_990 : i32 to vector<16xi32>
      %eq3A_992 = arith.cmpi eq, %select_n3A, %eq3A_991 : vector<16xi32>
      %add3A_993 = arith.constant 1.000000e+00 : f32
      %add3A_994 = vector.broadcast %add3A_993 : f32 to vector<16xf32>
      %add3A_995 = arith.addf %scan3A_815, %add3A_994 : vector<16xf32>
      %select_n3A_996 = arith.select %eq3A_992, %add3A_995, %scan3A_815 : vector<16xi1>, vector<16xf32>
      %eq3A_997 = arith.constant 16 : i32
      %eq3A_998 = vector.broadcast %eq3A_997 : i32 to vector<16xi32>
      %eq3A_999 = arith.cmpi eq, %select_n3A, %eq3A_998 : vector<16xi32>
      %add3A_1000 = arith.constant 1.000000e+00 : f32
      %add3A_1001 = vector.broadcast %add3A_1000 : f32 to vector<16xf32>
      %add3A_1002 = arith.addf %scan3A_816, %add3A_1001 : vector<16xf32>
      %select_n3A_1003 = arith.select %eq3A_999, %add3A_1002, %scan3A_816 : vector<16xi1>, vector<16xf32>
      %eq3A_1004 = arith.constant 17 : i32
      %eq3A_1005 = vector.broadcast %eq3A_1004 : i32 to vector<16xi32>
      %eq3A_1006 = arith.cmpi eq, %select_n3A, %eq3A_1005 : vector<16xi32>
      %add3A_1007 = arith.constant 1.000000e+00 : f32
      %add3A_1008 = vector.broadcast %add3A_1007 : f32 to vector<16xf32>
      %add3A_1009 = arith.addf %scan3A_817, %add3A_1008 : vector<16xf32>
      %select_n3A_1010 = arith.select %eq3A_1006, %add3A_1009, %scan3A_817 : vector<16xi1>, vector<16xf32>
      %eq3A_1011 = arith.constant 18 : i32
      %eq3A_1012 = vector.broadcast %eq3A_1011 : i32 to vector<16xi32>
      %eq3A_1013 = arith.cmpi eq, %select_n3A, %eq3A_1012 : vector<16xi32>
      %add3A_1014 = arith.constant 1.000000e+00 : f32
      %add3A_1015 = vector.broadcast %add3A_1014 : f32 to vector<16xf32>
      %add3A_1016 = arith.addf %scan3A_818, %add3A_1015 : vector<16xf32>
      %select_n3A_1017 = arith.select %eq3A_1013, %add3A_1016, %scan3A_818 : vector<16xi1>, vector<16xf32>
      %eq3A_1018 = arith.constant 19 : i32
      %eq3A_1019 = vector.broadcast %eq3A_1018 : i32 to vector<16xi32>
      %eq3A_1020 = arith.cmpi eq, %select_n3A, %eq3A_1019 : vector<16xi32>
      %add3A_1021 = arith.constant 1.000000e+00 : f32
      %add3A_1022 = vector.broadcast %add3A_1021 : f32 to vector<16xf32>
      %add3A_1023 = arith.addf %scan3A_819, %add3A_1022 : vector<16xf32>
      %select_n3A_1024 = arith.select %eq3A_1020, %add3A_1023, %scan3A_819 : vector<16xi1>, vector<16xf32>
      %eq3A_1025 = arith.constant 20 : i32
      %eq3A_1026 = vector.broadcast %eq3A_1025 : i32 to vector<16xi32>
      %eq3A_1027 = arith.cmpi eq, %select_n3A, %eq3A_1026 : vector<16xi32>
      %add3A_1028 = arith.constant 1.000000e+00 : f32
      %add3A_1029 = vector.broadcast %add3A_1028 : f32 to vector<16xf32>
      %add3A_1030 = arith.addf %scan3A_820, %add3A_1029 : vector<16xf32>
      %select_n3A_1031 = arith.select %eq3A_1027, %add3A_1030, %scan3A_820 : vector<16xi1>, vector<16xf32>
      %add3A_1032 = arith.constant 80 : i32
      %add3A_1033 = arith.addi %multiple_of3A, %add3A_1032 : i32
      %get3A_1034 = arith.constant 1 : i32
      %get3A_1035 = arith.index_cast %get3A_1034 : i32 to index
      %get3A_1036 = arith.index_cast %add3A_1033 : i32 to index
      %get3A_1037 = tpu.vector_load %arg5[%get3A_1035, %get3A_1036] {strides = array<i32>} : memref<2x16384xi32, #tpu.memory_space<vmem>>, vector<16xi32>,
      %add3A_1038 = arith.constant 80 : i32
      %add3A_1039 = arith.addi %multiple_of3A, %add3A_1038 : i32
      %get3A_1040 = arith.constant 1 : i32
      %get3A_1041 = arith.index_cast %get3A_1040 : i32 to index
      %get3A_1042 = arith.index_cast %add3A_1039 : i32 to index
      %get3A_1043 = tpu.vector_load %arg6[%get3A_1041, %get3A_1042] {strides = array<i32>} : memref<2x16384xi32, #tpu.memory_space<vmem>>, vector<16xi32>,
      %eq3A_1044 = arith.cmpi eq, %get3A_1037, %get3A_1043 : vector<16xi32>
      %jit3A_1045 = arith.constant -1 : i32
      %broadcast_in_dim3A_1046 = vector.broadcast %jit3A_1045 : i32 to vector<16xi32>
      %select_n3A_1047 = arith.select %eq3A_1044, %get3A_1037, %broadcast_in_dim3A_1046 : vector<16xi1>, vector<16xi32>
      %eq3A_1048 = arith.constant 1 : i32
      %eq3A_1049 = vector.broadcast %eq3A_1048 : i32 to vector<16xi32>
      %eq3A_1050 = arith.cmpi eq, %select_n3A_1047, %eq3A_1049 : vector<16xi32>
      %add3A_1051 = arith.constant 1.000000e+00 : f32
      %add3A_1052 = vector.broadcast %add3A_1051 : f32 to vector<16xf32>
      %add3A_1053 = arith.addf %select_n3A_898, %add3A_1052 : vector<16xf32>
      %select_n3A_1054 = arith.select %eq3A_1050, %add3A_1053, %select_n3A_898 : vector<16xi1>, vector<16xf32>
      %eq3A_1055 = arith.constant 2 : i32
      %eq3A_1056 = vector.broadcast %eq3A_1055 : i32 to vector<16xi32>
      %eq3A_1057 = arith.cmpi eq, %select_n3A_1047, %eq3A_1056 : vector<16xi32>
      %add3A_1058 = arith.constant 1.000000e+00 : f32
      %add3A_1059 = vector.broadcast %add3A_1058 : f32 to vector<16xf32>
      %add3A_1060 = arith.addf %select_n3A_905, %add3A_1059 : vector<16xf32>
      %select_n3A_1061 = arith.select %eq3A_1057, %add3A_1060, %select_n3A_905 : vector<16xi1>, vector<16xf32>
      %eq3A_1062 = arith.constant 3 : i32
      %eq3A_1063 = vector.broadcast %eq3A_1062 : i32 to vector<16xi32>
      %eq3A_1064 = arith.cmpi eq, %select_n3A_1047, %eq3A_1063 : vector<16xi32>
      %add3A_1065 = arith.constant 1.000000e+00 : f32
      %add3A_1066 = vector.broadcast %add3A_1065 : f32 to vector<16xf32>
      %add3A_1067 = arith.addf %select_n3A_912, %add3A_1066 : vector<16xf32>
      %select_n3A_1068 = arith.select %eq3A_1064, %add3A_1067, %select_n3A_912 : vector<16xi1>, vector<16xf32>
      %eq3A_1069 = arith.constant 4 : i32
      %eq3A_1070 = vector.broadcast %eq3A_1069 : i32 to vector<16xi32>
      %eq3A_1071 = arith.cmpi eq, %select_n3A_1047, %eq3A_1070 : vector<16xi32>
      %add3A_1072 = arith.constant 1.000000e+00 : f32
      %add3A_1073 = vector.broadcast %add3A_1072 : f32 to vector<16xf32>
      %add3A_1074 = arith.addf %select_n3A_919, %add3A_1073 : vector<16xf32>
      %select_n3A_1075 = arith.select %eq3A_1071, %add3A_1074, %select_n3A_919 : vector<16xi1>, vector<16xf32>
      %eq3A_1076 = arith.constant 5 : i32
      %eq3A_1077 = vector.broadcast %eq3A_1076 : i32 to vector<16xi32>
      %eq3A_1078 = arith.cmpi eq, %select_n3A_1047, %eq3A_1077 : vector<16xi32>
      %add3A_1079 = arith.constant 1.000000e+00 : f32
      %add3A_1080 = vector.broadcast %add3A_1079 : f32 to vector<16xf32>
      %add3A_1081 = arith.addf %select_n3A_926, %add3A_1080 : vector<16xf32>
      %select_n3A_1082 = arith.select %eq3A_1078, %add3A_1081, %select_n3A_926 : vector<16xi1>, vector<16xf32>
      %eq3A_1083 = arith.constant 6 : i32
      %eq3A_1084 = vector.broadcast %eq3A_1083 : i32 to vector<16xi32>
      %eq3A_1085 = arith.cmpi eq, %select_n3A_1047, %eq3A_1084 : vector<16xi32>
      %add3A_1086 = arith.constant 1.000000e+00 : f32
      %add3A_1087 = vector.broadcast %add3A_1086 : f32 to vector<16xf32>
      %add3A_1088 = arith.addf %select_n3A_933, %add3A_1087 : vector<16xf32>
      %select_n3A_1089 = arith.select %eq3A_1085, %add3A_1088, %select_n3A_933 : vector<16xi1>, vector<16xf32>
      %eq3A_1090 = arith.constant 7 : i32
      %eq3A_1091 = vector.broadcast %eq3A_1090 : i32 to vector<16xi32>
      %eq3A_1092 = arith.cmpi eq, %select_n3A_1047, %eq3A_1091 : vector<16xi32>
      %add3A_1093 = arith.constant 1.000000e+00 : f32
      %add3A_1094 = vector.broadcast %add3A_1093 : f32 to vector<16xf32>
      %add3A_1095 = arith.addf %select_n3A_940, %add3A_1094 : vector<16xf32>
      %select_n3A_1096 = arith.select %eq3A_1092, %add3A_1095, %select_n3A_940 : vector<16xi1>, vector<16xf32>
      %eq3A_1097 = arith.constant 8 : i32
      %eq3A_1098 = vector.broadcast %eq3A_1097 : i32 to vector<16xi32>
      %eq3A_1099 = arith.cmpi eq, %select_n3A_1047, %eq3A_1098 : vector<16xi32>
      %add3A_1100 = arith.constant 1.000000e+00 : f32
      %add3A_1101 = vector.broadcast %add3A_1100 : f32 to vector<16xf32>
      %add3A_1102 = arith.addf %select_n3A_947, %add3A_1101 : vector<16xf32>
      %select_n3A_1103 = arith.select %eq3A_1099, %add3A_1102, %select_n3A_947 : vector<16xi1>, vector<16xf32>
      %eq3A_1104 = arith.constant 9 : i32
      %eq3A_1105 = vector.broadcast %eq3A_1104 : i32 to vector<16xi32>
      %eq3A_1106 = arith.cmpi eq, %select_n3A_1047, %eq3A_1105 : vector<16xi32>
      %add3A_1107 = arith.constant 1.000000e+00 : f32
      %add3A_1108 = vector.broadcast %add3A_1107 : f32 to vector<16xf32>
      %add3A_1109 = arith.addf %select_n3A_954, %add3A_1108 : vector<16xf32>
      %select_n3A_1110 = arith.select %eq3A_1106, %add3A_1109, %select_n3A_954 : vector<16xi1>, vector<16xf32>
      %eq3A_1111 = arith.constant 10 : i32
      %eq3A_1112 = vector.broadcast %eq3A_1111 : i32 to vector<16xi32>
      %eq3A_1113 = arith.cmpi eq, %select_n3A_1047, %eq3A_1112 : vector<16xi32>
      %add3A_1114 = arith.constant 1.000000e+00 : f32
      %add3A_1115 = vector.broadcast %add3A_1114 : f32 to vector<16xf32>
      %add3A_1116 = arith.addf %select_n3A_961, %add3A_1115 : vector<16xf32>
      %select_n3A_1117 = arith.select %eq3A_1113, %add3A_1116, %select_n3A_961 : vector<16xi1>, vector<16xf32>
      %eq3A_1118 = arith.constant 11 : i32
      %eq3A_1119 = vector.broadcast %eq3A_1118 : i32 to vector<16xi32>
      %eq3A_1120 = arith.cmpi eq, %select_n3A_1047, %eq3A_1119 : vector<16xi32>
      %add3A_1121 = arith.constant 1.000000e+00 : f32
      %add3A_1122 = vector.broadcast %add3A_1121 : f32 to vector<16xf32>
      %add3A_1123 = arith.addf %select_n3A_968, %add3A_1122 : vector<16xf32>
      %select_n3A_1124 = arith.select %eq3A_1120, %add3A_1123, %select_n3A_968 : vector<16xi1>, vector<16xf32>
      %eq3A_1125 = arith.constant 12 : i32
      %eq3A_1126 = vector.broadcast %eq3A_1125 : i32 to vector<16xi32>
      %eq3A_1127 = arith.cmpi eq, %select_n3A_1047, %eq3A_1126 : vector<16xi32>
      %add3A_1128 = arith.constant 1.000000e+00 : f32
      %add3A_1129 = vector.broadcast %add3A_1128 : f32 to vector<16xf32>
      %add3A_1130 = arith.addf %select_n3A_975, %add3A_1129 : vector<16xf32>
      %select_n3A_1131 = arith.select %eq3A_1127, %add3A_1130, %select_n3A_975 : vector<16xi1>, vector<16xf32>
      %eq3A_1132 = arith.constant 13 : i32
      %eq3A_1133 = vector.broadcast %eq3A_1132 : i32 to vector<16xi32>
      %eq3A_1134 = arith.cmpi eq, %select_n3A_1047, %eq3A_1133 : vector<16xi32>
      %add3A_1135 = arith.constant 1.000000e+00 : f32
      %add3A_1136 = vector.broadcast %add3A_1135 : f32 to vector<16xf32>
      %add3A_1137 = arith.addf %select_n3A_982, %add3A_1136 : vector<16xf32>
      %select_n3A_1138 = arith.select %eq3A_1134, %add3A_1137, %select_n3A_982 : vector<16xi1>, vector<16xf32>
      %eq3A_1139 = arith.constant 14 : i32
      %eq3A_1140 = vector.broadcast %eq3A_1139 : i32 to vector<16xi32>
      %eq3A_1141 = arith.cmpi eq, %select_n3A_1047, %eq3A_1140 : vector<16xi32>
      %add3A_1142 = arith.constant 1.000000e+00 : f32
      %add3A_1143 = vector.broadcast %add3A_1142 : f32 to vector<16xf32>
      %add3A_1144 = arith.addf %select_n3A_989, %add3A_1143 : vector<16xf32>
      %select_n3A_1145 = arith.select %eq3A_1141, %add3A_1144, %select_n3A_989 : vector<16xi1>, vector<16xf32>
      %eq3A_1146 = arith.constant 15 : i32
      %eq3A_1147 = vector.broadcast %eq3A_1146 : i32 to vector<16xi32>
      %eq3A_1148 = arith.cmpi eq, %select_n3A_1047, %eq3A_1147 : vector<16xi32>
      %add3A_1149 = arith.constant 1.000000e+00 : f32
      %add3A_1150 = vector.broadcast %add3A_1149 : f32 to vector<16xf32>
      %add3A_1151 = arith.addf %select_n3A_996, %add3A_1150 : vector<16xf32>
      %select_n3A_1152 = arith.select %eq3A_1148, %add3A_1151, %select_n3A_996 : vector<16xi1>, vector<16xf32>
      %eq3A_1153 = arith.constant 16 : i32
      %eq3A_1154 = vector.broadcast %eq3A_1153 : i32 to vector<16xi32>
      %eq3A_1155 = arith.cmpi eq, %select_n3A_1047, %eq3A_1154 : vector<16xi32>
      %add3A_1156 = arith.constant 1.000000e+00 : f32
      %add3A_1157 = vector.broadcast %add3A_1156 : f32 to vector<16xf32>
      %add3A_1158 = arith.addf %select_n3A_1003, %add3A_1157 : vector<16xf32>
      %select_n3A_1159 = arith.select %eq3A_1155, %add3A_1158, %select_n3A_1003 : vector<16xi1>, vector<16xf32>
      %eq3A_1160 = arith.constant 17 : i32
      %eq3A_1161 = vector.broadcast %eq3A_1160 : i32 to vector<16xi32>
      %eq3A_1162 = arith.cmpi eq, %select_n3A_1047, %eq3A_1161 : vector<16xi32>
      %add3A_1163 = arith.constant 1.000000e+00 : f32
      %add3A_1164 = vector.broadcast %add3A_1163 : f32 to vector<16xf32>
      %add3A_1165 = arith.addf %select_n3A_1010, %add3A_1164 : vector<16xf32>
      %select_n3A_1166 = arith.select %eq3A_1162, %add3A_1165, %select_n3A_1010 : vector<16xi1>, vector<16xf32>
      %eq3A_1167 = arith.constant 18 : i32
      %eq3A_1168 = vector.broadcast %eq3A_1167 : i32 to vector<16xi32>
      %eq3A_1169 = arith.cmpi eq, %select_n3A_1047, %eq3A_1168 : vector<16xi32>
      %add3A_1170 = arith.constant 1.000000e+00 : f32
      %add3A_1171 = vector.broadcast %add3A_1170 : f32 to vector<16xf32>
      %add3A_1172 = arith.addf %select_n3A_1017, %add3A_1171 : vector<16xf32>
      %select_n3A_1173 = arith.select %eq3A_1169, %add3A_1172, %select_n3A_1017 : vector<16xi1>, vector<16xf32>
      %eq3A_1174 = arith.constant 19 : i32
      %eq3A_1175 = vector.broadcast %eq3A_1174 : i32 to vector<16xi32>
      %eq3A_1176 = arith.cmpi eq, %select_n3A_1047, %eq3A_1175 : vector<16xi32>
      %add3A_1177 = arith.constant 1.000000e+00 : f32
      %add3A_1178 = vector.broadcast %add3A_1177 : f32 to vector<16xf32>
      %add3A_1179 = arith.addf %select_n3A_1024, %add3A_1178 : vector<16xf32>
      %select_n3A_1180 = arith.select %eq3A_1176, %add3A_1179, %select_n3A_1024 : vector<16xi1>, vector<16xf32>
      %eq3A_1181 = arith.constant 20 : i32
      %eq3A_1182 = vector.broadcast %eq3A_1181 : i32 to vector<16xi32>
      %eq3A_1183 = arith.cmpi eq, %select_n3A_1047, %eq3A_1182 : vector<16xi32>
      %add3A_1184 = arith.constant 1.000000e+00 : f32
      %add3A_1185 = vector.broadcast %add3A_1184 : f32 to vector<16xf32>
      %add3A_1186 = arith.addf %select_n3A_1031, %add3A_1185 : vector<16xf32>
      %select_n3A_1187 = arith.select %eq3A_1183, %add3A_1186, %select_n3A_1031 : vector<16xi1>, vector<16xf32>
      %add3A_1188 = arith.constant 96 : i32
      %add3A_1189 = arith.addi %multiple_of3A, %add3A_1188 : i32
      %get3A_1190 = arith.constant 1 : i32
      %get3A_1191 = arith.index_cast %get3A_1190 : i32 to index
      %get3A_1192 = arith.index_cast %add3A_1189 : i32 to index
      %get3A_1193 = tpu.vector_load %arg5[%get3A_1191, %get3A_1192] {strides = array<i32>} : memref<2x16384xi32, #tpu.memory_space<vmem>>, vector<16xi32>,
      %add3A_1194 = arith.constant 96 : i32
      %add3A_1195 = arith.addi %multiple_of3A, %add3A_1194 : i32
      %get3A_1196 = arith.constant 1 : i32
      %get3A_1197 = arith.index_cast %get3A_1196 : i32 to index
      %get3A_1198 = arith.index_cast %add3A_1195 : i32 to index
      %get3A_1199 = tpu.vector_load %arg6[%get3A_1197, %get3A_1198] {strides = array<i32>} : memref<2x16384xi32, #tpu.memory_space<vmem>>, vector<16xi32>,
      %eq3A_1200 = arith.cmpi eq, %get3A_1193, %get3A_1199 : vector<16xi32>
      %jit3A_1201 = arith.constant -1 : i32
      %broadcast_in_dim3A_1202 = vector.broadcast %jit3A_1201 : i32 to vector<16xi32>
      %select_n3A_1203 = arith.select %eq3A_1200, %get3A_1193, %broadcast_in_dim3A_1202 : vector<16xi1>, vector<16xi32>
      %eq3A_1204 = arith.constant 1 : i32
      %eq3A_1205 = vector.broadcast %eq3A_1204 : i32 to vector<16xi32>
      %eq3A_1206 = arith.cmpi eq, %select_n3A_1203, %eq3A_1205 : vector<16xi32>
      %add3A_1207 = arith.constant 1.000000e+00 : f32
      %add3A_1208 = vector.broadcast %add3A_1207 : f32 to vector<16xf32>
      %add3A_1209 = arith.addf %select_n3A_1054, %add3A_1208 : vector<16xf32>
      %select_n3A_1210 = arith.select %eq3A_1206, %add3A_1209, %select_n3A_1054 : vector<16xi1>, vector<16xf32>
      %eq3A_1211 = arith.constant 2 : i32
      %eq3A_1212 = vector.broadcast %eq3A_1211 : i32 to vector<16xi32>
      %eq3A_1213 = arith.cmpi eq, %select_n3A_1203, %eq3A_1212 : vector<16xi32>
      %add3A_1214 = arith.constant 1.000000e+00 : f32
      %add3A_1215 = vector.broadcast %add3A_1214 : f32 to vector<16xf32>
      %add3A_1216 = arith.addf %select_n3A_1061, %add3A_1215 : vector<16xf32>
      %select_n3A_1217 = arith.select %eq3A_1213, %add3A_1216, %select_n3A_1061 : vector<16xi1>, vector<16xf32>
      %eq3A_1218 = arith.constant 3 : i32
      %eq3A_1219 = vector.broadcast %eq3A_1218 : i32 to vector<16xi32>
      %eq3A_1220 = arith.cmpi eq, %select_n3A_1203, %eq3A_1219 : vector<16xi32>
      %add3A_1221 = arith.constant 1.000000e+00 : f32
      %add3A_1222 = vector.broadcast %add3A_1221 : f32 to vector<16xf32>
      %add3A_1223 = arith.addf %select_n3A_1068, %add3A_1222 : vector<16xf32>
      %select_n3A_1224 = arith.select %eq3A_1220, %add3A_1223, %select_n3A_1068 : vector<16xi1>, vector<16xf32>
      %eq3A_1225 = arith.constant 4 : i32
      %eq3A_1226 = vector.broadcast %eq3A_1225 : i32 to vector<16xi32>
      %eq3A_1227 = arith.cmpi eq, %select_n3A_1203, %eq3A_1226 : vector<16xi32>
      %add3A_1228 = arith.constant 1.000000e+00 : f32
      %add3A_1229 = vector.broadcast %add3A_1228 : f32 to vector<16xf32>
      %add3A_1230 = arith.addf %select_n3A_1075, %add3A_1229 : vector<16xf32>
      %select_n3A_1231 = arith.select %eq3A_1227, %add3A_1230, %select_n3A_1075 : vector<16xi1>, vector<16xf32>
      %eq3A_1232 = arith.constant 5 : i32
      %eq3A_1233 = vector.broadcast %eq3A_1232 : i32 to vector<16xi32>
      %eq3A_1234 = arith.cmpi eq, %select_n3A_1203, %eq3A_1233 : vector<16xi32>
      %add3A_1235 = arith.constant 1.000000e+00 : f32
      %add3A_1236 = vector.broadcast %add3A_1235 : f32 to vector<16xf32>
      %add3A_1237 = arith.addf %select_n3A_1082, %add3A_1236 : vector<16xf32>
      %select_n3A_1238 = arith.select %eq3A_1234, %add3A_1237, %select_n3A_1082 : vector<16xi1>, vector<16xf32>
      %eq3A_1239 = arith.constant 6 : i32
      %eq3A_1240 = vector.broadcast %eq3A_1239 : i32 to vector<16xi32>
      %eq3A_1241 = arith.cmpi eq, %select_n3A_1203, %eq3A_1240 : vector<16xi32>
      %add3A_1242 = arith.constant 1.000000e+00 : f32
      %add3A_1243 = vector.broadcast %add3A_1242 : f32 to vector<16xf32>
      %add3A_1244 = arith.addf %select_n3A_1089, %add3A_1243 : vector<16xf32>
      %select_n3A_1245 = arith.select %eq3A_1241, %add3A_1244, %select_n3A_1089 : vector<16xi1>, vector<16xf32>
      %eq3A_1246 = arith.constant 7 : i32
      %eq3A_1247 = vector.broadcast %eq3A_1246 : i32 to vector<16xi32>
      %eq3A_1248 = arith.cmpi eq, %select_n3A_1203, %eq3A_1247 : vector<16xi32>
      %add3A_1249 = arith.constant 1.000000e+00 : f32
      %add3A_1250 = vector.broadcast %add3A_1249 : f32 to vector<16xf32>
      %add3A_1251 = arith.addf %select_n3A_1096, %add3A_1250 : vector<16xf32>
      %select_n3A_1252 = arith.select %eq3A_1248, %add3A_1251, %select_n3A_1096 : vector<16xi1>, vector<16xf32>
      %eq3A_1253 = arith.constant 8 : i32
      %eq3A_1254 = vector.broadcast %eq3A_1253 : i32 to vector<16xi32>
      %eq3A_1255 = arith.cmpi eq, %select_n3A_1203, %eq3A_1254 : vector<16xi32>
      %add3A_1256 = arith.constant 1.000000e+00 : f32
      %add3A_1257 = vector.broadcast %add3A_1256 : f32 to vector<16xf32>
      %add3A_1258 = arith.addf %select_n3A_1103, %add3A_1257 : vector<16xf32>
      %select_n3A_1259 = arith.select %eq3A_1255, %add3A_1258, %select_n3A_1103 : vector<16xi1>, vector<16xf32>
      %eq3A_1260 = arith.constant 9 : i32
      %eq3A_1261 = vector.broadcast %eq3A_1260 : i32 to vector<16xi32>
      %eq3A_1262 = arith.cmpi eq, %select_n3A_1203, %eq3A_1261 : vector<16xi32>
      %add3A_1263 = arith.constant 1.000000e+00 : f32
      %add3A_1264 = vector.broadcast %add3A_1263 : f32 to vector<16xf32>
      %add3A_1265 = arith.addf %select_n3A_1110, %add3A_1264 : vector<16xf32>
      %select_n3A_1266 = arith.select %eq3A_1262, %add3A_1265, %select_n3A_1110 : vector<16xi1>, vector<16xf32>
      %eq3A_1267 = arith.constant 10 : i32
      %eq3A_1268 = vector.broadcast %eq3A_1267 : i32 to vector<16xi32>
      %eq3A_1269 = arith.cmpi eq, %select_n3A_1203, %eq3A_1268 : vector<16xi32>
      %add3A_1270 = arith.constant 1.000000e+00 : f32
      %add3A_1271 = vector.broadcast %add3A_1270 : f32 to vector<16xf32>
      %add3A_1272 = arith.addf %select_n3A_1117, %add3A_1271 : vector<16xf32>
      %select_n3A_1273 = arith.select %eq3A_1269, %add3A_1272, %select_n3A_1117 : vector<16xi1>, vector<16xf32>
      %eq3A_1274 = arith.constant 11 : i32
      %eq3A_1275 = vector.broadcast %eq3A_1274 : i32 to vector<16xi32>
      %eq3A_1276 = arith.cmpi eq, %select_n3A_1203, %eq3A_1275 : vector<16xi32>
      %add3A_1277 = arith.constant 1.000000e+00 : f32
      %add3A_1278 = vector.broadcast %add3A_1277 : f32 to vector<16xf32>
      %add3A_1279 = arith.addf %select_n3A_1124, %add3A_1278 : vector<16xf32>
      %select_n3A_1280 = arith.select %eq3A_1276, %add3A_1279, %select_n3A_1124 : vector<16xi1>, vector<16xf32>
      %eq3A_1281 = arith.constant 12 : i32
      %eq3A_1282 = vector.broadcast %eq3A_1281 : i32 to vector<16xi32>
      %eq3A_1283 = arith.cmpi eq, %select_n3A_1203, %eq3A_1282 : vector<16xi32>
      %add3A_1284 = arith.constant 1.000000e+00 : f32
      %add3A_1285 = vector.broadcast %add3A_1284 : f32 to vector<16xf32>
      %add3A_1286 = arith.addf %select_n3A_1131, %add3A_1285 : vector<16xf32>
      %select_n3A_1287 = arith.select %eq3A_1283, %add3A_1286, %select_n3A_1131 : vector<16xi1>, vector<16xf32>
      %eq3A_1288 = arith.constant 13 : i32
      %eq3A_1289 = vector.broadcast %eq3A_1288 : i32 to vector<16xi32>
      %eq3A_1290 = arith.cmpi eq, %select_n3A_1203, %eq3A_1289 : vector<16xi32>
      %add3A_1291 = arith.constant 1.000000e+00 : f32
      %add3A_1292 = vector.broadcast %add3A_1291 : f32 to vector<16xf32>
      %add3A_1293 = arith.addf %select_n3A_1138, %add3A_1292 : vector<16xf32>
      %select_n3A_1294 = arith.select %eq3A_1290, %add3A_1293, %select_n3A_1138 : vector<16xi1>, vector<16xf32>
      %eq3A_1295 = arith.constant 14 : i32
      %eq3A_1296 = vector.broadcast %eq3A_1295 : i32 to vector<16xi32>
      %eq3A_1297 = arith.cmpi eq, %select_n3A_1203, %eq3A_1296 : vector<16xi32>
      %add3A_1298 = arith.constant 1.000000e+00 : f32
      %add3A_1299 = vector.broadcast %add3A_1298 : f32 to vector<16xf32>
      %add3A_1300 = arith.addf %select_n3A_1145, %add3A_1299 : vector<16xf32>
      %select_n3A_1301 = arith.select %eq3A_1297, %add3A_1300, %select_n3A_1145 : vector<16xi1>, vector<16xf32>
      %eq3A_1302 = arith.constant 15 : i32
      %eq3A_1303 = vector.broadcast %eq3A_1302 : i32 to vector<16xi32>
      %eq3A_1304 = arith.cmpi eq, %select_n3A_1203, %eq3A_1303 : vector<16xi32>
      %add3A_1305 = arith.constant 1.000000e+00 : f32
      %add3A_1306 = vector.broadcast %add3A_1305 : f32 to vector<16xf32>
      %add3A_1307 = arith.addf %select_n3A_1152, %add3A_1306 : vector<16xf32>
      %select_n3A_1308 = arith.select %eq3A_1304, %add3A_1307, %select_n3A_1152 : vector<16xi1>, vector<16xf32>
      %eq3A_1309 = arith.constant 16 : i32
      %eq3A_1310 = vector.broadcast %eq3A_1309 : i32 to vector<16xi32>
      %eq3A_1311 = arith.cmpi eq, %select_n3A_1203, %eq3A_1310 : vector<16xi32>
      %add3A_1312 = arith.constant 1.000000e+00 : f32
      %add3A_1313 = vector.broadcast %add3A_1312 : f32 to vector<16xf32>
      %add3A_1314 = arith.addf %select_n3A_1159, %add3A_1313 : vector<16xf32>
      %select_n3A_1315 = arith.select %eq3A_1311, %add3A_1314, %select_n3A_1159 : vector<16xi1>, vector<16xf32>
      %eq3A_1316 = arith.constant 17 : i32
      %eq3A_1317 = vector.broadcast %eq3A_1316 : i32 to vector<16xi32>
      %eq3A_1318 = arith.cmpi eq, %select_n3A_1203, %eq3A_1317 : vector<16xi32>
      %add3A_1319 = arith.constant 1.000000e+00 : f32
      %add3A_1320 = vector.broadcast %add3A_1319 : f32 to vector<16xf32>
      %add3A_1321 = arith.addf %select_n3A_1166, %add3A_1320 : vector<16xf32>
      %select_n3A_1322 = arith.select %eq3A_1318, %add3A_1321, %select_n3A_1166 : vector<16xi1>, vector<16xf32>
      %eq3A_1323 = arith.constant 18 : i32
      %eq3A_1324 = vector.broadcast %eq3A_1323 : i32 to vector<16xi32>
      %eq3A_1325 = arith.cmpi eq, %select_n3A_1203, %eq3A_1324 : vector<16xi32>
      %add3A_1326 = arith.constant 1.000000e+00 : f32
      %add3A_1327 = vector.broadcast %add3A_1326 : f32 to vector<16xf32>
      %add3A_1328 = arith.addf %select_n3A_1173, %add3A_1327 : vector<16xf32>
      %select_n3A_1329 = arith.select %eq3A_1325, %add3A_1328, %select_n3A_1173 : vector<16xi1>, vector<16xf32>
      %eq3A_1330 = arith.constant 19 : i32
      %eq3A_1331 = vector.broadcast %eq3A_1330 : i32 to vector<16xi32>
      %eq3A_1332 = arith.cmpi eq, %select_n3A_1203, %eq3A_1331 : vector<16xi32>
      %add3A_1333 = arith.constant 1.000000e+00 : f32
      %add3A_1334 = vector.broadcast %add3A_1333 : f32 to vector<16xf32>
      %add3A_1335 = arith.addf %select_n3A_1180, %add3A_1334 : vector<16xf32>
      %select_n3A_1336 = arith.select %eq3A_1332, %add3A_1335, %select_n3A_1180 : vector<16xi1>, vector<16xf32>
      %eq3A_1337 = arith.constant 20 : i32
      %eq3A_1338 = vector.broadcast %eq3A_1337 : i32 to vector<16xi32>
      %eq3A_1339 = arith.cmpi eq, %select_n3A_1203, %eq3A_1338 : vector<16xi32>
      %add3A_1340 = arith.constant 1.000000e+00 : f32
      %add3A_1341 = vector.broadcast %add3A_1340 : f32 to vector<16xf32>
      %add3A_1342 = arith.addf %select_n3A_1187, %add3A_1341 : vector<16xf32>
      %select_n3A_1343 = arith.select %eq3A_1339, %add3A_1342, %select_n3A_1187 : vector<16xi1>, vector<16xf32>
      %add3A_1344 = arith.constant 112 : i32
      %add3A_1345 = arith.addi %multiple_of3A, %add3A_1344 : i32
      %get3A_1346 = arith.constant 1 : i32
      %get3A_1347 = arith.index_cast %get3A_1346 : i32 to index
      %get3A_1348 = arith.index_cast %add3A_1345 : i32 to index
      %get3A_1349 = tpu.vector_load %arg5[%get3A_1347, %get3A_1348] {strides = array<i32>} : memref<2x16384xi32, #tpu.memory_space<vmem>>, vector<16xi32>,
      %add3A_1350 = arith.constant 112 : i32
      %add3A_1351 = arith.addi %multiple_of3A, %add3A_1350 : i32
      %get3A_1352 = arith.constant 1 : i32
      %get3A_1353 = arith.index_cast %get3A_1352 : i32 to index
      %get3A_1354 = arith.index_cast %add3A_1351 : i32 to index
      %get3A_1355 = tpu.vector_load %arg6[%get3A_1353, %get3A_1354] {strides = array<i32>} : memref<2x16384xi32, #tpu.memory_space<vmem>>, vector<16xi32>,
      %eq3A_1356 = arith.cmpi eq, %get3A_1349, %get3A_1355 : vector<16xi32>
      %jit3A_1357 = arith.constant -1 : i32
      %broadcast_in_dim3A_1358 = vector.broadcast %jit3A_1357 : i32 to vector<16xi32>
      %select_n3A_1359 = arith.select %eq3A_1356, %get3A_1349, %broadcast_in_dim3A_1358 : vector<16xi1>, vector<16xi32>
      %eq3A_1360 = arith.constant 1 : i32
      %eq3A_1361 = vector.broadcast %eq3A_1360 : i32 to vector<16xi32>
      %eq3A_1362 = arith.cmpi eq, %select_n3A_1359, %eq3A_1361 : vector<16xi32>
      %add3A_1363 = arith.constant 1.000000e+00 : f32
      %add3A_1364 = vector.broadcast %add3A_1363 : f32 to vector<16xf32>
      %add3A_1365 = arith.addf %select_n3A_1210, %add3A_1364 : vector<16xf32>
      %select_n3A_1366 = arith.select %eq3A_1362, %add3A_1365, %select_n3A_1210 : vector<16xi1>, vector<16xf32>
      %eq3A_1367 = arith.constant 2 : i32
      %eq3A_1368 = vector.broadcast %eq3A_1367 : i32 to vector<16xi32>
      %eq3A_1369 = arith.cmpi eq, %select_n3A_1359, %eq3A_1368 : vector<16xi32>
      %add3A_1370 = arith.constant 1.000000e+00 : f32
      %add3A_1371 = vector.broadcast %add3A_1370 : f32 to vector<16xf32>
      %add3A_1372 = arith.addf %select_n3A_1217, %add3A_1371 : vector<16xf32>
      %select_n3A_1373 = arith.select %eq3A_1369, %add3A_1372, %select_n3A_1217 : vector<16xi1>, vector<16xf32>
      %eq3A_1374 = arith.constant 3 : i32
      %eq3A_1375 = vector.broadcast %eq3A_1374 : i32 to vector<16xi32>
      %eq3A_1376 = arith.cmpi eq, %select_n3A_1359, %eq3A_1375 : vector<16xi32>
      %add3A_1377 = arith.constant 1.000000e+00 : f32
      %add3A_1378 = vector.broadcast %add3A_1377 : f32 to vector<16xf32>
      %add3A_1379 = arith.addf %select_n3A_1224, %add3A_1378 : vector<16xf32>
      %select_n3A_1380 = arith.select %eq3A_1376, %add3A_1379, %select_n3A_1224 : vector<16xi1>, vector<16xf32>
      %eq3A_1381 = arith.constant 4 : i32
      %eq3A_1382 = vector.broadcast %eq3A_1381 : i32 to vector<16xi32>
      %eq3A_1383 = arith.cmpi eq, %select_n3A_1359, %eq3A_1382 : vector<16xi32>
      %add3A_1384 = arith.constant 1.000000e+00 : f32
      %add3A_1385 = vector.broadcast %add3A_1384 : f32 to vector<16xf32>
      %add3A_1386 = arith.addf %select_n3A_1231, %add3A_1385 : vector<16xf32>
      %select_n3A_1387 = arith.select %eq3A_1383, %add3A_1386, %select_n3A_1231 : vector<16xi1>, vector<16xf32>
      %eq3A_1388 = arith.constant 5 : i32
      %eq3A_1389 = vector.broadcast %eq3A_1388 : i32 to vector<16xi32>
      %eq3A_1390 = arith.cmpi eq, %select_n3A_1359, %eq3A_1389 : vector<16xi32>
      %add3A_1391 = arith.constant 1.000000e+00 : f32
      %add3A_1392 = vector.broadcast %add3A_1391 : f32 to vector<16xf32>
      %add3A_1393 = arith.addf %select_n3A_1238, %add3A_1392 : vector<16xf32>
      %select_n3A_1394 = arith.select %eq3A_1390, %add3A_1393, %select_n3A_1238 : vector<16xi1>, vector<16xf32>
      %eq3A_1395 = arith.constant 6 : i32
      %eq3A_1396 = vector.broadcast %eq3A_1395 : i32 to vector<16xi32>
      %eq3A_1397 = arith.cmpi eq, %select_n3A_1359, %eq3A_1396 : vector<16xi32>
      %add3A_1398 = arith.constant 1.000000e+00 : f32
      %add3A_1399 = vector.broadcast %add3A_1398 : f32 to vector<16xf32>
      %add3A_1400 = arith.addf %select_n3A_1245, %add3A_1399 : vector<16xf32>
      %select_n3A_1401 = arith.select %eq3A_1397, %add3A_1400, %select_n3A_1245 : vector<16xi1>, vector<16xf32>
      %eq3A_1402 = arith.constant 7 : i32
      %eq3A_1403 = vector.broadcast %eq3A_1402 : i32 to vector<16xi32>
      %eq3A_1404 = arith.cmpi eq, %select_n3A_1359, %eq3A_1403 : vector<16xi32>
      %add3A_1405 = arith.constant 1.000000e+00 : f32
      %add3A_1406 = vector.broadcast %add3A_1405 : f32 to vector<16xf32>
      %add3A_1407 = arith.addf %select_n3A_1252, %add3A_1406 : vector<16xf32>
      %select_n3A_1408 = arith.select %eq3A_1404, %add3A_1407, %select_n3A_1252 : vector<16xi1>, vector<16xf32>
      %eq3A_1409 = arith.constant 8 : i32
      %eq3A_1410 = vector.broadcast %eq3A_1409 : i32 to vector<16xi32>
      %eq3A_1411 = arith.cmpi eq, %select_n3A_1359, %eq3A_1410 : vector<16xi32>
      %add3A_1412 = arith.constant 1.000000e+00 : f32
      %add3A_1413 = vector.broadcast %add3A_1412 : f32 to vector<16xf32>
      %add3A_1414 = arith.addf %select_n3A_1259, %add3A_1413 : vector<16xf32>
      %select_n3A_1415 = arith.select %eq3A_1411, %add3A_1414, %select_n3A_1259 : vector<16xi1>, vector<16xf32>
      %eq3A_1416 = arith.constant 9 : i32
      %eq3A_1417 = vector.broadcast %eq3A_1416 : i32 to vector<16xi32>
      %eq3A_1418 = arith.cmpi eq, %select_n3A_1359, %eq3A_1417 : vector<16xi32>
      %add3A_1419 = arith.constant 1.000000e+00 : f32
      %add3A_1420 = vector.broadcast %add3A_1419 : f32 to vector<16xf32>
      %add3A_1421 = arith.addf %select_n3A_1266, %add3A_1420 : vector<16xf32>
      %select_n3A_1422 = arith.select %eq3A_1418, %add3A_1421, %select_n3A_1266 : vector<16xi1>, vector<16xf32>
      %eq3A_1423 = arith.constant 10 : i32
      %eq3A_1424 = vector.broadcast %eq3A_1423 : i32 to vector<16xi32>
      %eq3A_1425 = arith.cmpi eq, %select_n3A_1359, %eq3A_1424 : vector<16xi32>
      %add3A_1426 = arith.constant 1.000000e+00 : f32
      %add3A_1427 = vector.broadcast %add3A_1426 : f32 to vector<16xf32>
      %add3A_1428 = arith.addf %select_n3A_1273, %add3A_1427 : vector<16xf32>
      %select_n3A_1429 = arith.select %eq3A_1425, %add3A_1428, %select_n3A_1273 : vector<16xi1>, vector<16xf32>
      %eq3A_1430 = arith.constant 11 : i32
      %eq3A_1431 = vector.broadcast %eq3A_1430 : i32 to vector<16xi32>
      %eq3A_1432 = arith.cmpi eq, %select_n3A_1359, %eq3A_1431 : vector<16xi32>
      %add3A_1433 = arith.constant 1.000000e+00 : f32
      %add3A_1434 = vector.broadcast %add3A_1433 : f32 to vector<16xf32>
      %add3A_1435 = arith.addf %select_n3A_1280, %add3A_1434 : vector<16xf32>
      %select_n3A_1436 = arith.select %eq3A_1432, %add3A_1435, %select_n3A_1280 : vector<16xi1>, vector<16xf32>
      %eq3A_1437 = arith.constant 12 : i32
      %eq3A_1438 = vector.broadcast %eq3A_1437 : i32 to vector<16xi32>
      %eq3A_1439 = arith.cmpi eq, %select_n3A_1359, %eq3A_1438 : vector<16xi32>
      %add3A_1440 = arith.constant 1.000000e+00 : f32
      %add3A_1441 = vector.broadcast %add3A_1440 : f32 to vector<16xf32>
      %add3A_1442 = arith.addf %select_n3A_1287, %add3A_1441 : vector<16xf32>
      %select_n3A_1443 = arith.select %eq3A_1439, %add3A_1442, %select_n3A_1287 : vector<16xi1>, vector<16xf32>
      %eq3A_1444 = arith.constant 13 : i32
      %eq3A_1445 = vector.broadcast %eq3A_1444 : i32 to vector<16xi32>
      %eq3A_1446 = arith.cmpi eq, %select_n3A_1359, %eq3A_1445 : vector<16xi32>
      %add3A_1447 = arith.constant 1.000000e+00 : f32
      %add3A_1448 = vector.broadcast %add3A_1447 : f32 to vector<16xf32>
      %add3A_1449 = arith.addf %select_n3A_1294, %add3A_1448 : vector<16xf32>
      %select_n3A_1450 = arith.select %eq3A_1446, %add3A_1449, %select_n3A_1294 : vector<16xi1>, vector<16xf32>
      %eq3A_1451 = arith.constant 14 : i32
      %eq3A_1452 = vector.broadcast %eq3A_1451 : i32 to vector<16xi32>
      %eq3A_1453 = arith.cmpi eq, %select_n3A_1359, %eq3A_1452 : vector<16xi32>
      %add3A_1454 = arith.constant 1.000000e+00 : f32
      %add3A_1455 = vector.broadcast %add3A_1454 : f32 to vector<16xf32>
      %add3A_1456 = arith.addf %select_n3A_1301, %add3A_1455 : vector<16xf32>
      %select_n3A_1457 = arith.select %eq3A_1453, %add3A_1456, %select_n3A_1301 : vector<16xi1>, vector<16xf32>
      %eq3A_1458 = arith.constant 15 : i32
      %eq3A_1459 = vector.broadcast %eq3A_1458 : i32 to vector<16xi32>
      %eq3A_1460 = arith.cmpi eq, %select_n3A_1359, %eq3A_1459 : vector<16xi32>
      %add3A_1461 = arith.constant 1.000000e+00 : f32
      %add3A_1462 = vector.broadcast %add3A_1461 : f32 to vector<16xf32>
      %add3A_1463 = arith.addf %select_n3A_1308, %add3A_1462 : vector<16xf32>
      %select_n3A_1464 = arith.select %eq3A_1460, %add3A_1463, %select_n3A_1308 : vector<16xi1>, vector<16xf32>
      %eq3A_1465 = arith.constant 16 : i32
      %eq3A_1466 = vector.broadcast %eq3A_1465 : i32 to vector<16xi32>
      %eq3A_1467 = arith.cmpi eq, %select_n3A_1359, %eq3A_1466 : vector<16xi32>
      %add3A_1468 = arith.constant 1.000000e+00 : f32
      %add3A_1469 = vector.broadcast %add3A_1468 : f32 to vector<16xf32>
      %add3A_1470 = arith.addf %select_n3A_1315, %add3A_1469 : vector<16xf32>
      %select_n3A_1471 = arith.select %eq3A_1467, %add3A_1470, %select_n3A_1315 : vector<16xi1>, vector<16xf32>
      %eq3A_1472 = arith.constant 17 : i32
      %eq3A_1473 = vector.broadcast %eq3A_1472 : i32 to vector<16xi32>
      %eq3A_1474 = arith.cmpi eq, %select_n3A_1359, %eq3A_1473 : vector<16xi32>
      %add3A_1475 = arith.constant 1.000000e+00 : f32
      %add3A_1476 = vector.broadcast %add3A_1475 : f32 to vector<16xf32>
      %add3A_1477 = arith.addf %select_n3A_1322, %add3A_1476 : vector<16xf32>
      %select_n3A_1478 = arith.select %eq3A_1474, %add3A_1477, %select_n3A_1322 : vector<16xi1>, vector<16xf32>
      %eq3A_1479 = arith.constant 18 : i32
      %eq3A_1480 = vector.broadcast %eq3A_1479 : i32 to vector<16xi32>
      %eq3A_1481 = arith.cmpi eq, %select_n3A_1359, %eq3A_1480 : vector<16xi32>
      %add3A_1482 = arith.constant 1.000000e+00 : f32
      %add3A_1483 = vector.broadcast %add3A_1482 : f32 to vector<16xf32>
      %add3A_1484 = arith.addf %select_n3A_1329, %add3A_1483 : vector<16xf32>
      %select_n3A_1485 = arith.select %eq3A_1481, %add3A_1484, %select_n3A_1329 : vector<16xi1>, vector<16xf32>
      %eq3A_1486 = arith.constant 19 : i32
      %eq3A_1487 = vector.broadcast %eq3A_1486 : i32 to vector<16xi32>
      %eq3A_1488 = arith.cmpi eq, %select_n3A_1359, %eq3A_1487 : vector<16xi32>
      %add3A_1489 = arith.constant 1.000000e+00 : f32
      %add3A_1490 = vector.broadcast %add3A_1489 : f32 to vector<16xf32>
      %add3A_1491 = arith.addf %select_n3A_1336, %add3A_1490 : vector<16xf32>
      %select_n3A_1492 = arith.select %eq3A_1488, %add3A_1491, %select_n3A_1336 : vector<16xi1>, vector<16xf32>
      %eq3A_1493 = arith.constant 20 : i32
      %eq3A_1494 = vector.broadcast %eq3A_1493 : i32 to vector<16xi32>
      %eq3A_1495 = arith.cmpi eq, %select_n3A_1359, %eq3A_1494 : vector<16xi32>
      %add3A_1496 = arith.constant 1.000000e+00 : f32
      %add3A_1497 = vector.broadcast %add3A_1496 : f32 to vector<16xf32>
      %add3A_1498 = arith.addf %select_n3A_1343, %add3A_1497 : vector<16xf32>
      %select_n3A_1499 = arith.select %eq3A_1495, %add3A_1498, %select_n3A_1343 : vector<16xi1>, vector<16xf32>
      scf.yield %select_n3A_1366, %select_n3A_1373, %select_n3A_1380, %select_n3A_1387, %select_n3A_1394, %select_n3A_1401, %select_n3A_1408, %select_n3A_1415, %select_n3A_1422, %select_n3A_1429, %select_n3A_1436, %select_n3A_1443, %select_n3A_1450, %select_n3A_1457, %select_n3A_1464, %select_n3A_1471, %select_n3A_1478, %select_n3A_1485, %select_n3A_1492, %select_n3A_1499 : vector<16xf32>, vector<16xf32>, vector<16xf32>, vector<16xf32>, vector<16xf32>, vector<16xf32>, vector<16xf32>, vector<16xf32>, vector<16xf32>, vector<16xf32>, vector<16xf32>, vector<16xf32>, vector<16xf32>, vector<16xf32>, vector<16xf32>, vector<16xf32>, vector<16xf32>, vector<16xf32>, vector<16xf32>, vector<16xf32>
    }
    %scan3A_352 = arith.constant 128 : i32
    %add3A_353 = arith.constant 1 : i32
    %add3A_354 = vector.broadcast %add3A_353 : i32 to vector<16xi32>
    %add3A_355 = arith.addi %mul3A_261, %add3A_354 : vector<16xi32>
    tpu.vector_store_idx %arg7[%add3A_355], %scan3A_351#0 {add = true} : memref<512xf32, #tpu.memory_space<vmem>>[vector<16xi32>], vector<16xf32>,
    %add3A_356 = arith.constant 2 : i32
    %add3A_357 = vector.broadcast %add3A_356 : i32 to vector<16xi32>
    %add3A_358 = arith.addi %mul3A_261, %add3A_357 : vector<16xi32>
    tpu.vector_store_idx %arg7[%add3A_358], %scan3A_351#1 {add = true} : memref<512xf32, #tpu.memory_space<vmem>>[vector<16xi32>], vector<16xf32>,
    %add3A_359 = arith.constant 3 : i32
    %add3A_360 = vector.broadcast %add3A_359 : i32 to vector<16xi32>
    %add3A_361 = arith.addi %mul3A_261, %add3A_360 : vector<16xi32>
    tpu.vector_store_idx %arg7[%add3A_361], %scan3A_351#2 {add = true} : memref<512xf32, #tpu.memory_space<vmem>>[vector<16xi32>], vector<16xf32>,
    %add3A_362 = arith.constant 4 : i32
    %add3A_363 = vector.broadcast %add3A_362 : i32 to vector<16xi32>
    %add3A_364 = arith.addi %mul3A_261, %add3A_363 : vector<16xi32>
    tpu.vector_store_idx %arg7[%add3A_364], %scan3A_351#3 {add = true} : memref<512xf32, #tpu.memory_space<vmem>>[vector<16xi32>], vector<16xf32>,
    %add3A_365 = arith.constant 5 : i32
    %add3A_366 = vector.broadcast %add3A_365 : i32 to vector<16xi32>
    %add3A_367 = arith.addi %mul3A_261, %add3A_366 : vector<16xi32>
    tpu.vector_store_idx %arg7[%add3A_367], %scan3A_351#4 {add = true} : memref<512xf32, #tpu.memory_space<vmem>>[vector<16xi32>], vector<16xf32>,
    %add3A_368 = arith.constant 6 : i32
    %add3A_369 = vector.broadcast %add3A_368 : i32 to vector<16xi32>
    %add3A_370 = arith.addi %mul3A_261, %add3A_369 : vector<16xi32>
    tpu.vector_store_idx %arg7[%add3A_370], %scan3A_351#5 {add = true} : memref<512xf32, #tpu.memory_space<vmem>>[vector<16xi32>], vector<16xf32>,
    %add3A_371 = arith.constant 7 : i32
    %add3A_372 = vector.broadcast %add3A_371 : i32 to vector<16xi32>
    %add3A_373 = arith.addi %mul3A_261, %add3A_372 : vector<16xi32>
    tpu.vector_store_idx %arg7[%add3A_373], %scan3A_351#6 {add = true} : memref<512xf32, #tpu.memory_space<vmem>>[vector<16xi32>], vector<16xf32>,
    %add3A_374 = arith.constant 8 : i32
    %add3A_375 = vector.broadcast %add3A_374 : i32 to vector<16xi32>
    %add3A_376 = arith.addi %mul3A_261, %add3A_375 : vector<16xi32>
    tpu.vector_store_idx %arg7[%add3A_376], %scan3A_351#7 {add = true} : memref<512xf32, #tpu.memory_space<vmem>>[vector<16xi32>], vector<16xf32>,
    %add3A_377 = arith.constant 9 : i32
    %add3A_378 = vector.broadcast %add3A_377 : i32 to vector<16xi32>
    %add3A_379 = arith.addi %mul3A_261, %add3A_378 : vector<16xi32>
    tpu.vector_store_idx %arg7[%add3A_379], %scan3A_351#8 {add = true} : memref<512xf32, #tpu.memory_space<vmem>>[vector<16xi32>], vector<16xf32>,
    %add3A_380 = arith.constant 10 : i32
    %add3A_381 = vector.broadcast %add3A_380 : i32 to vector<16xi32>
    %add3A_382 = arith.addi %mul3A_261, %add3A_381 : vector<16xi32>
    tpu.vector_store_idx %arg7[%add3A_382], %scan3A_351#9 {add = true} : memref<512xf32, #tpu.memory_space<vmem>>[vector<16xi32>], vector<16xf32>,
    %add3A_383 = arith.constant 11 : i32
    %add3A_384 = vector.broadcast %add3A_383 : i32 to vector<16xi32>
    %add3A_385 = arith.addi %mul3A_261, %add3A_384 : vector<16xi32>
    tpu.vector_store_idx %arg7[%add3A_385], %scan3A_351#10 {add = true} : memref<512xf32, #tpu.memory_space<vmem>>[vector<16xi32>], vector<16xf32>,
    %add3A_386 = arith.constant 12 : i32
    %add3A_387 = vector.broadcast %add3A_386 : i32 to vector<16xi32>
    %add3A_388 = arith.addi %mul3A_261, %add3A_387 : vector<16xi32>
    tpu.vector_store_idx %arg7[%add3A_388], %scan3A_351#11 {add = true} : memref<512xf32, #tpu.memory_space<vmem>>[vector<16xi32>], vector<16xf32>,
    %add3A_389 = arith.constant 13 : i32
    %add3A_390 = vector.broadcast %add3A_389 : i32 to vector<16xi32>
    %add3A_391 = arith.addi %mul3A_261, %add3A_390 : vector<16xi32>
    tpu.vector_store_idx %arg7[%add3A_391], %scan3A_351#12 {add = true} : memref<512xf32, #tpu.memory_space<vmem>>[vector<16xi32>], vector<16xf32>,
    %add3A_392 = arith.constant 14 : i32
    %add3A_393 = vector.broadcast %add3A_392 : i32 to vector<16xi32>
    %add3A_394 = arith.addi %mul3A_261, %add3A_393 : vector<16xi32>
    tpu.vector_store_idx %arg7[%add3A_394], %scan3A_351#13 {add = true} : memref<512xf32, #tpu.memory_space<vmem>>[vector<16xi32>], vector<16xf32>,
    %add3A_395 = arith.constant 15 : i32
    %add3A_396 = vector.broadcast %add3A_395 : i32 to vector<16xi32>
    %add3A_397 = arith.addi %mul3A_261, %add3A_396 : vector<16xi32>
    tpu.vector_store_idx %arg7[%add3A_397], %scan3A_351#14 {add = true} : memref<512xf32, #tpu.memory_space<vmem>>[vector<16xi32>], vector<16xf32>,
    %add3A_398 = arith.constant 16 : i32
    %add3A_399 = vector.broadcast %add3A_398 : i32 to vector<16xi32>
    %add3A_400 = arith.addi %mul3A_261, %add3A_399 : vector<16xi32>
    tpu.vector_store_idx %arg7[%add3A_400], %scan3A_351#15 {add = true} : memref<512xf32, #tpu.memory_space<vmem>>[vector<16xi32>], vector<16xf32>,
    %add3A_401 = arith.constant 17 : i32
    %add3A_402 = vector.broadcast %add3A_401 : i32 to vector<16xi32>
    %add3A_403 = arith.addi %mul3A_261, %add3A_402 : vector<16xi32>
    tpu.vector_store_idx %arg7[%add3A_403], %scan3A_351#16 {add = true} : memref<512xf32, #tpu.memory_space<vmem>>[vector<16xi32>], vector<16xf32>,
    %add3A_404 = arith.constant 18 : i32
    %add3A_405 = vector.broadcast %add3A_404 : i32 to vector<16xi32>
    %add3A_406 = arith.addi %mul3A_261, %add3A_405 : vector<16xi32>
    tpu.vector_store_idx %arg7[%add3A_406], %scan3A_351#17 {add = true} : memref<512xf32, #tpu.memory_space<vmem>>[vector<16xi32>], vector<16xf32>,
    %add3A_407 = arith.constant 19 : i32
    %add3A_408 = vector.broadcast %add3A_407 : i32 to vector<16xi32>
    %add3A_409 = arith.addi %mul3A_261, %add3A_408 : vector<16xi32>
    tpu.vector_store_idx %arg7[%add3A_409], %scan3A_351#18 {add = true} : memref<512xf32, #tpu.memory_space<vmem>>[vector<16xi32>], vector<16xf32>,
    %add3A_410 = arith.constant 20 : i32
    %add3A_411 = vector.broadcast %add3A_410 : i32 to vector<16xi32>
    %add3A_412 = arith.addi %mul3A_261, %add3A_411 : vector<16xi32>
    tpu.vector_store_idx %arg7[%add3A_412], %scan3A_351#19 {add = true} : memref<512xf32, #tpu.memory_space<vmem>>[vector<16xi32>], vector<16xf32>,
    %get3A = arith.constant 0 : index
    %get3A_413 = tpu.vector_load %arg7[%get3A] {strides = array<i32>} : memref<512xf32, #tpu.memory_space<vmem>>, vector<16xf32>,
    %add3A_414 = arith.addf %broadcast_in_dim3A_3, %get3A_413 : vector<16xf32>
    %get3A_415 = arith.constant 32 : index
    %get3A_416 = tpu.vector_load %arg7[%get3A_415] {strides = array<i32>} : memref<512xf32, #tpu.memory_space<vmem>>, vector<16xf32>,
    %add3A_417 = arith.addf %add3A_414, %get3A_416 : vector<16xf32>
    %get3A_418 = arith.constant 64 : index
    %get3A_419 = tpu.vector_load %arg7[%get3A_418] {strides = array<i32>} : memref<512xf32, #tpu.memory_space<vmem>>, vector<16xf32>,
    %add3A_420 = arith.addf %add3A_417, %get3A_419 : vector<16xf32>
    %get3A_421 = arith.constant 96 : index
    %get3A_422 = tpu.vector_load %arg7[%get3A_421] {strides = array<i32>} : memref<512xf32, #tpu.memory_space<vmem>>, vector<16xf32>,
    %add3A_423 = arith.addf %add3A_420, %get3A_422 : vector<16xf32>
    %get3A_424 = arith.constant 128 : index
    %get3A_425 = tpu.vector_load %arg7[%get3A_424] {strides = array<i32>} : memref<512xf32, #tpu.memory_space<vmem>>, vector<16xf32>,
    %add3A_426 = arith.addf %add3A_423, %get3A_425 : vector<16xf32>
    %get3A_427 = arith.constant 160 : index
    %get3A_428 = tpu.vector_load %arg7[%get3A_427] {strides = array<i32>} : memref<512xf32, #tpu.memory_space<vmem>>, vector<16xf32>,
    %add3A_429 = arith.addf %add3A_426, %get3A_428 : vector<16xf32>
    %get3A_430 = arith.constant 192 : index
    %get3A_431 = tpu.vector_load %arg7[%get3A_430] {strides = array<i32>} : memref<512xf32, #tpu.memory_space<vmem>>, vector<16xf32>,
    %add3A_432 = arith.addf %add3A_429, %get3A_431 : vector<16xf32>
    %get3A_433 = arith.constant 224 : index
    %get3A_434 = tpu.vector_load %arg7[%get3A_433] {strides = array<i32>} : memref<512xf32, #tpu.memory_space<vmem>>, vector<16xf32>,
    %add3A_435 = arith.addf %add3A_432, %get3A_434 : vector<16xf32>
    %get3A_436 = arith.constant 256 : index
    %get3A_437 = tpu.vector_load %arg7[%get3A_436] {strides = array<i32>} : memref<512xf32, #tpu.memory_space<vmem>>, vector<16xf32>,
    %add3A_438 = arith.addf %add3A_435, %get3A_437 : vector<16xf32>
    %get3A_439 = arith.constant 288 : index
    %get3A_440 = tpu.vector_load %arg7[%get3A_439] {strides = array<i32>} : memref<512xf32, #tpu.memory_space<vmem>>, vector<16xf32>,
    %add3A_441 = arith.addf %add3A_438, %get3A_440 : vector<16xf32>
    %get3A_442 = arith.constant 320 : index
    %get3A_443 = tpu.vector_load %arg7[%get3A_442] {strides = array<i32>} : memref<512xf32, #tpu.memory_space<vmem>>, vector<16xf32>,
    %add3A_444 = arith.addf %add3A_441, %get3A_443 : vector<16xf32>
    %get3A_445 = arith.constant 352 : index
    %get3A_446 = tpu.vector_load %arg7[%get3A_445] {strides = array<i32>} : memref<512xf32, #tpu.memory_space<vmem>>, vector<16xf32>,
    %add3A_447 = arith.addf %add3A_444, %get3A_446 : vector<16xf32>
    %get3A_448 = arith.constant 384 : index
    %get3A_449 = tpu.vector_load %arg7[%get3A_448] {strides = array<i32>} : memref<512xf32, #tpu.memory_space<vmem>>, vector<16xf32>,
    %add3A_450 = arith.addf %add3A_447, %get3A_449 : vector<16xf32>
    %get3A_451 = arith.constant 416 : index
    %get3A_452 = tpu.vector_load %arg7[%get3A_451] {strides = array<i32>} : memref<512xf32, #tpu.memory_space<vmem>>, vector<16xf32>,
    %add3A_453 = arith.addf %add3A_450, %get3A_452 : vector<16xf32>
    %get3A_454 = arith.constant 448 : index
    %get3A_455 = tpu.vector_load %arg7[%get3A_454] {strides = array<i32>} : memref<512xf32, #tpu.memory_space<vmem>>, vector<16xf32>,
    %add3A_456 = arith.addf %add3A_453, %get3A_455 : vector<16xf32>
    %get3A_457 = arith.constant 480 : index
    %get3A_458 = tpu.vector_load %arg7[%get3A_457] {strides = array<i32>} : memref<512xf32, #tpu.memory_space<vmem>>, vector<16xf32>,
    %add3A_459 = arith.addf %add3A_456, %get3A_458 : vector<16xf32>
    %get3A_460 = arith.constant 0 : index
    %get3A_461 = tpu.vector_load %arg8[%get3A_460] {strides = array<i32>} : memref<512xf32, #tpu.memory_space<vmem>>, vector<16xf32>,
    %add3A_462 = arith.addf %add3A_459, %get3A_461 : vector<16xf32>
    %get3A_463 = arith.constant 32 : index
    %get3A_464 = tpu.vector_load %arg8[%get3A_463] {strides = array<i32>} : memref<512xf32, #tpu.memory_space<vmem>>, vector<16xf32>,
    %add3A_465 = arith.addf %add3A_462, %get3A_464 : vector<16xf32>
    %get3A_466 = arith.constant 64 : index
    %get3A_467 = tpu.vector_load %arg8[%get3A_466] {strides = array<i32>} : memref<512xf32, #tpu.memory_space<vmem>>, vector<16xf32>,
    %add3A_468 = arith.addf %add3A_465, %get3A_467 : vector<16xf32>
    %get3A_469 = arith.constant 96 : index
    %get3A_470 = tpu.vector_load %arg8[%get3A_469] {strides = array<i32>} : memref<512xf32, #tpu.memory_space<vmem>>, vector<16xf32>,
    %add3A_471 = arith.addf %add3A_468, %get3A_470 : vector<16xf32>
    %get3A_472 = arith.constant 128 : index
    %get3A_473 = tpu.vector_load %arg8[%get3A_472] {strides = array<i32>} : memref<512xf32, #tpu.memory_space<vmem>>, vector<16xf32>,
    %add3A_474 = arith.addf %add3A_471, %get3A_473 : vector<16xf32>
    %get3A_475 = arith.constant 160 : index
    %get3A_476 = tpu.vector_load %arg8[%get3A_475] {strides = array<i32>} : memref<512xf32, #tpu.memory_space<vmem>>, vector<16xf32>,
    %add3A_477 = arith.addf %add3A_474, %get3A_476 : vector<16xf32>
    %get3A_478 = arith.constant 192 : index
    %get3A_479 = tpu.vector_load %arg8[%get3A_478] {strides = array<i32>} : memref<512xf32, #tpu.memory_space<vmem>>, vector<16xf32>,
    %add3A_480 = arith.addf %add3A_477, %get3A_479 : vector<16xf32>
    %get3A_481 = arith.constant 224 : index
    %get3A_482 = tpu.vector_load %arg8[%get3A_481] {strides = array<i32>} : memref<512xf32, #tpu.memory_space<vmem>>, vector<16xf32>,
    %add3A_483 = arith.addf %add3A_480, %get3A_482 : vector<16xf32>
    %get3A_484 = arith.constant 256 : index
    %get3A_485 = tpu.vector_load %arg8[%get3A_484] {strides = array<i32>} : memref<512xf32, #tpu.memory_space<vmem>>, vector<16xf32>,
    %add3A_486 = arith.addf %add3A_483, %get3A_485 : vector<16xf32>
    %get3A_487 = arith.constant 288 : index
    %get3A_488 = tpu.vector_load %arg8[%get3A_487] {strides = array<i32>} : memref<512xf32, #tpu.memory_space<vmem>>, vector<16xf32>,
    %add3A_489 = arith.addf %add3A_486, %get3A_488 : vector<16xf32>
    %get3A_490 = arith.constant 320 : index
    %get3A_491 = tpu.vector_load %arg8[%get3A_490] {strides = array<i32>} : memref<512xf32, #tpu.memory_space<vmem>>, vector<16xf32>,
    %add3A_492 = arith.addf %add3A_489, %get3A_491 : vector<16xf32>
    %get3A_493 = arith.constant 352 : index
    %get3A_494 = tpu.vector_load %arg8[%get3A_493] {strides = array<i32>} : memref<512xf32, #tpu.memory_space<vmem>>, vector<16xf32>,
    %add3A_495 = arith.addf %add3A_492, %get3A_494 : vector<16xf32>
    %get3A_496 = arith.constant 384 : index
    %get3A_497 = tpu.vector_load %arg8[%get3A_496] {strides = array<i32>} : memref<512xf32, #tpu.memory_space<vmem>>, vector<16xf32>,
    %add3A_498 = arith.addf %add3A_495, %get3A_497 : vector<16xf32>
    %get3A_499 = arith.constant 416 : index
    %get3A_500 = tpu.vector_load %arg8[%get3A_499] {strides = array<i32>} : memref<512xf32, #tpu.memory_space<vmem>>, vector<16xf32>,
    %add3A_501 = arith.addf %add3A_498, %get3A_500 : vector<16xf32>
    %get3A_502 = arith.constant 448 : index
    %get3A_503 = tpu.vector_load %arg8[%get3A_502] {strides = array<i32>} : memref<512xf32, #tpu.memory_space<vmem>>, vector<16xf32>,
    %add3A_504 = arith.addf %add3A_501, %get3A_503 : vector<16xf32>
    %get3A_505 = arith.constant 480 : index
    %get3A_506 = tpu.vector_load %arg8[%get3A_505] {strides = array<i32>} : memref<512xf32, #tpu.memory_space<vmem>>, vector<16xf32>,
    %add3A_507 = arith.addf %add3A_504, %get3A_506 : vector<16xf32>
    %get3A_508 = arith.constant 0 : index
    %get3A_509 = tpu.vector_load %arg9[%get3A_508] {strides = array<i32>} : memref<512xf32, #tpu.memory_space<vmem>>, vector<16xf32>,
    %add3A_510 = arith.addf %add3A_507, %get3A_509 : vector<16xf32>
    %get3A_511 = arith.constant 32 : index
    %get3A_512 = tpu.vector_load %arg9[%get3A_511] {strides = array<i32>} : memref<512xf32, #tpu.memory_space<vmem>>, vector<16xf32>,
    %add3A_513 = arith.addf %add3A_510, %get3A_512 : vector<16xf32>
    %get3A_514 = arith.constant 64 : index
    %get3A_515 = tpu.vector_load %arg9[%get3A_514] {strides = array<i32>} : memref<512xf32, #tpu.memory_space<vmem>>, vector<16xf32>,
    %add3A_516 = arith.addf %add3A_513, %get3A_515 : vector<16xf32>
    %get3A_517 = arith.constant 96 : index
    %get3A_518 = tpu.vector_load %arg9[%get3A_517] {strides = array<i32>} : memref<512xf32, #tpu.memory_space<vmem>>, vector<16xf32>,
    %add3A_519 = arith.addf %add3A_516, %get3A_518 : vector<16xf32>
    %get3A_520 = arith.constant 128 : index
    %get3A_521 = tpu.vector_load %arg9[%get3A_520] {strides = array<i32>} : memref<512xf32, #tpu.memory_space<vmem>>, vector<16xf32>,
    %add3A_522 = arith.addf %add3A_519, %get3A_521 : vector<16xf32>
    %get3A_523 = arith.constant 160 : index
    %get3A_524 = tpu.vector_load %arg9[%get3A_523] {strides = array<i32>} : memref<512xf32, #tpu.memory_space<vmem>>, vector<16xf32>,
    %add3A_525 = arith.addf %add3A_522, %get3A_524 : vector<16xf32>
    %get3A_526 = arith.constant 192 : index
    %get3A_527 = tpu.vector_load %arg9[%get3A_526] {strides = array<i32>} : memref<512xf32, #tpu.memory_space<vmem>>, vector<16xf32>,
    %add3A_528 = arith.addf %add3A_525, %get3A_527 : vector<16xf32>
    %get3A_529 = arith.constant 224 : index
    %get3A_530 = tpu.vector_load %arg9[%get3A_529] {strides = array<i32>} : memref<512xf32, #tpu.memory_space<vmem>>, vector<16xf32>,
    %add3A_531 = arith.addf %add3A_528, %get3A_530 : vector<16xf32>
    %get3A_532 = arith.constant 256 : index
    %get3A_533 = tpu.vector_load %arg9[%get3A_532] {strides = array<i32>} : memref<512xf32, #tpu.memory_space<vmem>>, vector<16xf32>,
    %add3A_534 = arith.addf %add3A_531, %get3A_533 : vector<16xf32>
    %get3A_535 = arith.constant 288 : index
    %get3A_536 = tpu.vector_load %arg9[%get3A_535] {strides = array<i32>} : memref<512xf32, #tpu.memory_space<vmem>>, vector<16xf32>,
    %add3A_537 = arith.addf %add3A_534, %get3A_536 : vector<16xf32>
    %get3A_538 = arith.constant 320 : index
    %get3A_539 = tpu.vector_load %arg9[%get3A_538] {strides = array<i32>} : memref<512xf32, #tpu.memory_space<vmem>>, vector<16xf32>,
    %add3A_540 = arith.addf %add3A_537, %get3A_539 : vector<16xf32>
    %get3A_541 = arith.constant 352 : index
    %get3A_542 = tpu.vector_load %arg9[%get3A_541] {strides = array<i32>} : memref<512xf32, #tpu.memory_space<vmem>>, vector<16xf32>,
    %add3A_543 = arith.addf %add3A_540, %get3A_542 : vector<16xf32>
    %get3A_544 = arith.constant 384 : index
    %get3A_545 = tpu.vector_load %arg9[%get3A_544] {strides = array<i32>} : memref<512xf32, #tpu.memory_space<vmem>>, vector<16xf32>,
    %add3A_546 = arith.addf %add3A_543, %get3A_545 : vector<16xf32>
    %get3A_547 = arith.constant 416 : index
    %get3A_548 = tpu.vector_load %arg9[%get3A_547] {strides = array<i32>} : memref<512xf32, #tpu.memory_space<vmem>>, vector<16xf32>,
    %add3A_549 = arith.addf %add3A_546, %get3A_548 : vector<16xf32>
    %get3A_550 = arith.constant 448 : index
    %get3A_551 = tpu.vector_load %arg9[%get3A_550] {strides = array<i32>} : memref<512xf32, #tpu.memory_space<vmem>>, vector<16xf32>,
    %add3A_552 = arith.addf %add3A_549, %get3A_551 : vector<16xf32>
    %get3A_553 = arith.constant 480 : index
    %get3A_554 = tpu.vector_load %arg9[%get3A_553] {strides = array<i32>} : memref<512xf32, #tpu.memory_space<vmem>>, vector<16xf32>,
    %add3A_555 = arith.addf %add3A_552, %get3A_554 : vector<16xf32>
    %get3A_556 = arith.constant 0 : index
    %get3A_557 = tpu.vector_load %arg10[%get3A_556] {strides = array<i32>} : memref<512xf32, #tpu.memory_space<vmem>>, vector<16xf32>,
    %add3A_558 = arith.addf %add3A_555, %get3A_557 : vector<16xf32>
    %get3A_559 = arith.constant 32 : index
    %get3A_560 = tpu.vector_load %arg10[%get3A_559] {strides = array<i32>} : memref<512xf32, #tpu.memory_space<vmem>>, vector<16xf32>,
    %add3A_561 = arith.addf %add3A_558, %get3A_560 : vector<16xf32>
    %get3A_562 = arith.constant 64 : index
    %get3A_563 = tpu.vector_load %arg10[%get3A_562] {strides = array<i32>} : memref<512xf32, #tpu.memory_space<vmem>>, vector<16xf32>,
    %add3A_564 = arith.addf %add3A_561, %get3A_563 : vector<16xf32>
    %get3A_565 = arith.constant 96 : index
    %get3A_566 = tpu.vector_load %arg10[%get3A_565] {strides = array<i32>} : memref<512xf32, #tpu.memory_space<vmem>>, vector<16xf32>,
    %add3A_567 = arith.addf %add3A_564, %get3A_566 : vector<16xf32>
    %get3A_568 = arith.constant 128 : index
    %get3A_569 = tpu.vector_load %arg10[%get3A_568] {strides = array<i32>} : memref<512xf32, #tpu.memory_space<vmem>>, vector<16xf32>,
    %add3A_570 = arith.addf %add3A_567, %get3A_569 : vector<16xf32>
    %get3A_571 = arith.constant 160 : index
    %get3A_572 = tpu.vector_load %arg10[%get3A_571] {strides = array<i32>} : memref<512xf32, #tpu.memory_space<vmem>>, vector<16xf32>,
    %add3A_573 = arith.addf %add3A_570, %get3A_572 : vector<16xf32>
    %get3A_574 = arith.constant 192 : index
    %get3A_575 = tpu.vector_load %arg10[%get3A_574] {strides = array<i32>} : memref<512xf32, #tpu.memory_space<vmem>>, vector<16xf32>,
    %add3A_576 = arith.addf %add3A_573, %get3A_575 : vector<16xf32>
    %get3A_577 = arith.constant 224 : index
    %get3A_578 = tpu.vector_load %arg10[%get3A_577] {strides = array<i32>} : memref<512xf32, #tpu.memory_space<vmem>>, vector<16xf32>,
    %add3A_579 = arith.addf %add3A_576, %get3A_578 : vector<16xf32>
    %get3A_580 = arith.constant 256 : index
    %get3A_581 = tpu.vector_load %arg10[%get3A_580] {strides = array<i32>} : memref<512xf32, #tpu.memory_space<vmem>>, vector<16xf32>,
    %add3A_582 = arith.addf %add3A_579, %get3A_581 : vector<16xf32>
    %get3A_583 = arith.constant 288 : index
    %get3A_584 = tpu.vector_load %arg10[%get3A_583] {strides = array<i32>} : memref<512xf32, #tpu.memory_space<vmem>>, vector<16xf32>,
    %add3A_585 = arith.addf %add3A_582, %get3A_584 : vector<16xf32>
    %get3A_586 = arith.constant 320 : index
    %get3A_587 = tpu.vector_load %arg10[%get3A_586] {strides = array<i32>} : memref<512xf32, #tpu.memory_space<vmem>>, vector<16xf32>,
    %add3A_588 = arith.addf %add3A_585, %get3A_587 : vector<16xf32>
    %get3A_589 = arith.constant 352 : index
    %get3A_590 = tpu.vector_load %arg10[%get3A_589] {strides = array<i32>} : memref<512xf32, #tpu.memory_space<vmem>>, vector<16xf32>,
    %add3A_591 = arith.addf %add3A_588, %get3A_590 : vector<16xf32>
    %get3A_592 = arith.constant 384 : index
    %get3A_593 = tpu.vector_load %arg10[%get3A_592] {strides = array<i32>} : memref<512xf32, #tpu.memory_space<vmem>>, vector<16xf32>,
    %add3A_594 = arith.addf %add3A_591, %get3A_593 : vector<16xf32>
    %get3A_595 = arith.constant 416 : index
    %get3A_596 = tpu.vector_load %arg10[%get3A_595] {strides = array<i32>} : memref<512xf32, #tpu.memory_space<vmem>>, vector<16xf32>,
    %add3A_597 = arith.addf %add3A_594, %get3A_596 : vector<16xf32>
    %get3A_598 = arith.constant 448 : index
    %get3A_599 = tpu.vector_load %arg10[%get3A_598] {strides = array<i32>} : memref<512xf32, #tpu.memory_space<vmem>>, vector<16xf32>,
    %add3A_600 = arith.addf %add3A_597, %get3A_599 : vector<16xf32>
    %get3A_601 = arith.constant 480 : index
    %get3A_602 = tpu.vector_load %arg10[%get3A_601] {strides = array<i32>} : memref<512xf32, #tpu.memory_space<vmem>>, vector<16xf32>,
    %add3A_603 = arith.addf %add3A_600, %get3A_602 : vector<16xf32>
    %swap3A_604 = arith.constant 0 : index
    %swap3A_605 = tpu.vector_load %arg11[%swap3A_604] {strides = array<i32>} : memref<32xf32, #tpu.memory_space<vmem>>, vector<16xf32>,
    tpu.vector_store %arg11[%swap3A_604], %add3A_603 {strides = array<i32>} : memref<32xf32, #tpu.memory_space<vmem>>, vector<16xf32>,
    %get3A_606 = arith.constant 16 : index
    %get3A_607 = tpu.vector_load %arg7[%get3A_606] {strides = array<i32>} : memref<512xf32, #tpu.memory_space<vmem>>, vector<16xf32>,
    %add3A_608 = arith.addf %broadcast_in_dim3A_3, %get3A_607 : vector<16xf32>
    %get3A_609 = arith.constant 48 : index
    %get3A_610 = tpu.vector_load %arg7[%get3A_609] {strides = array<i32>} : memref<512xf32, #tpu.memory_space<vmem>>, vector<16xf32>,
    %add3A_611 = arith.addf %add3A_608, %get3A_610 : vector<16xf32>
    %get3A_612 = arith.constant 80 : index
    %get3A_613 = tpu.vector_load %arg7[%get3A_612] {strides = array<i32>} : memref<512xf32, #tpu.memory_space<vmem>>, vector<16xf32>,
    %add3A_614 = arith.addf %add3A_611, %get3A_613 : vector<16xf32>
    %get3A_615 = arith.constant 112 : index
    %get3A_616 = tpu.vector_load %arg7[%get3A_615] {strides = array<i32>} : memref<512xf32, #tpu.memory_space<vmem>>, vector<16xf32>,
    %add3A_617 = arith.addf %add3A_614, %get3A_616 : vector<16xf32>
    %get3A_618 = arith.constant 144 : index
    %get3A_619 = tpu.vector_load %arg7[%get3A_618] {strides = array<i32>} : memref<512xf32, #tpu.memory_space<vmem>>, vector<16xf32>,
    %add3A_620 = arith.addf %add3A_617, %get3A_619 : vector<16xf32>
    %get3A_621 = arith.constant 176 : index
    %get3A_622 = tpu.vector_load %arg7[%get3A_621] {strides = array<i32>} : memref<512xf32, #tpu.memory_space<vmem>>, vector<16xf32>,
    %add3A_623 = arith.addf %add3A_620, %get3A_622 : vector<16xf32>
    %get3A_624 = arith.constant 208 : index
    %get3A_625 = tpu.vector_load %arg7[%get3A_624] {strides = array<i32>} : memref<512xf32, #tpu.memory_space<vmem>>, vector<16xf32>,
    %add3A_626 = arith.addf %add3A_623, %get3A_625 : vector<16xf32>
    %get3A_627 = arith.constant 240 : index
    %get3A_628 = tpu.vector_load %arg7[%get3A_627] {strides = array<i32>} : memref<512xf32, #tpu.memory_space<vmem>>, vector<16xf32>,
    %add3A_629 = arith.addf %add3A_626, %get3A_628 : vector<16xf32>
    %get3A_630 = arith.constant 272 : index
    %get3A_631 = tpu.vector_load %arg7[%get3A_630] {strides = array<i32>} : memref<512xf32, #tpu.memory_space<vmem>>, vector<16xf32>,
    %add3A_632 = arith.addf %add3A_629, %get3A_631 : vector<16xf32>
    %get3A_633 = arith.constant 304 : index
    %get3A_634 = tpu.vector_load %arg7[%get3A_633] {strides = array<i32>} : memref<512xf32, #tpu.memory_space<vmem>>, vector<16xf32>,
    %add3A_635 = arith.addf %add3A_632, %get3A_634 : vector<16xf32>
    %get3A_636 = arith.constant 336 : index
    %get3A_637 = tpu.vector_load %arg7[%get3A_636] {strides = array<i32>} : memref<512xf32, #tpu.memory_space<vmem>>, vector<16xf32>,
    %add3A_638 = arith.addf %add3A_635, %get3A_637 : vector<16xf32>
    %get3A_639 = arith.constant 368 : index
    %get3A_640 = tpu.vector_load %arg7[%get3A_639] {strides = array<i32>} : memref<512xf32, #tpu.memory_space<vmem>>, vector<16xf32>,
    %add3A_641 = arith.addf %add3A_638, %get3A_640 : vector<16xf32>
    %get3A_642 = arith.constant 400 : index
    %get3A_643 = tpu.vector_load %arg7[%get3A_642] {strides = array<i32>} : memref<512xf32, #tpu.memory_space<vmem>>, vector<16xf32>,
    %add3A_644 = arith.addf %add3A_641, %get3A_643 : vector<16xf32>
    %get3A_645 = arith.constant 432 : index
    %get3A_646 = tpu.vector_load %arg7[%get3A_645] {strides = array<i32>} : memref<512xf32, #tpu.memory_space<vmem>>, vector<16xf32>,
    %add3A_647 = arith.addf %add3A_644, %get3A_646 : vector<16xf32>
    %get3A_648 = arith.constant 464 : index
    %get3A_649 = tpu.vector_load %arg7[%get3A_648] {strides = array<i32>} : memref<512xf32, #tpu.memory_space<vmem>>, vector<16xf32>,
    %add3A_650 = arith.addf %add3A_647, %get3A_649 : vector<16xf32>
    %get3A_651 = arith.constant 496 : index
    %get3A_652 = tpu.vector_load %arg7[%get3A_651] {strides = array<i32>} : memref<512xf32, #tpu.memory_space<vmem>>, vector<16xf32>,
    %add3A_653 = arith.addf %add3A_650, %get3A_652 : vector<16xf32>
    %get3A_654 = arith.constant 16 : index
    %get3A_655 = tpu.vector_load %arg8[%get3A_654] {strides = array<i32>} : memref<512xf32, #tpu.memory_space<vmem>>, vector<16xf32>,
    %add3A_656 = arith.addf %add3A_653, %get3A_655 : vector<16xf32>
    %get3A_657 = arith.constant 48 : index
    %get3A_658 = tpu.vector_load %arg8[%get3A_657] {strides = array<i32>} : memref<512xf32, #tpu.memory_space<vmem>>, vector<16xf32>,
    %add3A_659 = arith.addf %add3A_656, %get3A_658 : vector<16xf32>
    %get3A_660 = arith.constant 80 : index
    %get3A_661 = tpu.vector_load %arg8[%get3A_660] {strides = array<i32>} : memref<512xf32, #tpu.memory_space<vmem>>, vector<16xf32>,
    %add3A_662 = arith.addf %add3A_659, %get3A_661 : vector<16xf32>
    %get3A_663 = arith.constant 112 : index
    %get3A_664 = tpu.vector_load %arg8[%get3A_663] {strides = array<i32>} : memref<512xf32, #tpu.memory_space<vmem>>, vector<16xf32>,
    %add3A_665 = arith.addf %add3A_662, %get3A_664 : vector<16xf32>
    %get3A_666 = arith.constant 144 : index
    %get3A_667 = tpu.vector_load %arg8[%get3A_666] {strides = array<i32>} : memref<512xf32, #tpu.memory_space<vmem>>, vector<16xf32>,
    %add3A_668 = arith.addf %add3A_665, %get3A_667 : vector<16xf32>
    %get3A_669 = arith.constant 176 : index
    %get3A_670 = tpu.vector_load %arg8[%get3A_669] {strides = array<i32>} : memref<512xf32, #tpu.memory_space<vmem>>, vector<16xf32>,
    %add3A_671 = arith.addf %add3A_668, %get3A_670 : vector<16xf32>
    %get3A_672 = arith.constant 208 : index
    %get3A_673 = tpu.vector_load %arg8[%get3A_672] {strides = array<i32>} : memref<512xf32, #tpu.memory_space<vmem>>, vector<16xf32>,
    %add3A_674 = arith.addf %add3A_671, %get3A_673 : vector<16xf32>
    %get3A_675 = arith.constant 240 : index
    %get3A_676 = tpu.vector_load %arg8[%get3A_675] {strides = array<i32>} : memref<512xf32, #tpu.memory_space<vmem>>, vector<16xf32>,
    %add3A_677 = arith.addf %add3A_674, %get3A_676 : vector<16xf32>
    %get3A_678 = arith.constant 272 : index
    %get3A_679 = tpu.vector_load %arg8[%get3A_678] {strides = array<i32>} : memref<512xf32, #tpu.memory_space<vmem>>, vector<16xf32>,
    %add3A_680 = arith.addf %add3A_677, %get3A_679 : vector<16xf32>
    %get3A_681 = arith.constant 304 : index
    %get3A_682 = tpu.vector_load %arg8[%get3A_681] {strides = array<i32>} : memref<512xf32, #tpu.memory_space<vmem>>, vector<16xf32>,
    %add3A_683 = arith.addf %add3A_680, %get3A_682 : vector<16xf32>
    %get3A_684 = arith.constant 336 : index
    %get3A_685 = tpu.vector_load %arg8[%get3A_684] {strides = array<i32>} : memref<512xf32, #tpu.memory_space<vmem>>, vector<16xf32>,
    %add3A_686 = arith.addf %add3A_683, %get3A_685 : vector<16xf32>
    %get3A_687 = arith.constant 368 : index
    %get3A_688 = tpu.vector_load %arg8[%get3A_687] {strides = array<i32>} : memref<512xf32, #tpu.memory_space<vmem>>, vector<16xf32>,
    %add3A_689 = arith.addf %add3A_686, %get3A_688 : vector<16xf32>
    %get3A_690 = arith.constant 400 : index
    %get3A_691 = tpu.vector_load %arg8[%get3A_690] {strides = array<i32>} : memref<512xf32, #tpu.memory_space<vmem>>, vector<16xf32>,
    %add3A_692 = arith.addf %add3A_689, %get3A_691 : vector<16xf32>
    %get3A_693 = arith.constant 432 : index
    %get3A_694 = tpu.vector_load %arg8[%get3A_693] {strides = array<i32>} : memref<512xf32, #tpu.memory_space<vmem>>, vector<16xf32>,
    %add3A_695 = arith.addf %add3A_692, %get3A_694 : vector<16xf32>
    %get3A_696 = arith.constant 464 : index
    %get3A_697 = tpu.vector_load %arg8[%get3A_696] {strides = array<i32>} : memref<512xf32, #tpu.memory_space<vmem>>, vector<16xf32>,
    %add3A_698 = arith.addf %add3A_695, %get3A_697 : vector<16xf32>
    %get3A_699 = arith.constant 496 : index
    %get3A_700 = tpu.vector_load %arg8[%get3A_699] {strides = array<i32>} : memref<512xf32, #tpu.memory_space<vmem>>, vector<16xf32>,
    %add3A_701 = arith.addf %add3A_698, %get3A_700 : vector<16xf32>
    %get3A_702 = arith.constant 16 : index
    %get3A_703 = tpu.vector_load %arg9[%get3A_702] {strides = array<i32>} : memref<512xf32, #tpu.memory_space<vmem>>, vector<16xf32>,
    %add3A_704 = arith.addf %add3A_701, %get3A_703 : vector<16xf32>
    %get3A_705 = arith.constant 48 : index
    %get3A_706 = tpu.vector_load %arg9[%get3A_705] {strides = array<i32>} : memref<512xf32, #tpu.memory_space<vmem>>, vector<16xf32>,
    %add3A_707 = arith.addf %add3A_704, %get3A_706 : vector<16xf32>
    %get3A_708 = arith.constant 80 : index
    %get3A_709 = tpu.vector_load %arg9[%get3A_708] {strides = array<i32>} : memref<512xf32, #tpu.memory_space<vmem>>, vector<16xf32>,
    %add3A_710 = arith.addf %add3A_707, %get3A_709 : vector<16xf32>
    %get3A_711 = arith.constant 112 : index
    %get3A_712 = tpu.vector_load %arg9[%get3A_711] {strides = array<i32>} : memref<512xf32, #tpu.memory_space<vmem>>, vector<16xf32>,
    %add3A_713 = arith.addf %add3A_710, %get3A_712 : vector<16xf32>
    %get3A_714 = arith.constant 144 : index
    %get3A_715 = tpu.vector_load %arg9[%get3A_714] {strides = array<i32>} : memref<512xf32, #tpu.memory_space<vmem>>, vector<16xf32>,
    %add3A_716 = arith.addf %add3A_713, %get3A_715 : vector<16xf32>
    %get3A_717 = arith.constant 176 : index
    %get3A_718 = tpu.vector_load %arg9[%get3A_717] {strides = array<i32>} : memref<512xf32, #tpu.memory_space<vmem>>, vector<16xf32>,
    %add3A_719 = arith.addf %add3A_716, %get3A_718 : vector<16xf32>
    %get3A_720 = arith.constant 208 : index
    %get3A_721 = tpu.vector_load %arg9[%get3A_720] {strides = array<i32>} : memref<512xf32, #tpu.memory_space<vmem>>, vector<16xf32>,
    %add3A_722 = arith.addf %add3A_719, %get3A_721 : vector<16xf32>
    %get3A_723 = arith.constant 240 : index
    %get3A_724 = tpu.vector_load %arg9[%get3A_723] {strides = array<i32>} : memref<512xf32, #tpu.memory_space<vmem>>, vector<16xf32>,
    %add3A_725 = arith.addf %add3A_722, %get3A_724 : vector<16xf32>
    %get3A_726 = arith.constant 272 : index
    %get3A_727 = tpu.vector_load %arg9[%get3A_726] {strides = array<i32>} : memref<512xf32, #tpu.memory_space<vmem>>, vector<16xf32>,
    %add3A_728 = arith.addf %add3A_725, %get3A_727 : vector<16xf32>
    %get3A_729 = arith.constant 304 : index
    %get3A_730 = tpu.vector_load %arg9[%get3A_729] {strides = array<i32>} : memref<512xf32, #tpu.memory_space<vmem>>, vector<16xf32>,
    %add3A_731 = arith.addf %add3A_728, %get3A_730 : vector<16xf32>
    %get3A_732 = arith.constant 336 : index
    %get3A_733 = tpu.vector_load %arg9[%get3A_732] {strides = array<i32>} : memref<512xf32, #tpu.memory_space<vmem>>, vector<16xf32>,
    %add3A_734 = arith.addf %add3A_731, %get3A_733 : vector<16xf32>
    %get3A_735 = arith.constant 368 : index
    %get3A_736 = tpu.vector_load %arg9[%get3A_735] {strides = array<i32>} : memref<512xf32, #tpu.memory_space<vmem>>, vector<16xf32>,
    %add3A_737 = arith.addf %add3A_734, %get3A_736 : vector<16xf32>
    %get3A_738 = arith.constant 400 : index
    %get3A_739 = tpu.vector_load %arg9[%get3A_738] {strides = array<i32>} : memref<512xf32, #tpu.memory_space<vmem>>, vector<16xf32>,
    %add3A_740 = arith.addf %add3A_737, %get3A_739 : vector<16xf32>
    %get3A_741 = arith.constant 432 : index
    %get3A_742 = tpu.vector_load %arg9[%get3A_741] {strides = array<i32>} : memref<512xf32, #tpu.memory_space<vmem>>, vector<16xf32>,
    %add3A_743 = arith.addf %add3A_740, %get3A_742 : vector<16xf32>
    %get3A_744 = arith.constant 464 : index
    %get3A_745 = tpu.vector_load %arg9[%get3A_744] {strides = array<i32>} : memref<512xf32, #tpu.memory_space<vmem>>, vector<16xf32>,
    %add3A_746 = arith.addf %add3A_743, %get3A_745 : vector<16xf32>
    %get3A_747 = arith.constant 496 : index
    %get3A_748 = tpu.vector_load %arg9[%get3A_747] {strides = array<i32>} : memref<512xf32, #tpu.memory_space<vmem>>, vector<16xf32>,
    %add3A_749 = arith.addf %add3A_746, %get3A_748 : vector<16xf32>
    %get3A_750 = arith.constant 16 : index
    %get3A_751 = tpu.vector_load %arg10[%get3A_750] {strides = array<i32>} : memref<512xf32, #tpu.memory_space<vmem>>, vector<16xf32>,
    %add3A_752 = arith.addf %add3A_749, %get3A_751 : vector<16xf32>
    %get3A_753 = arith.constant 48 : index
    %get3A_754 = tpu.vector_load %arg10[%get3A_753] {strides = array<i32>} : memref<512xf32, #tpu.memory_space<vmem>>, vector<16xf32>,
    %add3A_755 = arith.addf %add3A_752, %get3A_754 : vector<16xf32>
    %get3A_756 = arith.constant 80 : index
    %get3A_757 = tpu.vector_load %arg10[%get3A_756] {strides = array<i32>} : memref<512xf32, #tpu.memory_space<vmem>>, vector<16xf32>,
    %add3A_758 = arith.addf %add3A_755, %get3A_757 : vector<16xf32>
    %get3A_759 = arith.constant 112 : index
    %get3A_760 = tpu.vector_load %arg10[%get3A_759] {strides = array<i32>} : memref<512xf32, #tpu.memory_space<vmem>>, vector<16xf32>,
    %add3A_761 = arith.addf %add3A_758, %get3A_760 : vector<16xf32>
    %get3A_762 = arith.constant 144 : index
    %get3A_763 = tpu.vector_load %arg10[%get3A_762] {strides = array<i32>} : memref<512xf32, #tpu.memory_space<vmem>>, vector<16xf32>,
    %add3A_764 = arith.addf %add3A_761, %get3A_763 : vector<16xf32>
    %get3A_765 = arith.constant 176 : index
    %get3A_766 = tpu.vector_load %arg10[%get3A_765] {strides = array<i32>} : memref<512xf32, #tpu.memory_space<vmem>>, vector<16xf32>,
    %add3A_767 = arith.addf %add3A_764, %get3A_766 : vector<16xf32>
    %get3A_768 = arith.constant 208 : index
    %get3A_769 = tpu.vector_load %arg10[%get3A_768] {strides = array<i32>} : memref<512xf32, #tpu.memory_space<vmem>>, vector<16xf32>,
    %add3A_770 = arith.addf %add3A_767, %get3A_769 : vector<16xf32>
    %get3A_771 = arith.constant 240 : index
    %get3A_772 = tpu.vector_load %arg10[%get3A_771] {strides = array<i32>} : memref<512xf32, #tpu.memory_space<vmem>>, vector<16xf32>,
    %add3A_773 = arith.addf %add3A_770, %get3A_772 : vector<16xf32>
    %get3A_774 = arith.constant 272 : index
    %get3A_775 = tpu.vector_load %arg10[%get3A_774] {strides = array<i32>} : memref<512xf32, #tpu.memory_space<vmem>>, vector<16xf32>,
    %add3A_776 = arith.addf %add3A_773, %get3A_775 : vector<16xf32>
    %get3A_777 = arith.constant 304 : index
    %get3A_778 = tpu.vector_load %arg10[%get3A_777] {strides = array<i32>} : memref<512xf32, #tpu.memory_space<vmem>>, vector<16xf32>,
    %add3A_779 = arith.addf %add3A_776, %get3A_778 : vector<16xf32>
    %get3A_780 = arith.constant 336 : index
    %get3A_781 = tpu.vector_load %arg10[%get3A_780] {strides = array<i32>} : memref<512xf32, #tpu.memory_space<vmem>>, vector<16xf32>,
    %add3A_782 = arith.addf %add3A_779, %get3A_781 : vector<16xf32>
    %get3A_783 = arith.constant 368 : index
    %get3A_784 = tpu.vector_load %arg10[%get3A_783] {strides = array<i32>} : memref<512xf32, #tpu.memory_space<vmem>>, vector<16xf32>,
    %add3A_785 = arith.addf %add3A_782, %get3A_784 : vector<16xf32>
    %get3A_786 = arith.constant 400 : index
    %get3A_787 = tpu.vector_load %arg10[%get3A_786] {strides = array<i32>} : memref<512xf32, #tpu.memory_space<vmem>>, vector<16xf32>,
    %add3A_788 = arith.addf %add3A_785, %get3A_787 : vector<16xf32>
    %get3A_789 = arith.constant 432 : index
    %get3A_790 = tpu.vector_load %arg10[%get3A_789] {strides = array<i32>} : memref<512xf32, #tpu.memory_space<vmem>>, vector<16xf32>,
    %add3A_791 = arith.addf %add3A_788, %get3A_790 : vector<16xf32>
    %get3A_792 = arith.constant 464 : index
    %get3A_793 = tpu.vector_load %arg10[%get3A_792] {strides = array<i32>} : memref<512xf32, #tpu.memory_space<vmem>>, vector<16xf32>,
    %add3A_794 = arith.addf %add3A_791, %get3A_793 : vector<16xf32>
    %get3A_795 = arith.constant 496 : index
    %get3A_796 = tpu.vector_load %arg10[%get3A_795] {strides = array<i32>} : memref<512xf32, #tpu.memory_space<vmem>>, vector<16xf32>,
    %add3A_797 = arith.addf %add3A_794, %get3A_796 : vector<16xf32>
    %swap3A_798 = arith.constant 16 : index
    %swap3A_799 = tpu.vector_load %arg11[%swap3A_798] {strides = array<i32>} : memref<32xf32, #tpu.memory_space<vmem>>, vector<16xf32>,
    tpu.vector_store %arg11[%swap3A_798], %add3A_797 {strides = array<i32>} : memref<32xf32, #tpu.memory_space<vmem>>, vector<16xf32>,
    "tpu.region"() ({
      %run_scoped3A = tpu.sem_alloc : memref<!tpu.dma_semaphore, #tpu.memory_space<semaphore_mem>>
      %dma_start3A_800 = arith.constant 0 : i32
      %dma_start3A_801 = tpu.memref_slice %arg4[%add3A, %dma_start3A_800] : memref<32x32xf32, #tpu.memory_space<hbm>> -> memref<1x32xf32, #tpu.memory_space<hbm>>
      %dma_start3A_802 = tpu.memref_squeeze %dma_start3A_801 : memref<1x32xf32, #tpu.memory_space<hbm>> -> memref<32xf32, #tpu.memory_space<hbm>>
      %dma_start3A_803 = arith.constant 0 : i32
      %dma_start3A_804 = tpu.memref_slice %arg4[%add3A, %dma_start3A_803] : memref<32x32xf32, #tpu.memory_space<hbm>> -> memref<1x32xf32, #tpu.memory_space<hbm>>
      %dma_start3A_805 = tpu.memref_squeeze %dma_start3A_804 : memref<1x32xf32, #tpu.memory_space<hbm>> -> memref<32xf32, #tpu.memory_space<hbm>>
      tpu.enqueue_dma source(%arg11 : memref<32xf32, #tpu.memory_space<vmem>>) target(%dma_start3A_805 : memref<32xf32, #tpu.memory_space<hbm>>) target_semaphore(%run_scoped3A : memref<!tpu.dma_semaphore, #tpu.memory_space<semaphore_mem>>)
      %dma_wait3A_806 = arith.constant 0 : i32
      %dma_wait3A_807 = tpu.memref_slice %arg4[%add3A, %dma_wait3A_806] : memref<32x32xf32, #tpu.memory_space<hbm>> -> memref<1x32xf32, #tpu.memory_space<hbm>>
      %dma_wait3A_808 = tpu.memref_squeeze %dma_wait3A_807 : memref<1x32xf32, #tpu.memory_space<hbm>> -> memref<32xf32, #tpu.memory_space<hbm>>
      %dma_wait3A_809 = arith.constant 0 : i32
      %dma_wait3A_810 = tpu.memref_slice %arg4[%add3A, %dma_wait3A_809] : memref<32x32xf32, #tpu.memory_space<hbm>> -> memref<1x32xf32, #tpu.memory_space<hbm>>
      %dma_wait3A_811 = tpu.memref_squeeze %dma_wait3A_810 : memref<1x32xf32, #tpu.memory_space<hbm>> -> memref<32xf32, #tpu.memory_space<hbm>>
      tpu.wait_dma2 semaphore(%run_scoped3A : memref<!tpu.dma_semaphore, #tpu.memory_space<semaphore_mem>>) src(%arg11 : memref<32xf32, #tpu.memory_space<vmem>>) dst(%dma_wait3A_811 : memref<32xf32, #tpu.memory_space<hbm>>)
      tpu.yield
    }) : () -> ()
    return
  }
}

module attributes {stable_mosaic.version = 14 : i64} {
  func.func @_finish_body(%arg0: memref<32x32xf32, #tpu.memory_space<vmem>>, %arg1: memref<1x1xf32, #tpu.memory_space<vmem>>) attributes {dimension_semantics = [], scalar_prefetch = 0 : i64, scratch_operands = 0 : i64, tpu.core_type = #tpu.core_type<tc>} {
    %get3A = arith.constant 0 : index
    %get3A_0 = arith.constant 0 : index
    %get3A_1 = vector.load %arg0[%get3A, %get3A_0] : memref<32x32xf32, #tpu.memory_space<vmem>>, vector<32x32xf32>
    %reduce_sum3A = arith.constant dense<0.000000e+00> : vector<32xf32>
    %reduce_sum3A_2 = vector.multi_reduction <add>, %get3A_1, %reduce_sum3A [0] : vector<32x32xf32> to vector<32xf32>
    %broadcast_in_dim3A = vector.shape_cast %reduce_sum3A_2 : vector<32xf32> to vector<1x32xf32>
    %iota3A = tpu.iota {dimensions = array<i32: 1>} : vector<1x32xi32>
    %eq3A = arith.constant 0 : i32
    %eq3A_3 = vector.broadcast %eq3A : i32 to vector<1x32xi32>
    %eq3A_4 = arith.cmpi eq, %iota3A, %eq3A_3 : vector<1x32xi32>
    %mul3A = arith.constant 2.000000e+00 : f32
    %mul3A_5 = vector.broadcast %mul3A : f32 to vector<1x32xf32>
    %mul3A_6 = arith.mulf %mul3A_5, %broadcast_in_dim3A : vector<1x32xf32>
    %mul3A_7 = arith.constant 2.000000e+00 : f32
    %mul3A_8 = vector.broadcast %mul3A_7 : f32 to vector<1x32xf32>
    %mul3A_9 = arith.mulf %mul3A_8, %broadcast_in_dim3A : vector<1x32xf32>
    %add3A = arith.constant 9.99999997E-7 : f32
    %add3A_10 = vector.broadcast %add3A : f32 to vector<1x32xf32>
    %add3A_11 = arith.addf %mul3A_9, %add3A_10 : vector<1x32xf32>
    %div3A = arith.divf %mul3A_6, %add3A_11 : vector<1x32xf32>
    %jit3A = arith.constant 0.000000e+00 : f32
    %broadcast_in_dim3A_12 = vector.broadcast %jit3A : f32 to vector<1x32xf32>
    %select_n3A = arith.select %eq3A_4, %broadcast_in_dim3A_12, %div3A : vector<1x32xi1>, vector<1x32xf32>
    %reduce_sum3A_13 = vector.shape_cast %select_n3A : vector<1x32xf32> to vector<1x1x32xf32>
    %reduce_sum3A_14 = arith.constant dense<0.000000e+00> : vector<1xf32>
    %reduce_sum3A_15 = vector.multi_reduction <add>, %reduce_sum3A_13, %reduce_sum3A_14 [1, 2] : vector<1x1x32xf32> to vector<1xf32>
    %reduce_sum3A_16 = vector.shape_cast %reduce_sum3A_15 : vector<1xf32> to vector<1x1x1xf32>
    %reduce_sum3A_17 = vector.extract %reduce_sum3A_16[0, 0, 0] : f32 from vector<1x1x1xf32>
    %broadcast_in_dim3A_18 = vector.broadcast %reduce_sum3A_17 : f32 to vector<1x1xf32>
    %div3A_19 = arith.constant 2.000000e+01 : f32
    %div3A_20 = vector.broadcast %div3A_19 : f32 to vector<1x1xf32>
    %div3A_21 = arith.divf %broadcast_in_dim3A_18, %div3A_20 : vector<1x1xf32>
    %pow3A = arith.constant 7.500000e-01 : f32
    %pow3A_22 = vector.broadcast %pow3A : f32 to vector<1x1xf32>
    %pow3A_23 = math.powf %div3A_21, %pow3A_22 : vector<1x1xf32>
    %sub3A = arith.constant 1.000000e+00 : f32
    %sub3A_24 = vector.broadcast %sub3A : f32 to vector<1x1xf32>
    %sub3A_25 = arith.subf %sub3A_24, %pow3A_23 : vector<1x1xf32>
    %mul3A_26 = arith.constant 1.000000e+00 : f32
    %mul3A_27 = vector.broadcast %mul3A_26 : f32 to vector<1x1xf32>
    %mul3A_28 = arith.mulf %mul3A_27, %sub3A_25 : vector<1x1xf32>
    %swap3A = arith.constant 0 : index
    %swap3A_29 = arith.constant 0 : index
    %swap3A_30 = vector.load %arg1[%swap3A, %swap3A_29] : memref<1x1xf32, #tpu.memory_space<vmem>>, vector<1x1xf32>
    tpu.vector_store %arg1[%swap3A, %swap3A_29], %mul3A_28 {strides = array<i32>} : memref<1x1xf32, #tpu.memory_space<vmem>>, vector<1x1xf32>,
    return
  }
}

</mosaic_0001>

<sc_bundles>
// kernel: kernel.4.cloned.1.call-start
scs
__scs_entry_jumppad:
0x0: {  	(pc) =	sbr.rel $0x88, $3  }
0x1: {  	(tag) =	ssettag $0x0;
	lr =	simm.s32 $0x1  }
0x2: {  	[smem:$0x3F9F] =	sst lr;
	_ =	strace $0xD0000000  }
0x3: {  	_ = 	snop  }
0x4: {  	_ = 	snop  }
0x5: {  	_ = 	snop  }
0x6: {  	_ = 	snop  }
0x7: {  	_ = 	snop  }
__scs_overlays_trampoline_lowered:
0x8: {  	[smem:$0x3FAE] =	sst s0  }
0x9: {  	[smem:$0x3FAF] =	sst s1  }
0xa: {  	[smem:$0x3FB0] =	sst s2  }
0xb: {  	[smem:$0x3FB1] =	sst s3  }
0xc: {  	[smem:$0x3FB2] =	sst s4  }
0xd: {  	[smem:$0x3FB3] =	sst s5  }
0xe: {  	[smem:$0x3FB4] =	sst s6  }
0xf: {  	[smem:$0x3FB5] =	sst s7  }
0x10: {  	[smem:$0x3FB6] =	sst s8  }
0x11: {  	[smem:$0x3FB7] =	sst s9;
	s0 =	simm.s32 @!p0 $0x0  }
0x12: {  	s1 =	sld [smem:$0x3F9D];
	s0 =	simm.s32 @p0 $0x1  }
0x13: {  	[smem:$0x3FB8] =	sst s0;
	s0 =	simm.s32 @!p1 $0x0  }
0x14: {  	s2 =	sld [smem:$0x3F9C];
	s0 =	simm.s32 @p1 $0x1  }
0x15: {  	[smem:$0x3FB9] =	sst s0;
	s0 =	simm.s32 @!p2 $0x0  }
0x16: {  	s3 =	sld [smem:$0x3FDB];
	s0 =	simm.s32 @p2 $0x1  }
0x17: {  	s4 =	simm.s32 $0x1BF5;
	[smem:$0x3FBB] =	sst s0  }
0x18: {  	s0 =	sld [smem:$0x3F9E];
	_ =	swait.ge [sflag:s4], $0x0  }
0x19: {  	s7 =	sld [smem:$0x3F9F]  }
0x1a: {  	s8 =	sadd.s32 $0xFFFFE003, lr  }
0x1b: {  	s9 =	sadd.s32 $0xFFFFFEF7, lr;
	s5 =	simm.s32 $0xFFFFFFFF;
	p2 =	slt.u32 s8, $0xFFFFF086  }
0x1c: {  	p1 =	slt.u32 s9, $0xF7A;
	s5 =	simm.s32 @!p2 $0x0  }
0x1d: {  	s5 =	simm.s32 @p1 $0x1;
	p0 =	seq.s32 s7, s2  }
0x1e: {  	s7 =	smul.u32 @!p0 $0xF7A, s2;
	p2 =	seq.s32 @!p0 s5, $0x0  }
0x1f: {  	s9 =	smul.u32 $0xF7A, s1;
	s8 =	simm.s32 @!p0 $0x1BF5;
	p2 =	por !p2, p0  }
0x20: {  	[sflag:s8] =	ssyncset.s32 @!p0 $0xFFFFF086;
	s6 =	sadd.s32 @!p0 s3, s7;
	s7 =	simm.s32 @!p0 $0x108  }
0x21: {  	s3 =	sadd.s32 s3, s9;
	s6 =	sadd.s32 @!p0 $0x88, s6;
	s7 =	simm.s32 @p2 $0x1082  }
0x22: {  	[simem:s7], [sflag:s8] =	dma.local @!p0 [hbm:s6], $0xF7A  }
0x23: {  	s9 =	sor.u32 $0xD0000000, s2;
	s6 =	simm.s32 $0x108;
	_ =	swait.ge @!p0 [sflag:s8], $0x0  }
0x24: {  	s3 =	sadd.s32 $0x88, s3;
	s6 =	simm.s32 @!p1 $0x1082;
	[sflag:s4] =	ssyncset.s32 $0xFFFFF086  }
0x25: {  	[simem:s6], [sflag:s4] =	dma.local [hbm:s3], $0xF7A  }
0x26: {  	[smem:$0x3F9F] =	sst s1;
	(tag) =	ssettag s2;
	_ =	strace s9  }
0x27: {  	s1 =	sld [smem:$0x3FAF]  }
0x28: {  	s2 =	sld [smem:$0x3FB0]  }
0x29: {  	s4 =	sld [smem:$0x3FB2]  }
0x2a: {  	p0 =	seq.s32 s5, $0x0;
	s5 =	sld [smem:$0x3FB3]  }
0x2b: {  	s6 =	sld [smem:$0x3FB4]  }
0x2c: {  	s7 =	sld [smem:$0x3FB5]  }
0x2d: {  	s3 =	simm.s32 $0x108;
	s8 =	sld [smem:$0x3FB6]  }
0x2e: {  	s3 =	simm.s32 @!p0 $0x1082;
	s9 =	sld [smem:$0x3FB7]  }
0x2f: {  	lr =	sadd.s32 s0, s3;
	s0 =	sld [smem:$0x3FAE]  }
0x30: {  	s3 =	sld [smem:$0x3FB1]  }
0x31: {  	[smem:$0x3FBA] =	sst s10  }
0x32: {  	s10 =	sld [smem:$0x3FB8];
	_ =	sdelay $0x3  }
0x33: {  	p0 =	seq.s32 s10, $0x1;
	s10 =	sld [smem:$0x3FBA];
	_ =	sdelay $0x3  }
0x34: {  	[smem:$0x3FBA] =	sst s10  }
0x35: {  	s10 =	sld [smem:$0x3FB9];
	_ =	sdelay $0x3  }
0x36: {  	p1 =	seq.s32 s10, $0x1;
	s10 =	sld [smem:$0x3FBA];
	_ =	sdelay $0x3  }
0x37: {  	[smem:$0x3FBA] =	sst s10  }
0x38: {  	s10 =	sld [smem:$0x3FBB]  }
0x39: {  	_ = 	snop;
	(pc) =	sbr.ind lr, $3  }
0x3a: {  	_ = 	snop  }
0x3b: {  	_ = 	snop  }
0x3c: {  	p2 =	seq.s32 s10, $0x1;
	s10 =	sld [smem:$0x3FBA]  }
0x3d: {  	_ =	shalt  }
0x3e: {  	_ =	shalt  }
0x3f: {  	_ =	shalt  }
0x40: {  	_ =	shalt  }
0x41: {  	_ =	shalt  }
0x42: {  	_ =	shalt  }
0x43: {  	_ =	shalt  }
0x44: {  	_ =	shalt  }
0x45: {  	_ =	shalt  }
0x46: {  	_ =	shalt  }
0x47: {  	_ =	shalt  }
0x48: {  	_ =	shalt  }
0x49: {  	_ =	shalt  }
0x4a: {  	_ =	shalt  }
0x4b: {  	_ =	shalt  }
0x4c: {  	_ =	shalt  }
0x4d: {  	_ =	shalt  }
0x4e: {  	_ =	shalt  }
0x4f: {  	_ =	shalt  }
0x50: {  	_ =	shalt  }
0x51: {  	_ =	shalt  }
0x52: {  	_ =	shalt  }
0x53: {  	_ =	shalt  }
0x54: {  	_ =	shalt  }
0x55: {  	_ =	shalt  }
0x56: {  	_ =	shalt  }
0x57: {  	_ =	shalt  }
0x58: {  	_ =	shalt  }
0x59: {  	_ =	shalt  }
0x5a: {  	_ =	shalt  }
0x5b: {  	_ =	shalt  }
0x5c: {  	_ =	shalt  }
0x5d: {  	_ =	shalt  }
0x5e: {  	_ =	shalt  }
0x5f: {  	_ =	shalt  }
0x60: {  	_ =	shalt  }
0x61: {  	_ =	shalt  }
0x62: {  	_ =	shalt  }
0x63: {  	_ =	shalt  }
0x64: {  	_ =	shalt  }
0x65: {  	_ =	shalt  }
0x66: {  	_ =	shalt  }
0x67: {  	_ =	shalt  }
0x68: {  	_ =	shalt  }
0x69: {  	_ =	shalt  }
0x6a: {  	_ =	shalt  }
0x6b: {  	_ =	shalt  }
0x6c: {  	_ =	shalt  }
0x6d: {  	_ =	shalt  }
0x6e: {  	_ =	shalt  }
0x6f: {  	_ =	shalt  }
0x70: {  	_ =	shalt  }
0x71: {  	_ =	shalt  }
0x72: {  	_ =	shalt  }
0x73: {  	_ =	shalt  }
0x74: {  	_ =	shalt  }
0x75: {  	_ =	shalt  }
0x76: {  	_ =	shalt  }
0x77: {  	_ =	shalt  }
0x78: {  	_ =	shalt  }
0x79: {  	_ =	shalt  }
0x7a: {  	_ =	shalt  }
0x7b: {  	_ =	shalt  }
0x7c: {  	_ =	shalt  }
0x7d: {  	_ =	shalt  }
0x7e: {  	_ =	shalt  }
0x7f: {  	_ =	shalt  }
0x80: {  	_ =	shalt  }
0x81: {  	_ =	shalt  }
0x82: {  	_ =	shalt  }
0x83: {  	_ =	shalt  }
0x84: {  	_ =	shalt  }
0x85: {  	_ =	shalt  }
0x86: {  	_ =	shalt  }
0x87: {  	_ =	shalt  }
.Lfunc_end0:
.L_simem_size_0:
called_computation_lowered:
.L_overlay_start_0:
0x88: {  	s2 =	sld [smem:$0x3FD9]  }
0x89: {  	s3 =	sld [smem:$0x3FFE];
	_ =	sdelay $0x1  }
0x8a: {  	s1 =	srdreg.scid  }
0x8b: {  	s0 =	sand.u32 $0x1, s1  }
0x8c: {  	s17 =	sshll.u32 s0, $0xA;
	s2 =	sadd.s32 s3, s2  }
0x8d: {  	s2 =	sadd.s32 s2, s17  }
0x8e: {  	[smem:$0x3FC6] =	sst s2  }
0x8f: {  	_ = 	snop  }
0x90: {  	s2 =	sld [smem:$0x3FC9]  }
0x91: {  	s18 =	sld [smem:$0x3FC8];
	(tm) =	ssettm $0x1  }
0x92: {  	s4 =	sld [smem:$0x3FFB];
	_ =	sdelay $0x3  }
0x93: {  	_ =	strace s4  }
0x94: {  	s4 =	sld [smem:$0x3FFC];
	_ =	sdelay $0x3  }
0x95: {  	_ =	strace s4  }
0x96: {  	s4 =	sld [smem:$0x3FFD];
	_ =	sdelay $0x3  }
0x97: {  	_ =	strace s4  }
0x98: {  	_ =	strace $0x8FFFFFFF  }
0x99: {  	s19 =	sld [smem:$0x3FDB];
	_ =	sdelay $0x1  }
0x9a: {  	s5 =	simm.s32 $_scs_section_size  }
0x9b: {  	s6 =	simm.s32 $_size__tile_overlayer_lowered;
	s7 =	simm.s32 $_tile_overlayer_lowered  }
0x9c: {  	s22 =	simm.s32 $0x1BFF;
	s21 =	sshll.u32 s7, $0x1;
	s4 =	sadd.s32 s5, s19  }
0x9d: {  	s8 =	simm.s32 $0x0;
	s20 =	sshll.u32 s6, $0x1;
	s6 =	sadd.s32 s21, s4  }
0x9e: {  	[timem:s8], [sflag:s22] =	dma.local [hbm:s6], s20  }
0x9f: {  	_ =	swait.ge [sflag:s22], s20  }
0xa0: {  	s5 =	ssub.s32 $0x0, s20;
	[sflag:s22] =	ssyncset.done $0x0  }
0xa1: {  	[sflag:s22] =	ssyncadd.s32 s5;
	_ =	sdelay $0x1  }
0xa2: {  	s23 =	simm.s32 $0x1B8B  }
0xa3: {  	_ =	swait.ge [sflag:s23], $0x1  }
0xa4: {  	[sflag:s23] =	ssyncset.done $0x0  }
0xa5: {  	s25 =	simm.s32 $0x1B8E;
	s24 =	sld [smem:$0x3FFE];
	[sflag:s23] =	ssyncadd.s32 $0xFFFFFFFF  }
0xa6: {  	s26 =	simm.s32 $execute0_lowered;
	[smem:$0x3FD2] =	sst s25  }
0xa7: {  	s6 =	sshll.u32 s26, $0x1;
	_ =	strace $0x80000046;
	[dreg:$0x1] =	wrdreg $0xFFFFFFFF  }
0xa8: {  	s28 =	simm.s32 $_size_execute0_lowered;
	s4 =	sadd.s32 s4, s6;
	[dreg:$0x0] =	wrdreg $0x0  }
0xa9: {  	s6 =	sshll.u32 s28, $0x1;
	[dreg:$0x2] =	wrdreg s4  }
0xaa: {  	[dreg:$0x3] =	wrdreg s6  }
0xab: {  	[dreg:$0x4] =	wrdreg $0xC0  }
0xac: {  	_ =	task [dreg:s8], $0x5FFFF  }
0xad: {  	[dreg:$0x1] =	wrdreg $0xFFFFFFFF  }
0xae: {  	[dreg:$0x0] =	wrdreg $0x60  }
0xaf: {  	[dreg:$0x2] =	wrdreg s18  }
0xb0: {  	[dreg:$0x3] =	wrdreg s2  }
0xb1: {  	[dreg:$0x4] =	wrdreg s24  }
0xb2: {  	[dreg:$0x5] =	wrdreg $0x9  }
0xb3: {  	_ =	task.clear_ibuf [dreg:s8], $0x6FFFF;
	_ =	strace $0x90000046  }
0xb4: {  	s29 =	simm.s32 $0x9;
	_ =	strace $0x80000048  }
0xb5: {  	_ =	swait.ge [sflag:s29], $0x1  }
0xb6: {  	[sflag:s29] =	ssyncadd.s32 $0xFFFFFFFF  }
0xb7: {  	_ =	strace $0x90000048  }
0xb8: {  	_ =	sfence  }
0xb9: {  	s30 =	sld [smem:$0x0];
	_ =	sdelay $0x2  }
0xba: {  	s31 =	sshll.u32 s1, $0xD;
	s1 =	sshrl.u32 s1, $0x2  }
0xbb: {  	s3 =	sand.u32 $0x4000, s31;
	s1 =	sadd.s32 s1, s30  }
0xbc: {  	s0 =	sor.u32 s3, s0;
	s1 =	sshll.u32 s1, $0x11  }
0xbd: {  	s0 =	sor.u32 s1, s0  }
0xbe: {  	s0 =	sadd.s32 $0x8F2B, s0  }
0xbf: {  	[sflag:s0] =	ssyncadd.remote.s32 $0x1  }
0xc0: {  	_ =	sfence.sel $0xFFFF  }
0xc1: {  	[dreg:$0x0] =	wrdreg $0xFFFFFFFF;
	(pc) =	sbr.abs _section_cstart, $3  }
0xc2: {  	[dreg:$0x1] =	wrdreg $0xFFFFFFFF  }
0xc3: {  	_ =	task.clear_ibuf [dreg:s8], $0x2FFFF;
	_ =	strace $0x9FFFFFFF  }
0xc4: {  	(tm) =	ssettm $0x7FFFFFFF  }
0xc5: {  	_ =	shalt  }
tec
execute0_lowered:
.L_overlay_start_1:
0x0: {  	(tag) =	ssettag $0x1  }
0x1: {  	s5 =	rddreg [dreg:$0x0]  }
0x2: {  	s6 =	rddreg [dreg:$0x1]  }
0x3: {  	s3 =	rddreg [dreg:$0x2]  }
0x4: {  	s0 =	rddreg [dreg:$0x3]  }
0x5: {  	s4 =	srdreg.scid;
	s1 =	stileid.u32  }
0x6: {  	s2 =	simm.s32 $0x0;
	s10 =	simm.s32 $0x3;
	s11 =	simm.s32 $0x10000  }
0x7: {  	s12 =	simm.s32 $0x10200;
	s13 =	simm.s32 $0x10400;
	s14 =	simm.s32 $0x10600  }
0x8: {  	s15 =	simm.s32 $0x2;
	s16 =	simm.s32 $0x4;
	s17 =	simm.s32 $0x10800  }
0x9: {  	s18 =	simm.s32 $0x5;
	s4 =	sand.u32 $0x1, s4;
	s7 =	sshll.u32 s1, $0x1  }
0xa: {  	s19 =	simm.s32 $0x0;
	s7 =	sor.u32 s4, s7;
	s4 =	ssub.s32 $0x2, s4  }
0xb: {  	[smem:$0x7FF] =	sst s2;
	s8 =	sshll.u32 s7, $0x4;
	s9 =	sshrl.u32 s4, $0x1  }
0xc: {  	s7 =	sshll.u32 s7, $0xC;
	s8 =	sadd.s32 s8, s3;
	s9 =	ssub.s32 s4, s9  }
0xd: {  	s3 =	sadd.s32 s5, s7;
	s4 =	sadd.s32 s6, s7;
	s7 =	sor.u32 $0x800, s7  }
0xe: {  	v1 =	vlaneseq.u32;
	_ =	strace $0x80000047;
	s5 =	sadd.s32 s5, s7;
	s6 =	sadd.s32 s6, s7  }
0xf: {  	v0 =	vimm.f32 $0.0e+00;
	v2 =	vimm.f32 $1.000000000e+00;
	v1 =	vmul.u32 $0x20, v1;
	s7 =	sadd.s32 $0x600, s8;
	s8 =	smax.u32 s9, $0x1;
	s9 =	simm.s32 $0x1  }
.LBB2_1:
0x10: {  	[tilespmem:$0x10000] =	vst v0  }
0x11: {  	[tilespmem:$0x10010] =	vst v0  }
0x12: {  	[tilespmem:$0x10020] =	vst v0  }
0x13: {  	[tilespmem:$0x10030] =	vst v0  }
0x14: {  	[tilespmem:$0x10040] =	vst v0  }
0x15: {  	[tilespmem:$0x10050] =	vst v0  }
0x16: {  	[tilespmem:$0x10060] =	vst v0  }
0x17: {  	[tilespmem:$0x10070] =	vst v0  }
0x18: {  	[tilespmem:$0x10080] =	vst v0  }
0x19: {  	[tilespmem:$0x10090] =	vst v0  }
0x1a: {  	[tilespmem:$0x100A0] =	vst v0  }
0x1b: {  	[tilespmem:$0x100B0] =	vst v0  }
0x1c: {  	[tilespmem:$0x100C0] =	vst v0  }
0x1d: {  	[tilespmem:$0x100D0] =	vst v0  }
0x1e: {  	[tilespmem:$0x100E0] =	vst v0  }
0x1f: {  	[tilespmem:$0x100F0] =	vst v0  }
0x20: {  	[tilespmem:$0x10100] =	vst v0  }
0x21: {  	[tilespmem:$0x10110] =	vst v0  }
0x22: {  	[tilespmem:$0x10120] =	vst v0  }
0x23: {  	[tilespmem:$0x10130] =	vst v0  }
0x24: {  	[tilespmem:$0x10140] =	vst v0  }
0x25: {  	[tilespmem:$0x10150] =	vst v0  }
0x26: {  	[tilespmem:$0x10160] =	vst v0  }
0x27: {  	[tilespmem:$0x10170] =	vst v0  }
0x28: {  	[tilespmem:$0x10180] =	vst v0  }
0x29: {  	[tilespmem:$0x10190] =	vst v0  }
0x2a: {  	[tilespmem:$0x101A0] =	vst v0  }
0x2b: {  	[tilespmem:$0x101B0] =	vst v0  }
0x2c: {  	[tilespmem:$0x101C0] =	vst v0  }
0x2d: {  	[tilespmem:$0x101D0] =	vst v0  }
0x2e: {  	[tilespmem:$0x101E0] =	vst v0  }
0x2f: {  	[tilespmem:$0x101F0] =	vst v0  }
0x30: {  	[tilespmem:$0x10200] =	vst v0  }
0x31: {  	[tilespmem:$0x10210] =	vst v0  }
0x32: {  	[tilespmem:$0x10220] =	vst v0  }
0x33: {  	[tilespmem:$0x10230] =	vst v0  }
0x34: {  	[tilespmem:$0x10240] =	vst v0  }
0x35: {  	[tilespmem:$0x10250] =	vst v0  }
0x36: {  	[tilespmem:$0x10260] =	vst v0  }
0x37: {  	[tilespmem:$0x10270] =	vst v0  }
0x38: {  	[tilespmem:$0x10280] =	vst v0  }
0x39: {  	[tilespmem:$0x10290] =	vst v0  }
0x3a: {  	[tilespmem:$0x102A0] =	vst v0  }
0x3b: {  	[tilespmem:$0x102B0] =	vst v0  }
0x3c: {  	[tilespmem:$0x102C0] =	vst v0  }
0x3d: {  	[tilespmem:$0x102D0] =	vst v0  }
0x3e: {  	[tilespmem:$0x102E0] =	vst v0  }
0x3f: {  	[tilespmem:$0x102F0] =	vst v0  }
0x40: {  	[tilespmem:$0x10300] =	vst v0  }
0x41: {  	[tilespmem:$0x10310] =	vst v0  }
0x42: {  	[tilespmem:$0x10320] =	vst v0  }
0x43: {  	[tilespmem:$0x10330] =	vst v0  }
0x44: {  	[tilespmem:$0x10340] =	vst v0  }
0x45: {  	[tilespmem:$0x10350] =	vst v0  }
0x46: {  	[tilespmem:$0x10360] =	vst v0  }
0x47: {  	[tilespmem:$0x10370] =	vst v0  }
0x48: {  	[tilespmem:$0x10380] =	vst v0  }
0x49: {  	[tilespmem:$0x10390] =	vst v0  }
0x4a: {  	[tilespmem:$0x103A0] =	vst v0  }
0x4b: {  	[tilespmem:$0x103B0] =	vst v0  }
0x4c: {  	[tilespmem:$0x103C0] =	vst v0  }
0x4d: {  	[tilespmem:$0x103D0] =	vst v0  }
0x4e: {  	[tilespmem:$0x103E0] =	vst v0  }
0x4f: {  	[tilespmem:$0x103F0] =	vst v0  }
0x50: {  	[tilespmem:$0x10400] =	vst v0  }
0x51: {  	[tilespmem:$0x10410] =	vst v0  }
0x52: {  	[tilespmem:$0x10420] =	vst v0  }
0x53: {  	[tilespmem:$0x10430] =	vst v0  }
0x54: {  	[tilespmem:$0x10440] =	vst v0  }
0x55: {  	[tilespmem:$0x10450] =	vst v0  }
0x56: {  	[tilespmem:$0x10460] =	vst v0  }
0x57: {  	[tilespmem:$0x10470] =	vst v0  }
0x58: {  	[tilespmem:$0x10480] =	vst v0  }
0x59: {  	[tilespmem:$0x10490] =	vst v0  }
0x5a: {  	[tilespmem:$0x104A0] =	vst v0  }
0x5b: {  	[tilespmem:$0x104B0] =	vst v0  }
0x5c: {  	[tilespmem:$0x104C0] =	vst v0  }
0x5d: {  	[tilespmem:$0x104D0] =	vst v0  }
0x5e: {  	[tilespmem:$0x104E0] =	vst v0  }
0x5f: {  	[tilespmem:$0x104F0] =	vst v0  }
0x60: {  	[tilespmem:$0x10500] =	vst v0  }
0x61: {  	[tilespmem:$0x10510] =	vst v0  }
0x62: {  	[tilespmem:$0x10520] =	vst v0  }
0x63: {  	[tilespmem:$0x10530] =	vst v0  }
0x64: {  	[tilespmem:$0x10540] =	vst v0  }
0x65: {  	[tilespmem:$0x10550] =	vst v0  }
0x66: {  	[tilespmem:$0x10560] =	vst v0  }
0x67: {  	[tilespmem:$0x10570] =	vst v0  }
0x68: {  	[tilespmem:$0x10580] =	vst v0  }
0x69: {  	[tilespmem:$0x10590] =	vst v0  }
0x6a: {  	[tilespmem:$0x105A0] =	vst v0  }
0x6b: {  	[tilespmem:$0x105B0] =	vst v0  }
0x6c: {  	[tilespmem:$0x105C0] =	vst v0  }
0x6d: {  	[tilespmem:$0x105D0] =	vst v0  }
0x6e: {  	[tilespmem:$0x105E0] =	vst v0  }
0x6f: {  	[tilespmem:$0x105F0] =	vst v0  }
0x70: {  	[tilespmem:$0x10600] =	vst v0  }
0x71: {  	[tilespmem:$0x10610] =	vst v0  }
0x72: {  	[tilespmem:$0x10620] =	vst v0  }
0x73: {  	[tilespmem:$0x10630] =	vst v0  }
0x74: {  	[tilespmem:$0x10640] =	vst v0  }
0x75: {  	[tilespmem:$0x10650] =	vst v0  }
0x76: {  	[tilespmem:$0x10660] =	vst v0  }
0x77: {  	[tilespmem:$0x10670] =	vst v0  }
0x78: {  	[tilespmem:$0x10680] =	vst v0  }
0x79: {  	[tilespmem:$0x10690] =	vst v0  }
0x7a: {  	[tilespmem:$0x106A0] =	vst v0  }
0x7b: {  	[tilespmem:$0x106B0] =	vst v0  }
0x7c: {  	[tilespmem:$0x106C0] =	vst v0  }
0x7d: {  	[tilespmem:$0x106D0] =	vst v0  }
0x7e: {  	[tilespmem:$0x106E0] =	vst v0  }
0x7f: {  	[tilespmem:$0x106F0] =	vst v0  }
0x80: {  	[tilespmem:$0x10700] =	vst v0  }
0x81: {  	[tilespmem:$0x10710] =	vst v0  }
0x82: {  	[tilespmem:$0x10720] =	vst v0  }
0x83: {  	[tilespmem:$0x10730] =	vst v0  }
0x84: {  	[tilespmem:$0x10740] =	vst v0  }
0x85: {  	[tilespmem:$0x10750] =	vst v0  }
0x86: {  	[tilespmem:$0x10760] =	vst v0  }
0x87: {  	[tilespmem:$0x10770] =	vst v0  }
0x88: {  	[tilespmem:$0x10780] =	vst v0  }
0x89: {  	[tilespmem:$0x10790] =	vst v0  }
0x8a: {  	[tilespmem:$0x107A0] =	vst v0  }
0x8b: {  	[tilespmem:$0x107B0] =	vst v0  }
0x8c: {  	[tilespmem:$0x107C0] =	vst v0  }
0x8d: {  	[tilespmem:$0x107D0] =	vst v0  }
0x8e: {  	[tilespmem:$0x107E0] =	vst v0;
	s20 =	simm.s32 $0x10  }
0x8f: {  	[tilespmem:$0x107F0] =	vst v0;
	s23 =	sadd.s32 $0x0, s3;
	s21 =	simm.s32 $0x100;
	s22 =	simm.s32 $0x0  }
.LBB2_2:
0x90: {  	[tilespmem:s22], [sflag:$0x1] =	stream.linear.gather [hbm4b:s23+s2], $0x80, $0x38;
	[tilespmem:$0x10880] =	vst v63  }
0x91: {  	s23 =	smov.u32 s20;
	s22 =	smov.u32 s21;
	p0 =	sne.s32 s20, $0x7F0  }
.Ltmp0:
0x92: {  	s20 =	sadd.s32 $0x10, s20;
	(pc) =	sbr.rel @p0 .LBB2_2-.Ltmp0, $2  }
0x93: {  	_ =	sdelay $0x2  }
0x94: {  	s21 =	sadd.s32 $0x100, s21;
	s23 =	sadd.s32 s23, s3  }
0x95: {  	[tilespmem:s22], [sflag:$0x1] =	stream.linear.gather [hbm4b:s23+s2], $0x80, $0x38;
	[tilespmem:$0x10880] =	vst v63  }
0x96: {  	s20 =	simm.s32 $0x8000  }
0x97: {  	s21 =	simm.s32 $0x10;
	s23 =	sadd.s32 $0x0, s4;
	s22 =	simm.s32 $0x8100  }
.LBB2_4:
0x98: {  	[tilespmem:s20], [sflag:$0x3] =	stream.linear.gather [hbm4b:s23+s2], $0x80, $0x38;
	[tilespmem:$0x10880] =	vst v63  }
0x99: {  	s23 =	smov.u32 s21;
	s20 =	smov.u32 s22;
	p0 =	sne.s32 s21, $0x7F0  }
.Ltmp1:
0x9a: {  	s21 =	sadd.s32 $0x10, s21;
	(pc) =	sbr.rel @p0 .LBB2_4-.Ltmp1, $2  }
0x9b: {  	_ =	sdelay $0x2  }
0x9c: {  	s22 =	sadd.s32 $0x100, s22;
	s23 =	sadd.s32 s23, s4  }
0x9d: {  	[tilespmem:s20], [sflag:$0x3] =	stream.linear.gather [hbm4b:s23+s2], $0x80, $0x38;
	[tilespmem:$0x10880] =	vst v63  }
0x9e: {  	s20 =	simm.s32 $0x80  }
0x9f: {  	s21 =	simm.s32 $0x10;
	s23 =	sadd.s32 $0x0, s5;
	s22 =	simm.s32 $0x180  }
.LBB2_6:
0xa0: {  	[tilespmem:s20], [sflag:$0x2] =	stream.linear.gather [hbm4b:s23+s2], $0x80, $0x38;
	[tilespmem:$0x10880] =	vst v63  }
0xa1: {  	s23 =	smov.u32 s21;
	s20 =	smov.u32 s22;
	p0 =	sne.s32 s21, $0x7F0  }
.Ltmp2:
0xa2: {  	s21 =	sadd.s32 $0x10, s21;
	(pc) =	sbr.rel @p0 .LBB2_6-.Ltmp2, $2  }
0xa3: {  	_ =	sdelay $0x2  }
0xa4: {  	s22 =	sadd.s32 $0x100, s22;
	s23 =	sadd.s32 s23, s5  }
0xa5: {  	[tilespmem:s20], [sflag:$0x2] =	stream.linear.gather [hbm4b:s23+s2], $0x80, $0x38;
	[tilespmem:$0x10880] =	vst v63  }
0xa6: {  	s20 =	simm.s32 $0x8080  }
0xa7: {  	s21 =	simm.s32 $0x10;
	s23 =	sadd.s32 $0x0, s6;
	s22 =	simm.s32 $0x8180  }
.LBB2_8:
0xa8: {  	[tilespmem:s20], [sflag:$0x4] =	stream.linear.gather [hbm4b:s23+s2], $0x80, $0x38;
	[tilespmem:$0x10880] =	vst v63  }
0xa9: {  	s23 =	smov.u32 s21;
	s20 =	smov.u32 s22;
	p0 =	sne.s32 s21, $0x7F0  }
.Ltmp3:
0xaa: {  	s21 =	sadd.s32 $0x10, s21;
	(pc) =	sbr.rel @p0 .LBB2_8-.Ltmp3, $2  }
0xab: {  	_ =	sdelay $0x2  }
0xac: {  	s22 =	sadd.s32 $0x100, s22;
	s23 =	sadd.s32 s23, s6  }
0xad: {  	[tilespmem:s20], [sflag:$0x4] =	stream.linear.gather [hbm4b:s23+s2], $0x80, $0x38;
	[tilespmem:$0x10880] =	vst v63  }
0xae: {  	_ =	swait.ge [sflag:s9], $0x4000  }
0xaf: {  	[sflag:s9] =	ssyncset.done $0x0  }
0xb0: {  	[sflag:s9] =	ssyncadd.s32 $0xFFFFC000  }
0xb1: {  	_ =	swait.ge [sflag:s10], $0x4000  }
0xb2: {  	[sflag:s10] =	ssyncset.done $0x0  }
0xb3: {  	s31 =	simm.s32 $0x0;
	[sflag:s10] =	ssyncadd.s32 $0xFFFFC000  }
0xb4: {  	v3 =	vld [tilespmem:s31+$0x0]  }
0xb5: {  	v4 =	vld [tilespmem:s31+$0x8000];
	_ =	sdelay $0x4  }
0xb6: {  	vm0 =	veq.s32 v3, v4  }
0xb7: {  	v3 =	vadd.s32 v1, v3;
	_ =	sdelay $0x4  }
0xb8: {  	[tilespmem:v3+s11+$0x0] =	vst.idx.add.f32.msk vm0, v2  }
0xb9: {  	v3 =	vld [tilespmem:s31+$0x10]  }
0xba: {  	v4 =	vld [tilespmem:s31+$0x8010];
	_ =	sdelay $0x4  }
0xbb: {  	vm0 =	veq.s32 v3, v4  }
0xbc: {  	v3 =	vadd.s32 v1, v3;
	_ =	sdelay $0x4  }
0xbd: {  	[tilespmem:v3+s12+$0x0] =	vst.idx.add.f32.msk vm0, v2  }
0xbe: {  	v3 =	vld [tilespmem:s31+$0x20]  }
0xbf: {  	v4 =	vld [tilespmem:s31+$0x8020];
	_ =	sdelay $0x4  }
0xc0: {  	vm0 =	veq.s32 v3, v4  }
0xc1: {  	v3 =	vadd.s32 v1, v3;
	_ =	sdelay $0x4  }
0xc2: {  	[tilespmem:v3+s13+$0x0] =	vst.idx.add.f32.msk vm0, v2  }
0xc3: {  	v3 =	vld [tilespmem:s31+$0x30]  }
0xc4: {  	v4 =	vld [tilespmem:s31+$0x8030];
	_ =	sdelay $0x4  }
0xc5: {  	vm0 =	veq.s32 v3, v4  }
0xc6: {  	v3 =	vadd.s32 v1, v3;
	_ =	sdelay $0x4  }
0xc7: {  	[tilespmem:v3+s14+$0x0] =	vst.idx.add.f32.msk vm0, v2  }
0xc8: {  	v3 =	vld [tilespmem:s31+$0x8070]  }
0xc9: {  	v4 =	vld [tilespmem:s31+$0x70]  }
0xca: {  	v5 =	vld [tilespmem:s31+$0x8060]  }
0xcb: {  	v18 =	vimm.f32 $0.0e+00;
	v7 =	vld [tilespmem:s31+$0x8050]  }
0xcc: {  	v10 =	vadd.f32 $1.000000000e+00, v18;
	v8 =	vld [tilespmem:s31+$0x50]  }
0xcd: {  	v30 =	vimm.f32 $0.0e+00;
	v12 =	vadd.f32 $1.000000000e+00, v18;
	v14 =	vadd.f32 $1.000000000e+00, v18;
	v6 =	vld [tilespmem:s31+$0x60]  }
0xce: {  	v29 =	vimm.f32 $0.0e+00;
	v16 =	vadd.f32 $1.000000000e+00, v18;
	v19 =	vadd.f32 $1.000000000e+00, v18  }
0xcf: {  	v28 =	vimm.f32 $0.0e+00;
	v22 =	vadd.f32 $1.000000000e+00, v18;
	v27 =	vadd.f32 $1.000000000e+00, v18;
	v9 =	vld [tilespmem:s31+$0x8040]  }
0xd0: {  	v31 =	vadd.f32 $1.000000000e+00, v18;
	v32 =	vadd.f32 $1.000000000e+00, v18;
	vm0 =	veq.s32 v4, v3;
	v3 =	vld [tilespmem:s31+$0x40]  }
0xd1: {  	v36 =	vadd.f32 $1.000000000e+00, v18;
	v20 =	vadd.f32 $1.000000000e+00, v18;
	vm4 =	veq.s32 v8, v7  }
0xd2: {  	v11 =	vnsel vm0, $0xFFFFFFFF, v4;
	vm0 =	veq.s32 v6, v5;
	v15 =	vnsel vm4, $0xFFFFFFFF, v8  }
0xd3: {  	vm1 =	veq.s32 v11, $0x13;
	vm2 =	veq.s32 v11, $0x14;
	v13 =	vnsel vm0, $0xFFFFFFFF, v6  }
0xd4: {  	vm0 =	veq.s32 v11, $0x11;
	vm3 =	veq.s32 v11, $0x12;
	vm8 =	veq.s32 v15, $0x13  }
0xd5: {  	vm9 =	veq.s32 v15, $0x14;
	vm15 =	veq.s32 v15, $0x12;
	vm7 =	veq.s32 v3, v9  }
0xd6: {  	vm13 =	veq.s32 v15, $0x11;
	vm5 =	veq.s32 v13, $0x13;
	v17 =	vnsel vm7, $0xFFFFFFFF, v3  }
0xd7: {  	vm6 =	veq.s32 v13, $0x14;
	vm4 =	veq.s32 v13, $0x12;
	vm10 =	veq.s32 v17, $0x13  }
0xd8: {  	vm7 =	veq.s32 v17, $0x12;
	vm11 =	veq.s32 v17, $0x14;
	v4 =	vsel vm10, v20, v18  }
0xd9: {  	v3 =	vsel vm7, v20, v18;
	v5 =	vsel vm11, v20, v18;
	v6 =	vadd.f32 $1.000000000e+00, v4  }
0xda: {  	vm12 =	veq.s32 v17, $0x11;
	v7 =	vadd.f32 $1.000000000e+00, v5;
	v8 =	vadd.f32 $1.000000000e+00, v3  }
0xdb: {  	vm14 =	veq.s32 v13, $0x11;
	v9 =	vsel vm12, v20, v18;
	v4 =	vsel vm8, v6, v4  }
0xdc: {  	v5 =	vsel vm9, v7, v5;
	v3 =	vsel vm15, v8, v3;
	v8 =	vadd.f32 $1.000000000e+00, v9  }
0xdd: {  	vm15 =	veq.s32 v17, $0x10;
	v6 =	vadd.f32 $1.000000000e+00, v4;
	v7 =	vadd.f32 $1.000000000e+00, v5  }
0xde: {  	v21 =	vadd.f32 $1.000000000e+00, v3;
	v23 =	vsel vm15, v20, v18;
	v9 =	vsel vm13, v8, v9  }
0xdf: {  	v4 =	vsel vm5, v6, v4;
	v6 =	vsel vm6, v7, v5;
	v24 =	vadd.f32 $1.000000000e+00, v9  }
0xe0: {  	v7 =	vsel vm4, v21, v3;
	v3 =	vadd.f32 $1.000000000e+00, v4;
	v21 =	vadd.f32 $1.000000000e+00, v6  }
0xe1: {  	vm4 =	veq.s32 v17, $0xF;
	vm5 =	veq.s32 v11, $0xE;
	v8 =	vadd.f32 $1.000000000e+00, v7  }
0xe2: {  	v5 =	vsel vm1, v3, v4;
	v3 =	vsel vm2, v21, v6;
	v4 =	vadd.f32 $1.000000000e+00, v23  }
0xe3: {  	vm1 =	veq.s32 v15, $0x10;
	v8 =	vsel vm3, v8, v7;
	vm2 =	veq.s32 v13, $0x10  }
0xe4: {  	v6 =	vsel vm14, v24, v9;
	vm3 =	veq.s32 v11, $0x10;
	v4 =	vsel vm1, v4, v23  }
0xe5: {  	v21 =	vsel vm4, v20, v18;
	v7 =	vadd.f32 $1.000000000e+00, v6;
	v23 =	vadd.f32 $1.000000000e+00, v4  }
0xe6: {  	vm4 =	veq.s32 v13, $0xF;
	v24 =	vadd.f32 $1.000000000e+00, v21;
	vm1 =	veq.s32 v15, $0xF  }
0xe7: {  	v9 =	vsel vm0, v7, v6;
	vm0 =	veq.s32 v17, $0xE;
	v4 =	vsel vm2, v23, v4  }
0xe8: {  	v21 =	vsel vm1, v24, v21;
	v6 =	vsel vm0, v20, v18;
	v7 =	vadd.f32 $1.000000000e+00, v4  }
0xe9: {  	vm1 =	veq.s32 v13, $0xE;
	v24 =	vadd.f32 $1.000000000e+00, v21;
	v23 =	vadd.f32 $1.000000000e+00, v6  }
0xea: {  	vm0 =	veq.s32 v15, $0xE;
	vm2 =	veq.s32 v11, $0xF;
	v7 =	vsel vm3, v7, v4  }
0xeb: {  	vm3 =	veq.s32 v17, $0xD;
	v4 =	vsel vm0, v23, v6;
	v6 =	vsel vm4, v24, v21  }
0xec: {  	v21 =	vsel vm3, v20, v18;
	v23 =	vadd.f32 $1.000000000e+00, v4;
	v24 =	vadd.f32 $1.000000000e+00, v6  }
0xed: {  	vm4 =	veq.s32 v13, $0xD;
	vm0 =	veq.s32 v11, $0xD;
	v25 =	vadd.f32 $1.000000000e+00, v21  }
0xee: {  	vm3 =	veq.s32 v15, $0xD;
	v4 =	vsel vm1, v23, v4;
	v6 =	vsel vm2, v24, v6  }
0xef: {  	vm1 =	veq.s32 v17, $0xC;
	vm2 =	veq.s32 v11, $0xC;
	v21 =	vsel vm3, v25, v21  }
0xf0: {  	v23 =	vadd.f32 $1.000000000e+00, v4;
	v24 =	vsel vm1, v20, v18;
	vm1 =	veq.s32 v15, $0xC  }
0xf1: {  	s20 =	simm.s32 $0x100;
	vm3 =	veq.s32 v13, $0xC;
	v25 =	vadd.f32 $1.000000000e+00, v21;
	v26 =	vadd.f32 $1.000000000e+00, v24  }
0xf2: {  	v37 =	vld [tilespmem:s20+$0x0];
	v4 =	vsel vm5, v23, v4;
	vm5 =	veq.s32 v17, $0xB;
	v23 =	vimm.f32 $0.0e+00  }
0xf3: {  	v38 =	vld [tilespmem:s20+$0x8000];
	v34 =	vsel vm4, v25, v21;
	v39 =	vsel vm5, v20, v18;
	v40 =	vsel vm1, v26, v24  }
0xf4: {  	v26 =	vimm.f32 $0.0e+00;
	v25 =	vimm.f32 $0.0e+00;
	v24 =	vimm.f32 $0.0e+00  }
0xf5: {  	s21 =	simm.s32 $0x800;
	v21 =	vimm.f32 $0.0e+00;
	v20 =	vimm.f32 $0.0e+00;
	v33 =	vadd.f32 $1.000000000e+00, v34  }
.LBB2_10:
0xf6: {  	p0 =	sne.s32 s21, $0x1FC00;
	vm1 =	veq.s32 v15, $0xB;
	v41 =	vadd.f32 $1.000000000e+00, v39;
	v42 =	vadd.f32 $1.000000000e+00, v40  }
0xf7: {  	vm4 =	veq.s32 v13, $0xB;
	vm5 =	veq.s32 v11, $0xB;
	v35 =	vsel vm0, v33, v34  }
0xf8: {  	vm0 =	veq.s32 v37, v38;
	v33 =	vsel vm1, v41, v39;
	v34 =	vsel vm3, v42, v40  }
0xf9: {  	v37 =	vadd.s32 v1, v37;
	v38 =	vadd.f32 $1.000000000e+00, v33;
	v39 =	vadd.f32 $1.000000000e+00, v34  }
0xfa: {  	vm6 =	veq.s32 v13, $0xA;
	vm1 =	veq.s32 v17, $0xA;
	vm3 =	veq.s32 v15, $0xA  }
0xfb: {  	v18 =	vsel vm1, v36, v18;
	v33 =	vsel vm4, v38, v33;
	v34 =	vsel vm2, v39, v34  }
0xfc: {  	vm1 =	veq.s32 v11, $0xA;
	v36 =	vadd.f32 $1.000000000e+00, v18;
	v38 =	vadd.f32 $1.000000000e+00, v33  }
0xfd: {  	vm7 =	veq.s32 v15, $0x9;
	vm4 =	veq.s32 v17, $0x9;
	vm2 =	veq.s32 v13, $0x9  }
0xfe: {  	v18 =	vsel vm3, v36, v18;
	[tilespmem:v37+s11+$0x0] =	vst.idx.add.f32.msk vm0, v2;
	vm0 =	veq.s32 v11, $0x9;
	v33 =	vsel vm5, v38, v33  }
0xff: {  	vm3 =	veq.s32 v17, $0x8;
	v30 =	vsel vm4, v32, v30;
	v32 =	vadd.f32 $1.000000000e+00, v18;
	v36 =	vld [tilespmem:s20+$0x10]  }
0x100: {  	v29 =	vsel vm3, v31, v29;
	vm3 =	veq.s32 v15, $0x8;
	v31 =	vadd.f32 $1.000000000e+00, v30;
	v37 =	vld [tilespmem:s20+$0x8010]  }
0x101: {  	vm4 =	veq.s32 v13, $0x8;
	v38 =	vadd.f32 $1.000000000e+00, v29;
	v18 =	vsel vm6, v32, v18  }
0x102: {  	vm5 =	veq.s32 v11, $0x8;
	v30 =	vsel vm7, v31, v30;
	v31 =	vadd.f32 $1.000000000e+00, v18  }
0x103: {  	vm6 =	veq.s32 v17, $0x7;
	v29 =	vsel vm3, v38, v29;
	v32 =	vadd.f32 $1.000000000e+00, v30  }
0x104: {  	v27 =	vsel vm6, v27, v28;
	v28 =	vadd.f32 $1.000000000e+00, v29;
	v18 =	vsel vm1, v31, v18  }
0x105: {  	v31 =	vadd.f32 $1.000000000e+00, v27;
	v30 =	vsel vm2, v32, v30;
	vm1 =	veq.s32 v36, v37  }
0x106: {  	v28 =	vsel vm4, v28, v29;
	v29 =	vadd.f32 $1.000000000e+00, v30;
	v32 =	vadd.s32 v1, v36  }
0x107: {  	vm3 =	veq.s32 v13, $0x7;
	vm2 =	veq.s32 v15, $0x7;
	v36 =	vadd.f32 $1.000000000e+00, v28  }
0x108: {  	v27 =	vsel vm2, v31, v27;
	vm2 =	veq.s32 v11, $0x7;
	v30 =	vsel vm0, v29, v30  }
0x109: {  	vm0 =	veq.s32 v17, $0x6;
	v31 =	vadd.f32 $1.000000000e+00, v27;
	v29 =	vsel vm5, v36, v28  }
0x10a: {  	vm4 =	veq.s32 v13, $0x6;
	v22 =	vsel vm0, v22, v26;
	vm0 =	veq.s32 v15, $0x6  }
0x10b: {  	v26 =	vadd.f32 $1.000000000e+00, v22;
	v27 =	vsel vm3, v31, v27;
	[tilespmem:v32+s12+$0x0] =	vst.idx.add.f32.msk vm1, v2;
	vm1 =	veq.s32 v11, $0x6  }
0x10c: {  	vm3 =	veq.s32 v17, $0x5;
	vm5 =	veq.s32 v15, $0x5;
	v28 =	vadd.f32 $1.000000000e+00, v27;
	v31 =	vld [tilespmem:s20+$0x20]  }
0x10d: {  	v19 =	vsel vm3, v19, v25;
	vm3 =	veq.s32 v13, $0x5;
	v22 =	vsel vm0, v26, v22;
	v32 =	vld [tilespmem:s20+$0x8020]  }
0x10e: {  	v25 =	vadd.f32 $1.000000000e+00, v19;
	v26 =	vadd.f32 $1.000000000e+00, v22;
	v28 =	vsel vm2, v28, v27  }
0x10f: {  	vm6 =	veq.s32 v11, $0x5;
	vm0 =	veq.s32 v17, $0x4;
	vm2 =	veq.s32 v15, $0x4  }
0x110: {  	v16 =	vsel vm0, v16, v24;
	v19 =	vsel vm5, v25, v19;
	v22 =	vsel vm4, v26, v22  }
0x111: {  	vm4 =	veq.s32 v13, $0x4;
	v24 =	vadd.f32 $1.000000000e+00, v19;
	v25 =	vadd.f32 $1.000000000e+00, v22  }
0x112: {  	vm0 =	veq.s32 v11, $0x4;
	v27 =	vadd.f32 $1.000000000e+00, v16;
	vm5 =	veq.s32 v31, v32  }
0x113: {  	v19 =	vsel vm3, v24, v19;
	v26 =	vsel vm1, v25, v22;
	v31 =	vadd.s32 v1, v31  }
0x114: {  	v16 =	vsel vm2, v27, v16;
	vm1 =	veq.s32 v17, $0x3;
	v22 =	vadd.f32 $1.000000000e+00, v19  }
0x115: {  	v14 =	vsel vm1, v14, v23;
	vm1 =	veq.s32 v15, $0x3;
	v23 =	vadd.f32 $1.000000000e+00, v16  }
0x116: {  	vm2 =	veq.s32 v13, $0x3;
	v24 =	vadd.f32 $1.000000000e+00, v14;
	v25 =	vsel vm6, v22, v19  }
0x117: {  	vm3 =	veq.s32 v17, $0x2;
	v16 =	vsel vm4, v23, v16;
	vm4 =	veq.s32 v11, $0x3  }
0x118: {  	v12 =	vsel vm3, v12, v21;
	v14 =	vsel vm1, v24, v14;
	v19 =	vadd.f32 $1.000000000e+00, v16;
	[tilespmem:v31+s13+$0x0] =	vst.idx.add.f32.msk vm5, v2  }
0x119: {  	v22 =	vadd.f32 $1.000000000e+00, v12;
	vm1 =	veq.s32 v15, $0x2;
	v23 =	vadd.f32 $1.000000000e+00, v14;
	v21 =	vld [tilespmem:s20+$0x30]  }
0x11a: {  	vm3 =	veq.s32 v13, $0x2;
	v24 =	vsel vm0, v19, v16;
	vm5 =	veq.s32 v11, $0x2;
	v27 =	vld [tilespmem:s20+$0x8030]  }
0x11b: {  	v12 =	vsel vm1, v22, v12;
	vm0 =	veq.s32 v17, $0x1;
	v14 =	vsel vm2, v23, v14  }
0x11c: {  	v16 =	vadd.f32 $1.000000000e+00, v12;
	v10 =	vsel vm0, v10, v20;
	v17 =	vadd.f32 $1.000000000e+00, v14  }
0x11d: {  	vm1 =	veq.s32 v13, $0x1;
	vm0 =	veq.s32 v15, $0x1;
	v15 =	vadd.f32 $1.000000000e+00, v10  }
0x11e: {  	vm2 =	veq.s32 v11, $0x1;
	v12 =	vsel vm3, v16, v12;
	v23 =	vsel vm4, v17, v14  }
0x11f: {  	v11 =	vadd.f32 $1.000000000e+00, v12;
	v10 =	vsel vm0, v15, v10;
	vm3 =	veq.s32 v21, v27  }
0x120: {  	v14 =	vadd.f32 $1.000000000e+00, v10;
	v13 =	vadd.s32 v1, v21  }
0x121: {  	v21 =	vsel vm5, v11, v12  }
0x122: {  	v10 =	vsel vm1, v14, v10  }
0x123: {  	v11 =	vadd.f32 $1.000000000e+00, v10;
	_ =	sdelay $0x1  }
0x124: {  	s22 =	sshra.s32 s21, $0x2;
	v20 =	vsel vm2, v11, v10;
	[tilespmem:v13+s14+$0x0] =	vst.idx.add.f32.msk vm3, v2  }
0x125: {  	v37 =	vld [tilespmem:s22+$0x0]  }
0x126: {  	v10 =	vadd.f32 $1.000000000e+00, v20;
	v38 =	vld [tilespmem:s22+$0x8000]  }
0x127: {  	v14 =	vadd.f32 $1.000000000e+00, v23;
	v12 =	vadd.f32 $1.000000000e+00, v21;
	v11 =	vld [tilespmem:s20+$0x8070]  }
0x128: {  	v19 =	vadd.f32 $1.000000000e+00, v25;
	v16 =	vadd.f32 $1.000000000e+00, v24;
	v13 =	vld [tilespmem:s20+$0x70]  }
0x129: {  	v22 =	vadd.f32 $1.000000000e+00, v26;
	v27 =	vadd.f32 $1.000000000e+00, v28;
	v15 =	vld [tilespmem:s20+$0x8060]  }
0x12a: {  	v32 =	vadd.f32 $1.000000000e+00, v30;
	v31 =	vadd.f32 $1.000000000e+00, v29;
	v17 =	vld [tilespmem:s20+$0x60]  }
0x12b: {  	v39 =	vadd.f32 $1.000000000e+00, v33;
	v36 =	vadd.f32 $1.000000000e+00, v18;
	v41 =	vld [tilespmem:s20+$0x8050]  }
0x12c: {  	v42 =	vadd.f32 $1.000000000e+00, v35;
	v40 =	vadd.f32 $1.000000000e+00, v34;
	v43 =	vld [tilespmem:s20+$0x50]  }
0x12d: {  	v45 =	vadd.f32 $1.000000000e+00, v4;
	v46 =	vadd.f32 $1.000000000e+00, v6;
	v44 =	vld [tilespmem:s20+$0x8040];
	vm0 =	veq.s32 v13, v11  }
0x12e: {  	v48 =	vadd.f32 $1.000000000e+00, v7;
	v49 =	vadd.f32 $1.000000000e+00, v9;
	v47 =	vld [tilespmem:s20+$0x40];
	v11 =	vnsel vm0, $0xFFFFFFFF, v13;
	s20 =	smov.u32 s22  }
0x12f: {  	vm0 =	veq.s32 v17, v15;
	vm2 =	veq.s32 v11, $0x13;
	vm3 =	veq.s32 v11, $0x14  }
0x130: {  	vm1 =	veq.s32 v11, $0x12;
	v13 =	vnsel vm0, $0xFFFFFFFF, v17;
	vm0 =	veq.s32 v11, $0x11  }
0x131: {  	vm6 =	veq.s32 v43, v41;
	vm4 =	veq.s32 v13, $0x13;
	vm5 =	veq.s32 v13, $0x14  }
0x132: {  	v41 =	vadd.f32 $1.000000000e+00, v8;
	v15 =	vnsel vm6, $0xFFFFFFFF, v43;
	vm6 =	veq.s32 v13, $0x12  }
0x133: {  	vm7 =	veq.s32 v47, v44;
	vm8 =	veq.s32 v15, $0x13;
	vm9 =	veq.s32 v15, $0x14  }
0x134: {  	v43 =	vadd.f32 $1.000000000e+00, v5;
	v44 =	vadd.f32 $1.000000000e+00, v3;
	v17 =	vnsel vm7, $0xFFFFFFFF, v47  }
0x135: {  	vm7 =	veq.s32 v17, $0x12;
	vm10 =	veq.s32 v17, $0x13;
	vm11 =	veq.s32 v17, $0x14  }
0x136: {  	v8 =	vsel vm7, v41, v8;
	v5 =	vsel vm10, v43, v5;
	v3 =	vsel vm11, v44, v3  }
0x137: {  	vm7 =	veq.s32 v15, $0x12;
	v41 =	vadd.f32 $1.000000000e+00, v5;
	v43 =	vadd.f32 $1.000000000e+00, v3  }
0x138: {  	vm10 =	veq.s32 v17, $0x11;
	vm11 =	veq.s32 v15, $0x11;
	v44 =	vadd.f32 $1.000000000e+00, v8  }
0x139: {  	v9 =	vsel vm10, v49, v9;
	v5 =	vsel vm8, v41, v5;
	v3 =	vsel vm9, v43, v3  }
0x13a: {  	v8 =	vsel vm7, v44, v8;
	v41 =	vadd.f32 $1.000000000e+00, v5;
	v43 =	vadd.f32 $1.000000000e+00, v3  }
0x13b: {  	v44 =	vadd.f32 $1.000000000e+00, v9;
	vm7 =	veq.s32 v13, $0x11;
	v47 =	vadd.f32 $1.000000000e+00, v8  }
0x13c: {  	vm8 =	veq.s32 v17, $0x10;
	v5 =	vsel vm4, v41, v5;
	v3 =	vsel vm5, v43, v3  }
0x13d: {  	v8 =	vsel vm6, v47, v8;
	v41 =	vadd.f32 $1.000000000e+00, v5;
	v43 =	vadd.f32 $1.000000000e+00, v3  }
0x13e: {  	v7 =	vsel vm8, v48, v7;
	v9 =	vsel vm11, v44, v9;
	v44 =	vadd.f32 $1.000000000e+00, v8  }
0x13f: {  	v47 =	vadd.f32 $1.000000000e+00, v9;
	v5 =	vsel vm2, v41, v5;
	v3 =	vsel vm3, v43, v3  }
0x140: {  	vm2 =	veq.s32 v15, $0x10;
	v41 =	vadd.f32 $1.000000000e+00, v7;
	v8 =	vsel vm1, v44, v8  }
0x141: {  	v9 =	vsel vm7, v47, v9;
	vm1 =	veq.s32 v13, $0x10;
	vm3 =	veq.s32 v11, $0x10  }
0x142: {  	vm4 =	veq.s32 v17, $0xF;
	v7 =	vsel vm2, v41, v7;
	v41 =	vadd.f32 $1.000000000e+00, v9  }
0x143: {  	v6 =	vsel vm4, v46, v6;
	vm2 =	veq.s32 v15, $0xF;
	v43 =	vadd.f32 $1.000000000e+00, v7  }
0x144: {  	vm4 =	veq.s32 v13, $0xF;
	v44 =	vadd.f32 $1.000000000e+00, v6;
	v9 =	vsel vm0, v41, v9  }
0x145: {  	vm0 =	veq.s32 v17, $0xE;
	v7 =	vsel vm1, v43, v7;
	vm1 =	veq.s32 v11, $0xF  }
0x146: {  	v6 =	vsel vm2, v44, v6;
	v4 =	vsel vm0, v45, v4;
	v41 =	vadd.f32 $1.000000000e+00, v7  }
0x147: {  	v44 =	vadd.f32 $1.000000000e+00, v6;
	vm0 =	veq.s32 v15, $0xE;
	v43 =	vadd.f32 $1.000000000e+00, v4  }
0x148: {  	vm5 =	veq.s32 v11, $0xE;
	vm2 =	veq.s32 v13, $0xE;
	v7 =	vsel vm3, v41, v7  }
0x149: {  	v6 =	vsel vm4, v44, v6;
	vm3 =	veq.s32 v17, $0xD;
	v4 =	vsel vm0, v43, v4  }
0x14a: {  	v35 =	vsel vm3, v42, v35;
	v41 =	vadd.f32 $1.000000000e+00, v4;
	v42 =	vadd.f32 $1.000000000e+00, v6  }
0x14b: {  	vm4 =	veq.s32 v13, $0xD;
	vm3 =	veq.s32 v15, $0xD;
	v43 =	vadd.f32 $1.000000000e+00, v35  }
0x14c: {  	vm0 =	veq.s32 v11, $0xD;
	v4 =	vsel vm2, v41, v4;
	v6 =	vsel vm1, v42, v6  }
.Ltmp4:
0x14d: {  	vm1 =	veq.s32 v17, $0xC;
	v35 =	vsel vm3, v43, v35;
	v41 =	vadd.f32 $1.000000000e+00, v4;
	(pc) =	sbr.rel @p0 .LBB2_10-.Ltmp4, $4  }
0x14e: {  	v40 =	vsel vm1, v40, v34;
	vm1 =	veq.s32 v15, $0xC;
	v34 =	vadd.f32 $1.000000000e+00, v35  }
0x14f: {  	vm3 =	veq.s32 v13, $0xC;
	v42 =	vadd.f32 $1.000000000e+00, v40;
	v4 =	vsel vm5, v41, v4  }
0x150: {  	vm2 =	veq.s32 v11, $0xC;
	vm5 =	veq.s32 v17, $0xB;
	v34 =	vsel vm4, v34, v35  }
0x151: {  	s21 =	sadd.s32 $0x400, s21;
	v39 =	vsel vm5, v39, v33;
	v40 =	vsel vm1, v42, v40;
	v33 =	vadd.f32 $1.000000000e+00, v34  }
0x152: {  	vm4 =	veq.s32 v37, v38  }
0x153: {  	v35 =	vadd.s32 v1, v37;
	_ =	sdelay $0x3  }
0x154: {  	v48 =	vadd.f32 $1.000000000e+00, v39;
	v49 =	vadd.f32 $1.000000000e+00, v40  }
0x155: {  	vm5 =	veq.s32 v15, $0xB;
	vm6 =	veq.s32 v13, $0xB;
	vm1 =	veq.s32 v11, $0xB;
	[tilespmem:v35+s11+$0x0] =	vst.idx.add.f32.msk vm4, v2  }
0x156: {  	vm15 =	veq.s32 v15, $0xA;
	vm12 =	veq.s32 v17, $0x9;
	vm7 =	veq.s32 v15, $0x9;
	v52 =	vld [tilespmem:s20+$0x10]  }
0x157: {  	vm8 =	veq.s32 v13, $0x9;
	vm13 =	veq.s32 v17, $0x8;
	vm9 =	veq.s32 v13, $0x8;
	v41 =	vld [tilespmem:s20+$0x8010]  }
0x158: {  	vm11 =	veq.s32 v17, $0x7;
	vm10 =	veq.s32 v13, $0x5;
	v45 =	vadd.f32 $1.000000000e+00, v6  }
0x159: {  	v46 =	vadd.f32 $1.000000000e+00, v7;
	v47 =	vadd.f32 $1.000000000e+00, v9;
	v30 =	vsel vm12, v32, v30  }
0x15a: {  	v29 =	vsel vm13, v31, v29;
	vm12 =	veq.s32 v11, $0x8;
	v28 =	vsel vm11, v27, v28  }
0x15b: {  	vm13 =	veq.s32 v13, $0x7;
	v38 =	vsel vm3, v49, v40;
	vm3 =	veq.s32 v17, $0xA  }
0x15c: {  	vm11 =	veq.s32 v15, $0x4;
	v36 =	vsel vm3, v36, v18;
	vm14 =	veq.s32 v52, v41  }
0x15d: {  	v33 =	vsel vm0, v33, v34;
	v53 =	vadd.f32 $1.000000000e+00, v36;
	v56 =	vadd.s32 v1, v52  }
0x15e: {  	v37 =	vsel vm5, v48, v39;
	v31 =	vadd.f32 $1.000000000e+00, v30;
	v55 =	vadd.f32 $1.000000000e+00, v29  }
0x15f: {  	v62 =	vadd.f32 $1.000000000e+00, v33;
	v48 =	vadd.f32 $1.000000000e+00, v4;
	v36 =	vsel vm15, v53, v36  }
0x160: {  	vm5 =	veq.s32 v13, $0xA;
	v49 =	vadd.f32 $1.000000000e+00, v3;
	v54 =	vadd.f32 $1.000000000e+00, v36  }
0x161: {  	v50 =	vadd.f32 $1.000000000e+00, v37;
	v51 =	vadd.f32 $1.000000000e+00, v38;
	vm3 =	veq.s32 v11, $0xA  }
0x162: {  	v30 =	vsel vm7, v31, v30;
	vm7 =	veq.s32 v11, $0x6;
	v32 =	vsel vm5, v54, v36;
	[tilespmem:v56+s12+$0x0] =	vst.idx.add.f32.msk vm14, v2  }
0x163: {  	v18 =	vsel vm2, v51, v38;
	vm15 =	veq.s32 v15, $0x8;
	v31 =	vadd.f32 $1.000000000e+00, v32;
	v59 =	vld [tilespmem:s20+$0x20]  }
0x164: {  	v57 =	vadd.f32 $1.000000000e+00, v30;
	v35 =	vsel vm6, v50, v37;
	v29 =	vsel vm15, v55, v29;
	v39 =	vld [tilespmem:s20+$0x8020]  }
0x165: {  	v38 =	vadd.f32 $1.000000000e+00, v29;
	v27 =	vsel vm3, v31, v32;
	v31 =	vadd.f32 $1.000000000e+00, v28  }
0x166: {  	vm6 =	veq.s32 v13, $0x6;
	v37 =	vadd.f32 $1.000000000e+00, v35;
	vm3 =	veq.s32 v15, $0x7  }
0x167: {  	v58 =	vsel vm8, v57, v30;
	v29 =	vsel vm9, v38, v29;
	v31 =	vsel vm3, v31, v28  }
0x168: {  	v30 =	vadd.f32 $1.000000000e+00, v29;
	v60 =	vadd.f32 $1.000000000e+00, v31;
	vm14 =	veq.s32 v17, $0x6  }
0x169: {  	vm15 =	veq.s32 v15, $0x6;
	v22 =	vsel vm14, v22, v26;
	vm14 =	veq.s32 v59, v39  }
0x16a: {  	v28 =	vsel vm12, v30, v29;
	v29 =	vsel vm13, v60, v31;
	v31 =	vadd.s32 v1, v59  }
0x16b: {  	vm8 =	veq.s32 v13, $0x3;
	vm12 =	veq.s32 v17, $0x5;
	v26 =	vadd.f32 $1.000000000e+00, v22  }
0x16c: {  	vm5 =	veq.s32 v11, $0x4;
	v19 =	vsel vm12, v19, v25;
	vm12 =	veq.s32 v17, $0x3  }
0x16d: {  	v25 =	vadd.f32 $1.000000000e+00, v19;
	v14 =	vsel vm12, v14, v23;
	v22 =	vsel vm15, v26, v22  }
0x16e: {  	vm12 =	veq.s32 v15, $0x1;
	vm13 =	veq.s32 v15, $0x5;
	v26 =	vadd.f32 $1.000000000e+00, v22  }
0x16f: {  	v19 =	vsel vm13, v25, v19;
	vm13 =	veq.s32 v15, $0x3;
	vm15 =	veq.s32 v17, $0x4;
	[tilespmem:v31+s13+$0x0] =	vst.idx.add.f32.msk vm14, v2  }
0x170: {  	v24 =	vsel vm15, v16, v24;
	v16 =	vadd.f32 $1.000000000e+00, v19;
	v22 =	vsel vm6, v26, v22;
	v23 =	vld [tilespmem:s20+$0x30]  }
0x171: {  	vm15 =	veq.s32 v17, $0x1;
	v26 =	vadd.f32 $1.000000000e+00, v24;
	v25 =	vadd.f32 $1.000000000e+00, v22;
	v31 =	vld [tilespmem:s20+$0x8030]  }
0x172: {  	v10 =	vsel vm15, v10, v20;
	vm15 =	veq.s32 v11, $0x2;
	v19 =	vsel vm10, v16, v19  }
0x173: {  	v16 =	vsel vm7, v25, v22;
	v22 =	vsel vm11, v26, v24;
	vm14 =	veq.s32 v17, $0x2  }
0x174: {  	v26 =	vadd.f32 $1.000000000e+00, v14;
	v25 =	vadd.f32 $1.000000000e+00, v22;
	v12 =	vsel vm14, v12, v21  }
0x175: {  	vm6 =	veq.s32 v13, $0x4;
	v21 =	vadd.f32 $1.000000000e+00, v10;
	v20 =	vadd.f32 $1.000000000e+00, v12  }
0x176: {  	vm11 =	veq.s32 v15, $0x2;
	v17 =	vsel vm6, v25, v22;
	vm6 =	veq.s32 v23, v31  }
0x177: {  	v10 =	vsel vm12, v21, v10;
	v12 =	vsel vm11, v20, v12;
	v20 =	vadd.s32 v1, v23  }
0x178: {  	v14 =	vsel vm13, v26, v14;
	v21 =	vadd.f32 $1.000000000e+00, v10;
	v15 =	vadd.f32 $1.000000000e+00, v12  }
0x179: {  	vm13 =	veq.s32 v13, $0x2;
	vm14 =	veq.s32 v13, $0x1;
	v23 =	vadd.f32 $1.000000000e+00, v14  }
0x17a: {  	v22 =	vadd.f32 $1.000000000e+00, v17;
	v13 =	vsel vm14, v21, v10;
	v12 =	vsel vm13, v15, v12  }
0x17b: {  	v15 =	vadd.f32 $1.000000000e+00, v13;
	v14 =	vsel vm8, v23, v14;
	v10 =	vadd.f32 $1.000000000e+00, v12  }
0x17c: {  	vm12 =	veq.s32 v11, $0x1;
	v21 =	vsel vm5, v22, v17;
	v17 =	vadd.f32 $1.000000000e+00, v14;
	[tilespmem:v20+s14+$0x0] =	vst.idx.add.f32.msk vm6, v2  }
0x17d: {  	vm13 =	veq.s32 v11, $0x3;
	v10 =	vsel vm15, v10, v12;
	v12 =	vsel vm12, v15, v13;
	v13 =	vld [tilespmem:s20+$0x8070]  }
0x17e: {  	v36 =	vadd.f32 $1.000000000e+00, v58;
	v30 =	vadd.f32 $1.000000000e+00, v29;
	v20 =	vsel vm13, v17, v14;
	v17 =	vld [tilespmem:s20+$0x70]  }
0x17f: {  	vm2 =	veq.s32 v11, $0x9;
	v44 =	vadd.f32 $1.000000000e+00, v18;
	vm3 =	veq.s32 v11, $0x7;
	v23 =	vld [tilespmem:s20+$0x8060]  }
0x180: {  	v37 =	vsel vm1, v37, v35;
	v36 =	vsel vm2, v36, v58;
	v31 =	vsel vm3, v30, v29;
	v29 =	vld [tilespmem:s20+$0x8050]  }
0x181: {  	v43 =	vadd.f32 $1.000000000e+00, v37;
	v41 =	vadd.f32 $1.000000000e+00, v36;
	v61 =	vld [tilespmem:s20+$0x50]  }
0x182: {  	v42 =	vadd.f32 $1.000000000e+00, v27;
	v24 =	vadd.f32 $1.000000000e+00, v19;
	v25 =	vld [tilespmem:s20+$0x60]  }
0x183: {  	vm4 =	veq.s32 v11, $0x5;
	v40 =	vadd.f32 $1.000000000e+00, v28;
	v30 =	vadd.f32 $1.000000000e+00, v16  }
0x184: {  	v11 =	vsel vm4, v24, v19;
	v24 =	vadd.f32 $1.000000000e+00, v21;
	v32 =	vadd.f32 $1.000000000e+00, v31  }
0x185: {  	v26 =	vadd.f32 $1.000000000e+00, v11;
	v15 =	vadd.f32 $1.000000000e+00, v12;
	v63 =	vld [tilespmem:s20+$0x8040]  }
0x186: {  	v14 =	vadd.f32 $1.000000000e+00, v10;
	vm0 =	veq.s32 v17, v13;
	v13 =	vld [tilespmem:s20+$0x40];
	vm14 =	veq.s32 v61, v29  }
0x187: {  	v19 =	vnsel vm0, $0xFFFFFFFF, v17;
	vm0 =	veq.s32 v25, v23;
	v17 =	vadd.f32 $1.000000000e+00, v8  }
0x188: {  	vm1 =	veq.s32 v19, $0x13;
	vm2 =	veq.s32 v19, $0x14;
	v23 =	vnsel vm0, $0xFFFFFFFF, v25  }
0x189: {  	vm0 =	veq.s32 v19, $0x11;
	vm3 =	veq.s32 v19, $0x12;
	v25 =	vnsel vm14, $0xFFFFFFFF, v61  }
0x18a: {  	vm4 =	veq.s32 v23, $0x13;
	vm5 =	veq.s32 v23, $0x14;
	vm6 =	veq.s32 v23, $0x12  }
0x18b: {  	vm8 =	veq.s32 v25, $0x13;
	vm7 =	veq.s32 v25, $0x14;
	vm15 =	veq.s32 v13, v63  }
0x18c: {  	v29 =	vnsel vm15, $0xFFFFFFFF, v13;
	v13 =	vadd.f32 $1.000000000e+00, v5;
	vm15 =	veq.s32 v25, $0x12  }
0x18d: {  	vm12 =	veq.s32 v29, $0x13;
	vm13 =	veq.s32 v29, $0x12;
	vm14 =	veq.s32 v29, $0x14  }
0x18e: {  	v5 =	vsel vm12, v13, v5;
	v8 =	vsel vm13, v17, v8;
	v3 =	vsel vm14, v49, v3  }
0x18f: {  	vm12 =	veq.s32 v29, $0x11;
	v13 =	vadd.f32 $1.000000000e+00, v5;
	v17 =	vadd.f32 $1.000000000e+00, v3  }
0x190: {  	vm13 =	veq.s32 v25, $0x11;
	v50 =	vadd.f32 $1.000000000e+00, v8;
	v9 =	vsel vm12, v47, v9  }
0x191: {  	v51 =	vadd.f32 $1.000000000e+00, v9;
	v5 =	vsel vm8, v13, v5;
	v3 =	vsel vm7, v17, v3  }
0x192: {  	v8 =	vsel vm15, v50, v8;
	v13 =	vadd.f32 $1.000000000e+00, v5;
	v17 =	vadd.f32 $1.000000000e+00, v3  }
0x193: {  	vm14 =	veq.s32 v23, $0x11;
	vm15 =	veq.s32 v29, $0x10;
	v34 =	vadd.f32 $1.000000000e+00, v8  }
0x194: {  	v9 =	vsel vm13, v51, v9;
	v5 =	vsel vm4, v13, v5;
	v3 =	vsel vm5, v17, v3  }
0x195: {  	v8 =	vsel vm6, v34, v8;
	v13 =	vadd.f32 $1.000000000e+00, v5;
	v17 =	vadd.f32 $1.000000000e+00, v3  }
0x196: {  	v52 =	vsel vm15, v46, v7;
	v54 =	vadd.f32 $1.000000000e+00, v9;
	v53 =	vadd.f32 $1.000000000e+00, v8  }
0x197: {  	v7 =	vsel vm1, v13, v5;
	v13 =	vsel vm2, v17, v3;
	v3 =	vadd.f32 $1.000000000e+00, v52  }
0x198: {  	vm8 =	veq.s32 v29, $0xF;
	vm1 =	veq.s32 v25, $0x10;
	v5 =	vsel vm14, v54, v9  }
0x199: {  	_ =	swait.ge [sflag:s15], $0x4000;
	v17 =	vsel vm3, v53, v8;
	v8 =	vadd.f32 $1.000000000e+00, v5;
	v3 =	vsel vm1, v3, v52  }
0x19a: {  	[sflag:s15] =	ssyncset.done $0x0;
	vm2 =	veq.s32 v23, $0x10;
	v9 =	vsel vm8, v45, v6;
	v34 =	vadd.f32 $1.000000000e+00, v3  }
0x19b: {  	[sflag:s15] =	ssyncadd.s32 $0xFFFFC000;
	v55 =	vadd.f32 $1.000000000e+00, v9;
	v6 =	vsel vm0, v8, v5;
	vm0 =	veq.s32 v29, $0xE  }
0x19c: {  	_ =	swait.ge [sflag:s16], $0x4000;
	vm1 =	veq.s32 v25, $0xF;
	v4 =	vsel vm0, v48, v4;
	v3 =	vsel vm2, v34, v3  }
0x19d: {  	[sflag:s16] =	ssyncset.done $0x0;
	v5 =	vsel vm1, v55, v9;
	v9 =	vadd.f32 $1.000000000e+00, v4;
	v8 =	vadd.f32 $1.000000000e+00, v3  }
0x19e: {  	s31 =	simm.s32 $0x0;
	[sflag:s16] =	ssyncadd.s32 $0xFFFFC000;
	vm3 =	veq.s32 v19, $0x10;
	vm1 =	veq.s32 v25, $0xE;
	v56 =	vadd.f32 $1.000000000e+00, v5  }
0x19f: {  	vm9 =	veq.s32 v23, $0xF;
	v57 =	vsel vm3, v8, v3;
	v3 =	vsel vm1, v9, v4;
	v4 =	vld [tilespmem:s31+$0x80]  }
0x1a0: {  	v22 =	vadd.f32 $1.000000000e+00, v20;
	v5 =	vsel vm9, v56, v5;
	vm1 =	veq.s32 v29, $0xD;
	v9 =	vld [tilespmem:s31+$0x8080]  }
0x1a1: {  	vm10 =	veq.s32 v23, $0xE;
	v34 =	vadd.f32 $1.000000000e+00, v5;
	v33 =	vsel vm1, v62, v33  }
0x1a2: {  	vm2 =	veq.s32 v19, $0xF;
	v8 =	vadd.f32 $1.000000000e+00, v3;
	v58 =	vadd.f32 $1.000000000e+00, v33  }
0x1a3: {  	vm3 =	veq.s32 v23, $0xD;
	vm1 =	veq.s32 v25, $0xD;
	v34 =	vsel vm2, v34, v5  }
0x1a4: {  	vm2 =	veq.s32 v29, $0xC;
	v59 =	vsel vm10, v8, v3;
	v3 =	vsel vm1, v58, v33  }
0x1a5: {  	v5 =	vsel vm2, v44, v18;
	v8 =	vadd.f32 $1.000000000e+00, v3;
	vm12 =	veq.s32 v4, v9  }
0x1a6: {  	vm1 =	veq.s32 v29, $0xB;
	v9 =	vadd.f32 $1.000000000e+00, v5;
	v4 =	vadd.s32 v1, v4  }
0x1a7: {  	vm2 =	veq.s32 v25, $0xC;
	v3 =	vsel vm3, v8, v3;
	v8 =	vsel vm1, v43, v37  }
0x1a8: {  	vm11 =	veq.s32 v19, $0xD;
	v5 =	vsel vm2, v9, v5;
	v9 =	vadd.f32 $1.000000000e+00, v8  }
0x1a9: {  	vm13 =	veq.s32 v23, $0xC;
	vm2 =	veq.s32 v25, $0xB;
	v18 =	vadd.f32 $1.000000000e+00, v3  }
0x1aa: {  	vm15 =	veq.s32 v25, $0xA;
	vm5 =	veq.s32 v23, $0xA;
	v8 =	vsel vm2, v9, v8  }
0x1ab: {  	vm6 =	veq.s32 v25, $0x9;
	v62 =	vsel vm11, v18, v3;
	v3 =	vadd.f32 $1.000000000e+00, v8;
	[tilespmem:v4+s11+$0x0] =	vst.idx.add.f32.msk vm12, v2  }
0x1ac: {  	vm4 =	veq.s32 v19, $0x9;
	vm14 =	veq.s32 v19, $0xB;
	vm3 =	veq.s32 v23, $0xB;
	v4 =	vld [tilespmem:s31+$0x90]  }
0x1ad: {  	vm8 =	veq.s32 v23, $0x6;
	v55 =	vadd.f32 $1.000000000e+00, v6;
	v3 =	vsel vm3, v3, v8;
	v8 =	vld [tilespmem:s31+$0x8090]  }
0x1ae: {  	vm0 =	veq.s32 v19, $0xE;
	v54 =	vadd.f32 $1.000000000e+00, v57;
	v61 =	vadd.f32 $1.000000000e+00, v5  }
0x1af: {  	v53 =	vadd.f32 $1.000000000e+00, v34;
	vm10 =	veq.s32 v29, $0x7;
	vm2 =	veq.s32 v29, $0xA  }
0x1b0: {  	v18 =	vsel vm13, v61, v5;
	v5 =	vsel vm2, v42, v27;
	v27 =	vadd.f32 $1.000000000e+00, v3  }
0x1b1: {  	v60 =	vadd.f32 $1.000000000e+00, v59;
	vm13 =	veq.s32 v29, $0x8;
	v9 =	vadd.f32 $1.000000000e+00, v5  }
0x1b2: {  	vm3 =	veq.s32 v29, $0x9;
	v33 =	vsel vm14, v27, v3;
	vm14 =	veq.s32 v4, v8  }
0x1b3: {  	v5 =	vsel vm15, v9, v5;
	v3 =	vsel vm3, v41, v36;
	v4 =	vadd.s32 v1, v4  }
0x1b4: {  	v9 =	vadd.f32 $1.000000000e+00, v5;
	v27 =	vsel vm13, v40, v28;
	v28 =	vadd.f32 $1.000000000e+00, v3  }
0x1b5: {  	v38 =	vsel vm0, v60, v59;
	vm1 =	veq.s32 v19, $0xC;
	v8 =	vadd.f32 $1.000000000e+00, v27  }
0x1b6: {  	vm3 =	veq.s32 v25, $0x8;
	v45 =	vsel vm5, v9, v5;
	v3 =	vsel vm6, v28, v3  }
0x1b7: {  	v9 =	vsel vm10, v32, v31;
	v5 =	vsel vm3, v8, v27;
	v8 =	vadd.f32 $1.000000000e+00, v3  }
0x1b8: {  	vm12 =	veq.s32 v23, $0x9;
	v28 =	vadd.f32 $1.000000000e+00, v9;
	v27 =	vadd.f32 $1.000000000e+00, v5;
	[tilespmem:v4+s12+$0x0] =	vst.idx.add.f32.msk vm14, v2  }
0x1b9: {  	vm11 =	veq.s32 v25, $0x7;
	vm15 =	veq.s32 v23, $0x8;
	v3 =	vsel vm12, v8, v3;
	v8 =	vld [tilespmem:s31+$0xA0]  }
0x1ba: {  	v27 =	vsel vm15, v27, v5;
	v5 =	vadd.f32 $1.000000000e+00, v3;
	v4 =	vsel vm11, v28, v9;
	v47 =	vld [tilespmem:s31+$0x80A0]  }
0x1bb: {  	v52 =	vadd.f32 $1.000000000e+00, v38;
	vm13 =	veq.s32 v29, $0x6;
	v28 =	vadd.f32 $1.000000000e+00, v4  }
0x1bc: {  	vm12 =	veq.s32 v23, $0x7;
	v9 =	vsel vm4, v5, v3;
	v3 =	vsel vm13, v30, v16  }
0x1bd: {  	vm5 =	veq.s32 v19, $0x7;
	v5 =	vadd.f32 $1.000000000e+00, v3;
	v4 =	vsel vm12, v28, v4  }
0x1be: {  	vm15 =	veq.s32 v29, $0x5;
	vm14 =	veq.s32 v25, $0x6;
	v16 =	vadd.f32 $1.000000000e+00, v4  }
0x1bf: {  	v26 =	vsel vm15, v26, v11;
	v3 =	vsel vm14, v5, v3;
	vm7 =	veq.s32 v8, v47  }
0x1c0: {  	v5 =	vadd.f32 $1.000000000e+00, v26;
	v11 =	vsel vm5, v16, v4;
	v4 =	vadd.s32 v1, v8  }
0x1c1: {  	v63 =	vadd.f32 $1.000000000e+00, v18;
	v50 =	vadd.f32 $1.000000000e+00, v62;
	vm12 =	veq.s32 v25, $0x5  }
0x1c2: {  	vm14 =	veq.s32 v29, $0x4;
	v28 =	vadd.f32 $1.000000000e+00, v3;
	v5 =	vsel vm12, v5, v26  }
0x1c3: {  	v48 =	vadd.f32 $1.000000000e+00, v33;
	v8 =	vsel vm14, v24, v21;
	v16 =	vadd.f32 $1.000000000e+00, v5  }
0x1c4: {  	vm13 =	veq.s32 v23, $0x5;
	v21 =	vsel vm8, v28, v3;
	v3 =	vadd.f32 $1.000000000e+00, v8  }
0x1c5: {  	vm15 =	veq.s32 v25, $0x4;
	v5 =	vsel vm13, v16, v5;
	vm13 =	veq.s32 v29, $0x3;
	[tilespmem:v4+s13+$0x0] =	vst.idx.add.f32.msk vm7, v2  }
0x1c6: {  	v3 =	vsel vm15, v3, v8;
	v8 =	vadd.f32 $1.000000000e+00, v5;
	v4 =	vsel vm13, v22, v20;
	v20 =	vld [tilespmem:s31+$0xB0]  }
0x1c7: {  	vm12 =	veq.s32 v19, $0x5;
	vm14 =	veq.s32 v25, $0x3;
	vm8 =	veq.s32 v23, $0x4;
	v26 =	vld [tilespmem:s31+$0x80B0]  }
0x1c8: {  	vm15 =	veq.s32 v29, $0x1;
	v16 =	vadd.f32 $1.000000000e+00, v3;
	v8 =	vsel vm12, v8, v5  }
0x1c9: {  	vm12 =	veq.s32 v29, $0x2;
	v5 =	vsel vm15, v15, v12;
	v22 =	vadd.f32 $1.000000000e+00, v4  }
0x1ca: {  	v15 =	vsel vm8, v16, v3;
	v3 =	vsel vm12, v14, v10;
	v10 =	vadd.f32 $1.000000000e+00, v5  }
0x1cb: {  	vm13 =	veq.s32 v25, $0x1;
	v12 =	vadd.f32 $1.000000000e+00, v3;
	v4 =	vsel vm14, v22, v4  }
0x1cc: {  	vm14 =	veq.s32 v25, $0x2;
	v5 =	vsel vm13, v10, v5;
	vm6 =	veq.s32 v20, v26  }
0x1cd: {  	v14 =	vadd.f32 $1.000000000e+00, v4;
	v3 =	vsel vm14, v12, v3;
	v16 =	vadd.s32 v1, v20  }
0x1ce: {  	vm2 =	veq.s32 v19, $0xA;
	v10 =	vadd.f32 $1.000000000e+00, v5;
	v12 =	vadd.f32 $1.000000000e+00, v3  }
0x1cf: {  	vm7 =	veq.s32 v23, $0x3;
	vm15 =	veq.s32 v23, $0x1;
	vm13 =	veq.s32 v23, $0x2  }
0x1d0: {  	v5 =	vsel vm15, v10, v5;
	v4 =	vsel vm7, v14, v4;
	v10 =	vsel vm13, v12, v3  }
0x1d1: {  	v40 =	vsel vm1, v63, v18;
	v12 =	vadd.f32 $1.000000000e+00, v4;
	v14 =	vadd.f32 $1.000000000e+00, v10  }
0x1d2: {  	v49 =	vadd.f32 $1.000000000e+00, v40;
	vm12 =	veq.s32 v19, $0x3;
	vm15 =	veq.s32 v19, $0x2;
	[tilespmem:v16+s14+$0x0] =	vst.idx.add.f32.msk vm6, v2  }
0x1d3: {  	v20 =	vadd.f32 $1.000000000e+00, v15;
	v12 =	vsel vm12, v12, v4;
	v4 =	vsel vm15, v14, v10;
	v10 =	vld [tilespmem:s31+$0x80F0]  }
0x1d4: {  	vm3 =	veq.s32 v19, $0x8;
	v46 =	vadd.f32 $1.000000000e+00, v27;
	vm5 =	veq.s32 v19, $0x4;
	v14 =	vld [tilespmem:s31+$0xF0]  }
0x1d5: {  	vm4 =	veq.s32 v19, $0x6;
	vm14 =	veq.s32 v19, $0x1;
	v19 =	vsel vm5, v20, v15;
	v15 =	vld [tilespmem:s31+$0x80E0]  }
0x1d6: {  	v31 =	vadd.f32 $1.000000000e+00, v45;
	v24 =	vadd.f32 $1.000000000e+00, v21;
	v23 =	vld [tilespmem:s31+$0x80D0]  }
0x1d7: {  	v32 =	vadd.f32 $1.000000000e+00, v9;
	v30 =	vadd.f32 $1.000000000e+00, v11;
	v25 =	vsel vm3, v46, v27;
	v27 =	vld [tilespmem:s31+$0xD0]  }
0x1d8: {  	v28 =	vadd.f32 $1.000000000e+00, v8;
	v22 =	vsel vm4, v24, v21;
	v3 =	vadd.f32 $1.000000000e+00, v5;
	v21 =	vld [tilespmem:s31+$0xE0]  }
0x1d9: {  	v29 =	vadd.f32 $1.000000000e+00, v22;
	v26 =	vsel vm2, v31, v45;
	v31 =	vadd.f32 $1.000000000e+00, v25  }
0x1da: {  	v36 =	vadd.f32 $1.000000000e+00, v26;
	v3 =	vsel vm14, v3, v5;
	v24 =	vadd.f32 $1.000000000e+00, v19  }
0x1db: {  	v5 =	vadd.f32 $1.000000000e+00, v3;
	v20 =	vadd.f32 $1.000000000e+00, v12;
	v51 =	vld [tilespmem:s31+$0x80C0]  }
0x1dc: {  	v16 =	vadd.f32 $1.000000000e+00, v4;
	vm0 =	veq.s32 v14, v10;
	v10 =	vld [tilespmem:s31+$0xC0];
	vm11 =	veq.s32 v27, v23  }
0x1dd: {  	v18 =	vnsel vm0, $0xFFFFFFFF, v14;
	vm0 =	veq.s32 v21, v15;
	v14 =	vadd.f32 $1.000000000e+00, v17  }
0x1de: {  	v23 =	vnsel vm11, $0xFFFFFFFF, v27;
	v15 =	vadd.f32 $1.000000000e+00, v13;
	vm1 =	veq.s32 v18, $0x13  }
0x1df: {  	vm2 =	veq.s32 v18, $0x14;
	v21 =	vnsel vm0, $0xFFFFFFFF, v21;
	vm0 =	veq.s32 v18, $0x11  }
0x1e0: {  	vm3 =	veq.s32 v18, $0x12;
	vm8 =	veq.s32 v23, $0x13;
	vm9 =	veq.s32 v23, $0x14  }
0x1e1: {  	vm15 =	veq.s32 v23, $0x12;
	vm4 =	veq.s32 v21, $0x13;
	vm12 =	veq.s32 v10, v51  }
0x1e2: {  	vm5 =	veq.s32 v21, $0x14;
	vm6 =	veq.s32 v21, $0x12;
	v27 =	vnsel vm12, $0xFFFFFFFF, v10  }
0x1e3: {  	v10 =	vadd.f32 $1.000000000e+00, v7;
	vm7 =	veq.s32 v27, $0x12;
	vm13 =	veq.s32 v27, $0x13  }
0x1e4: {  	vm14 =	veq.s32 v27, $0x14;
	vm12 =	veq.s32 v27, $0x11;
	vm11 =	veq.s32 v27, $0xF  }
0x1e5: {  	v14 =	vsel vm7, v14, v17;
	v7 =	vsel vm13, v10, v7;
	v10 =	vsel vm14, v15, v13  }
0x1e6: {  	vm13 =	veq.s32 v23, $0x11;
	v6 =	vsel vm12, v55, v6;
	v13 =	vadd.f32 $1.000000000e+00, v7  }
0x1e7: {  	vm14 =	veq.s32 v21, $0x11;
	v15 =	vadd.f32 $1.000000000e+00, v10;
	v17 =	vadd.f32 $1.000000000e+00, v14  }
0x1e8: {  	v34 =	vsel vm11, v53, v34;
	vm12 =	veq.s32 v21, $0xF;
	v7 =	vsel vm8, v13, v7  }
0x1e9: {  	v10 =	vsel vm9, v15, v10;
	v13 =	vsel vm15, v17, v14;
	v14 =	vadd.f32 $1.000000000e+00, v7  }
0x1ea: {  	v17 =	vadd.f32 $1.000000000e+00, v6;
	vm15 =	veq.s32 v27, $0x10;
	v15 =	vadd.f32 $1.000000000e+00, v10  }
0x1eb: {  	v56 =	vadd.f32 $1.000000000e+00, v13;
	v35 =	vsel vm15, v54, v57;
	v7 =	vsel vm4, v14, v7  }
0x1ec: {  	v17 =	vsel vm13, v17, v6;
	v10 =	vsel vm5, v15, v10;
	v14 =	vadd.f32 $1.000000000e+00, v7  }
0x1ed: {  	v13 =	vsel vm6, v56, v13;
	v57 =	vadd.f32 $1.000000000e+00, v17;
	v15 =	vadd.f32 $1.000000000e+00, v10  }
0x1ee: {  	v43 =	vadd.f32 $1.000000000e+00, v13;
	v6 =	vsel vm1, v14, v7;
	v14 =	vadd.f32 $1.000000000e+00, v35  }
0x1ef: {  	v58 =	vadd.f32 $1.000000000e+00, v34;
	v7 =	vsel vm2, v15, v10;
	vm1 =	veq.s32 v23, $0x10  }
0x1f0: {  	v10 =	vsel vm3, v43, v13;
	v13 =	vsel vm14, v57, v17;
	v14 =	vsel vm1, v14, v35  }
0x1f1: {  	vm15 =	veq.s32 v27, $0xB;
	v15 =	vadd.f32 $1.000000000e+00, v13;
	v35 =	vadd.f32 $1.000000000e+00, v14  }
0x1f2: {  	vm13 =	veq.s32 v18, $0xE;
	vm2 =	veq.s32 v21, $0x10;
	vm3 =	veq.s32 v18, $0x10  }
0x1f3: {  	v17 =	vsel vm0, v15, v13;
	vm0 =	veq.s32 v27, $0xE;
	v13 =	vsel vm2, v35, v14  }
0x1f4: {  	vm1 =	veq.s32 v23, $0xF;
	v15 =	vsel vm0, v52, v38;
	v14 =	vadd.f32 $1.000000000e+00, v13  }
0x1f5: {  	v34 =	vsel vm1, v58, v34;
	vm0 =	veq.s32 v23, $0xE;
	v59 =	vadd.f32 $1.000000000e+00, v15  }
0x1f6: {  	v60 =	vadd.f32 $1.000000000e+00, v34;
	v14 =	vsel vm3, v14, v13;
	vm3 =	veq.s32 v27, $0xD  }
0x1f7: {  	v33 =	vsel vm15, v48, v33;
	v13 =	vsel vm0, v59, v15;
	v61 =	vsel vm3, v50, v62  }
0x1f8: {  	v15 =	vsel vm12, v60, v34;
	v35 =	vadd.f32 $1.000000000e+00, v13;
	v63 =	vadd.f32 $1.000000000e+00, v61  }
0x1f9: {  	vm1 =	veq.s32 v21, $0xE;
	vm0 =	veq.s32 v23, $0xD;
	v62 =	vadd.f32 $1.000000000e+00, v15  }
0x1fa: {  	vm2 =	veq.s32 v18, $0xF;
	v35 =	vsel vm1, v35, v13;
	v34 =	vsel vm0, v63, v61  }
0x1fb: {  	s20 =	simm.s32 $0x100;
	v13 =	vsel vm2, v62, v15;
	vm2 =	veq.s32 v27, $0xC;
	v38 =	vadd.f32 $1.000000000e+00, v34  }
0x1fc: {  	v37 =	vld [tilespmem:s20+$0x80];
	vm14 =	veq.s32 v23, $0xC;
	vm3 =	veq.s32 v21, $0xD;
	v39 =	vsel vm2, v49, v40  }
0x1fd: {  	v15 =	vadd.f32 $1.000000000e+00, v35;
	v40 =	vadd.f32 $1.000000000e+00, v39;
	v34 =	vsel vm3, v38, v34;
	v38 =	vld [tilespmem:s20+$0x8080]  }
0x1fe: {  	vm1 =	veq.s32 v18, $0xD;
	vm2 =	veq.s32 v21, $0xC;
	vm0 =	veq.s32 v18, $0xC  }
0x1ff: {  	s21 =	simm.s32 $0x800;
	v15 =	vsel vm13, v15, v35;
	v39 =	vsel vm14, v40, v39;
	v35 =	vadd.f32 $1.000000000e+00, v34  }
.LBB2_12:
0x200: {  	p0 =	sne.s32 s21, $0x1FC00;
	vm3 =	veq.s32 v23, $0xB;
	v40 =	vadd.f32 $1.000000000e+00, v33;
	v41 =	vadd.f32 $1.000000000e+00, v39  }
0x201: {  	vm4 =	veq.s32 v21, $0xB;
	vm5 =	veq.s32 v18, $0xB;
	v35 =	vsel vm1, v35, v34  }
0x202: {  	vm6 =	veq.s32 v37, v38;
	v33 =	vsel vm3, v40, v33;
	v34 =	vsel vm2, v41, v39  }
0x203: {  	v37 =	vadd.s32 v1, v37;
	v38 =	vadd.f32 $1.000000000e+00, v33;
	v39 =	vadd.f32 $1.000000000e+00, v34  }
0x204: {  	vm7 =	veq.s32 v21, $0xA;
	vm1 =	veq.s32 v27, $0xA;
	vm3 =	veq.s32 v23, $0xA  }
0x205: {  	v26 =	vsel vm1, v36, v26;
	v33 =	vsel vm4, v38, v33;
	v34 =	vsel vm0, v39, v34  }
0x206: {  	vm1 =	veq.s32 v18, $0xA;
	v36 =	vadd.f32 $1.000000000e+00, v26;
	v38 =	vadd.f32 $1.000000000e+00, v33  }
0x207: {  	vm8 =	veq.s32 v23, $0x9;
	vm2 =	veq.s32 v21, $0x9;
	vm4 =	veq.s32 v27, $0x9  }
0x208: {  	v26 =	vsel vm3, v36, v26;
	vm0 =	veq.s32 v18, $0x9;
	[tilespmem:v37+s11+$0x0] =	vst.idx.add.f32.msk vm6, v2;
	v33 =	vsel vm5, v38, v33  }
0x209: {  	vm3 =	veq.s32 v27, $0x8;
	v9 =	vsel vm4, v32, v9;
	v32 =	vadd.f32 $1.000000000e+00, v26;
	v36 =	vld [tilespmem:s20+$0x90]  }
0x20a: {  	v25 =	vsel vm3, v31, v25;
	vm3 =	veq.s32 v23, $0x8;
	v31 =	vadd.f32 $1.000000000e+00, v9;
	v37 =	vld [tilespmem:s20+$0x8090]  }
0x20b: {  	vm4 =	veq.s32 v21, $0x8;
	v38 =	vadd.f32 $1.000000000e+00, v25;
	v26 =	vsel vm7, v32, v26  }
0x20c: {  	vm5 =	veq.s32 v18, $0x8;
	v9 =	vsel vm8, v31, v9;
	v31 =	vadd.f32 $1.000000000e+00, v26  }
0x20d: {  	vm6 =	veq.s32 v27, $0x7;
	v25 =	vsel vm3, v38, v25;
	v32 =	vadd.f32 $1.000000000e+00, v9  }
0x20e: {  	v11 =	vsel vm6, v30, v11;
	v30 =	vadd.f32 $1.000000000e+00, v25;
	v26 =	vsel vm1, v31, v26  }
0x20f: {  	v31 =	vadd.f32 $1.000000000e+00, v11;
	v9 =	vsel vm2, v32, v9;
	vm1 =	veq.s32 v36, v37  }
0x210: {  	v25 =	vsel vm4, v30, v25;
	v30 =	vadd.f32 $1.000000000e+00, v9;
	v32 =	vadd.s32 v1, v36  }
0x211: {  	vm3 =	veq.s32 v21, $0x7;
	vm2 =	veq.s32 v23, $0x7;
	v36 =	vadd.f32 $1.000000000e+00, v25  }
0x212: {  	v11 =	vsel vm2, v31, v11;
	vm2 =	veq.s32 v18, $0x7;
	v9 =	vsel vm0, v30, v9  }
0x213: {  	vm0 =	veq.s32 v27, $0x6;
	v30 =	vadd.f32 $1.000000000e+00, v11;
	v25 =	vsel vm5, v36, v25  }
0x214: {  	vm4 =	veq.s32 v21, $0x6;
	v22 =	vsel vm0, v29, v22;
	vm0 =	veq.s32 v23, $0x6  }
0x215: {  	v29 =	vadd.f32 $1.000000000e+00, v22;
	v11 =	vsel vm3, v30, v11;
	[tilespmem:v32+s12+$0x0] =	vst.idx.add.f32.msk vm1, v2;
	vm1 =	veq.s32 v18, $0x6  }
0x216: {  	vm3 =	veq.s32 v27, $0x5;
	vm5 =	veq.s32 v23, $0x5;
	v31 =	vadd.f32 $1.000000000e+00, v11;
	v30 =	vld [tilespmem:s20+$0xA0]  }
0x217: {  	v8 =	vsel vm3, v28, v8;
	vm3 =	veq.s32 v21, $0x5;
	v22 =	vsel vm0, v29, v22;
	v32 =	vld [tilespmem:s20+$0x80A0]  }
0x218: {  	v28 =	vadd.f32 $1.000000000e+00, v8;
	v29 =	vadd.f32 $1.000000000e+00, v22;
	v11 =	vsel vm2, v31, v11  }
0x219: {  	vm6 =	veq.s32 v18, $0x5;
	vm0 =	veq.s32 v27, $0x4;
	vm2 =	veq.s32 v23, $0x4  }
0x21a: {  	v19 =	vsel vm0, v24, v19;
	v8 =	vsel vm5, v28, v8;
	v22 =	vsel vm4, v29, v22  }
0x21b: {  	vm4 =	veq.s32 v21, $0x4;
	v24 =	vadd.f32 $1.000000000e+00, v8;
	v28 =	vadd.f32 $1.000000000e+00, v22  }
0x21c: {  	vm0 =	veq.s32 v18, $0x4;
	v29 =	vadd.f32 $1.000000000e+00, v19;
	vm5 =	veq.s32 v30, v32  }
0x21d: {  	v8 =	vsel vm3, v24, v8;
	v22 =	vsel vm1, v28, v22;
	v30 =	vadd.s32 v1, v30  }
0x21e: {  	v19 =	vsel vm2, v29, v19;
	vm1 =	veq.s32 v27, $0x3;
	v24 =	vadd.f32 $1.000000000e+00, v8  }
0x21f: {  	v12 =	vsel vm1, v20, v12;
	vm1 =	veq.s32 v23, $0x3;
	v20 =	vadd.f32 $1.000000000e+00, v19  }
0x220: {  	vm2 =	veq.s32 v21, $0x3;
	v28 =	vadd.f32 $1.000000000e+00, v12;
	v8 =	vsel vm6, v24, v8  }
0x221: {  	vm3 =	veq.s32 v27, $0x2;
	v19 =	vsel vm4, v20, v19;
	vm4 =	veq.s32 v18, $0x3  }
0x222: {  	v4 =	vsel vm3, v16, v4;
	v12 =	vsel vm1, v28, v12;
	v16 =	vadd.f32 $1.000000000e+00, v19;
	[tilespmem:v30+s13+$0x0] =	vst.idx.add.f32.msk vm5, v2  }
0x223: {  	v24 =	vadd.f32 $1.000000000e+00, v4;
	vm1 =	veq.s32 v23, $0x2;
	v28 =	vadd.f32 $1.000000000e+00, v12;
	v20 =	vld [tilespmem:s20+$0xB0]  }
0x224: {  	vm3 =	veq.s32 v21, $0x2;
	v19 =	vsel vm0, v16, v19;
	vm5 =	veq.s32 v18, $0x2;
	v29 =	vld [tilespmem:s20+$0x80B0]  }
0x225: {  	v4 =	vsel vm1, v24, v4;
	vm0 =	veq.s32 v27, $0x1;
	v12 =	vsel vm2, v28, v12  }
0x226: {  	v3 =	vsel vm0, v5, v3;
	v5 =	vadd.f32 $1.000000000e+00, v4;
	v16 =	vadd.f32 $1.000000000e+00, v12  }
0x227: {  	vm1 =	veq.s32 v21, $0x1;
	vm0 =	veq.s32 v23, $0x1;
	v23 =	vadd.f32 $1.000000000e+00, v3  }
0x228: {  	vm2 =	veq.s32 v18, $0x1;
	v4 =	vsel vm3, v5, v4;
	v12 =	vsel vm4, v16, v12  }
0x229: {  	v3 =	vsel vm0, v23, v3;
	v5 =	vadd.f32 $1.000000000e+00, v4;
	vm3 =	veq.s32 v20, v29  }
0x22a: {  	v18 =	vadd.f32 $1.000000000e+00, v3;
	v16 =	vadd.s32 v1, v20  }
0x22b: {  	v4 =	vsel vm5, v5, v4  }
0x22c: {  	v3 =	vsel vm1, v18, v3  }
0x22d: {  	v5 =	vadd.f32 $1.000000000e+00, v3;
	_ =	sdelay $0x1  }
0x22e: {  	s22 =	sshra.s32 s21, $0x2;
	v3 =	vsel vm2, v5, v3;
	[tilespmem:v16+s14+$0x0] =	vst.idx.add.f32.msk vm3, v2  }
0x22f: {  	v37 =	vld [tilespmem:s22+$0x80]  }
0x230: {  	v5 =	vadd.f32 $1.000000000e+00, v3;
	v38 =	vld [tilespmem:s22+$0x8080]  }
0x231: {  	v20 =	vadd.f32 $1.000000000e+00, v12;
	v16 =	vadd.f32 $1.000000000e+00, v4;
	v18 =	vld [tilespmem:s20+$0x80F0]  }
0x232: {  	v24 =	vadd.f32 $1.000000000e+00, v19;
	v28 =	vadd.f32 $1.000000000e+00, v8;
	v21 =	vld [tilespmem:s20+$0xF0]  }
0x233: {  	v30 =	vadd.f32 $1.000000000e+00, v11;
	v29 =	vadd.f32 $1.000000000e+00, v22;
	v23 =	vld [tilespmem:s20+$0x80E0]  }
0x234: {  	v31 =	vadd.f32 $1.000000000e+00, v25;
	v32 =	vadd.f32 $1.000000000e+00, v9;
	v27 =	vld [tilespmem:s20+$0xE0]  }
0x235: {  	v39 =	vadd.f32 $1.000000000e+00, v33;
	v36 =	vadd.f32 $1.000000000e+00, v26;
	v41 =	vld [tilespmem:s20+$0x80D0]  }
0x236: {  	v42 =	vadd.f32 $1.000000000e+00, v35;
	v40 =	vadd.f32 $1.000000000e+00, v34;
	v43 =	vld [tilespmem:s20+$0xD0]  }
0x237: {  	v45 =	vadd.f32 $1.000000000e+00, v15;
	v46 =	vadd.f32 $1.000000000e+00, v13;
	v44 =	vld [tilespmem:s20+$0x80C0];
	vm0 =	veq.s32 v21, v18  }
0x238: {  	v48 =	vadd.f32 $1.000000000e+00, v14;
	v49 =	vadd.f32 $1.000000000e+00, v17;
	v47 =	vld [tilespmem:s20+$0xC0];
	v18 =	vnsel vm0, $0xFFFFFFFF, v21;
	s20 =	smov.u32 s22  }
0x239: {  	vm0 =	veq.s32 v27, v23;
	vm2 =	veq.s32 v18, $0x13;
	vm3 =	veq.s32 v18, $0x14  }
0x23a: {  	vm1 =	veq.s32 v18, $0x12;
	v21 =	vnsel vm0, $0xFFFFFFFF, v27;
	vm0 =	veq.s32 v18, $0x11  }
0x23b: {  	vm6 =	veq.s32 v43, v41;
	vm4 =	veq.s32 v21, $0x13;
	vm5 =	veq.s32 v21, $0x14  }
0x23c: {  	v41 =	vadd.f32 $1.000000000e+00, v10;
	v23 =	vnsel vm6, $0xFFFFFFFF, v43;
	vm6 =	veq.s32 v21, $0x12  }
0x23d: {  	vm7 =	veq.s32 v47, v44;
	vm8 =	veq.s32 v23, $0x13;
	vm9 =	veq.s32 v23, $0x14  }
0x23e: {  	v43 =	vadd.f32 $1.000000000e+00, v6;
	v44 =	vadd.f32 $1.000000000e+00, v7;
	v27 =	vnsel vm7, $0xFFFFFFFF, v47  }
0x23f: {  	vm7 =	veq.s32 v27, $0x12;
	vm10 =	veq.s32 v27, $0x13;
	vm11 =	veq.s32 v27, $0x14  }
0x240: {  	v10 =	vsel vm7, v41, v10;
	v6 =	vsel vm10, v43, v6;
	v7 =	vsel vm11, v44, v7  }
0x241: {  	vm7 =	veq.s32 v23, $0x12;
	v41 =	vadd.f32 $1.000000000e+00, v6;
	v43 =	vadd.f32 $1.000000000e+00, v7  }
0x242: {  	vm10 =	veq.s32 v27, $0x11;
	vm11 =	veq.s32 v23, $0x11;
	v44 =	vadd.f32 $1.000000000e+00, v10  }
0x243: {  	v17 =	vsel vm10, v49, v17;
	v6 =	vsel vm8, v41, v6;
	v7 =	vsel vm9, v43, v7  }
0x244: {  	v10 =	vsel vm7, v44, v10;
	v41 =	vadd.f32 $1.000000000e+00, v6;
	v43 =	vadd.f32 $1.000000000e+00, v7  }
0x245: {  	v44 =	vadd.f32 $1.000000000e+00, v17;
	vm7 =	veq.s32 v21, $0x11;
	v47 =	vadd.f32 $1.000000000e+00, v10  }
0x246: {  	vm8 =	veq.s32 v27, $0x10;
	v6 =	vsel vm4, v41, v6;
	v7 =	vsel vm5, v43, v7  }
0x247: {  	v10 =	vsel vm6, v47, v10;
	v41 =	vadd.f32 $1.000000000e+00, v6;
	v43 =	vadd.f32 $1.000000000e+00, v7  }
0x248: {  	v14 =	vsel vm8, v48, v14;
	v17 =	vsel vm11, v44, v17;
	v44 =	vadd.f32 $1.000000000e+00, v10  }
0x249: {  	v47 =	vadd.f32 $1.000000000e+00, v17;
	v6 =	vsel vm2, v41, v6;
	v7 =	vsel vm3, v43, v7  }
0x24a: {  	vm2 =	veq.s32 v23, $0x10;
	v41 =	vadd.f32 $1.000000000e+00, v14;
	v10 =	vsel vm1, v44, v10  }
0x24b: {  	v17 =	vsel vm7, v47, v17;
	vm1 =	veq.s32 v21, $0x10;
	vm3 =	veq.s32 v18, $0x10  }
0x24c: {  	vm4 =	veq.s32 v27, $0xF;
	v14 =	vsel vm2, v41, v14;
	v41 =	vadd.f32 $1.000000000e+00, v17  }
0x24d: {  	v13 =	vsel vm4, v46, v13;
	vm2 =	veq.s32 v23, $0xF;
	v43 =	vadd.f32 $1.000000000e+00, v14  }
0x24e: {  	vm4 =	veq.s32 v21, $0xF;
	v44 =	vadd.f32 $1.000000000e+00, v13;
	v17 =	vsel vm0, v41, v17  }
0x24f: {  	vm5 =	veq.s32 v18, $0xF;
	vm0 =	veq.s32 v27, $0xE;
	v14 =	vsel vm1, v43, v14  }
0x250: {  	v13 =	vsel vm2, v44, v13;
	v15 =	vsel vm0, v45, v15;
	v41 =	vadd.f32 $1.000000000e+00, v14  }
0x251: {  	v44 =	vadd.f32 $1.000000000e+00, v13;
	vm0 =	veq.s32 v23, $0xE;
	v43 =	vadd.f32 $1.000000000e+00, v15  }
0x252: {  	vm6 =	veq.s32 v18, $0xE;
	vm1 =	veq.s32 v21, $0xE;
	v14 =	vsel vm3, v41, v14  }
0x253: {  	vm2 =	veq.s32 v27, $0xD;
	v13 =	vsel vm4, v44, v13;
	v15 =	vsel vm0, v43, v15  }
0x254: {  	v35 =	vsel vm2, v42, v35;
	v42 =	vadd.f32 $1.000000000e+00, v13;
	v41 =	vadd.f32 $1.000000000e+00, v15  }
0x255: {  	vm0 =	veq.s32 v23, $0xD;
	v43 =	vadd.f32 $1.000000000e+00, v35;
	vm3 =	veq.s32 v21, $0xD  }
0x256: {  	v13 =	vsel vm5, v42, v13;
	v15 =	vsel vm1, v41, v15;
	vm1 =	veq.s32 v18, $0xD  }
.Ltmp5:
0x257: {  	vm2 =	veq.s32 v27, $0xC;
	v35 =	vsel vm0, v43, v35;
	v41 =	vadd.f32 $1.000000000e+00, v15;
	(pc) =	sbr.rel @p0 .LBB2_12-.Ltmp5, $4  }
0x258: {  	v40 =	vsel vm2, v40, v34;
	vm4 =	veq.s32 v23, $0xC;
	v34 =	vadd.f32 $1.000000000e+00, v35  }
0x259: {  	vm2 =	veq.s32 v21, $0xC;
	v42 =	vadd.f32 $1.000000000e+00, v40;
	v15 =	vsel vm6, v41, v15  }
0x25a: {  	vm5 =	veq.s32 v27, $0xB;
	vm0 =	veq.s32 v18, $0xC;
	v34 =	vsel vm3, v34, v35  }
0x25b: {  	s21 =	sadd.s32 $0x400, s21;
	v33 =	vsel vm5, v39, v33;
	v39 =	vsel vm4, v42, v40;
	v35 =	vadd.f32 $1.000000000e+00, v34  }
0x25c: {  	vm3 =	veq.s32 v37, v38  }
0x25d: {  	v49 =	vadd.s32 v1, v37;
	_ =	sdelay $0x4  }
0x25e: {  	v50 =	vadd.f32 $1.000000000e+00, v33;
	[tilespmem:v49+s11+$0x0] =	vst.idx.add.f32.msk vm3, v2  }
0x25f: {  	vm4 =	veq.s32 v23, $0xB;
	v40 =	vadd.f32 $1.000000000e+00, v39;
	vm5 =	veq.s32 v21, $0xB;
	v52 =	vld [tilespmem:s20+$0x90]  }
0x260: {  	vm6 =	veq.s32 v18, $0xB;
	vm14 =	veq.s32 v27, $0xA;
	vm15 =	veq.s32 v23, $0xA;
	v53 =	vld [tilespmem:s20+$0x8090]  }
0x261: {  	vm12 =	veq.s32 v21, $0xA;
	vm13 =	veq.s32 v27, $0x9;
	vm7 =	veq.s32 v23, $0x9  }
0x262: {  	vm8 =	veq.s32 v21, $0x9;
	vm9 =	veq.s32 v23, $0x8;
	v26 =	vsel vm14, v36, v26  }
0x263: {  	vm10 =	veq.s32 v21, $0x8;
	vm11 =	veq.s32 v27, $0x7;
	v55 =	vadd.f32 $1.000000000e+00, v26  }
0x264: {  	vm14 =	veq.s32 v27, $0x8;
	v32 =	vsel vm13, v32, v9;
	v11 =	vsel vm11, v30, v11  }
0x265: {  	v38 =	vsel vm4, v50, v33;
	v26 =	vsel vm15, v55, v26;
	vm15 =	veq.s32 v52, v53  }
0x266: {  	v33 =	vsel vm1, v35, v34;
	v34 =	vsel vm2, v40, v39;
	v39 =	vadd.s32 v1, v52  }
0x267: {  	vm13 =	veq.s32 v21, $0x7;
	vm1 =	veq.s32 v18, $0xA;
	v25 =	vsel vm14, v31, v25  }
0x268: {  	v56 =	vadd.f32 $1.000000000e+00, v32;
	vm2 =	veq.s32 v18, $0x8;
	v60 =	vadd.f32 $1.000000000e+00, v11  }
0x269: {  	vm4 =	veq.s32 v18, $0x7;
	vm14 =	veq.s32 v27, $0x6;
	v51 =	vadd.f32 $1.000000000e+00, v38  }
0x26a: {  	v35 =	vadd.f32 $1.000000000e+00, v34;
	v57 =	vadd.f32 $1.000000000e+00, v25;
	v22 =	vsel vm14, v29, v22  }
0x26b: {  	v42 =	vadd.f32 $1.000000000e+00, v33;
	v58 =	vsel vm7, v56, v32;
	vm7 =	veq.s32 v21, $0x6;
	[tilespmem:v39+s12+$0x0] =	vst.idx.add.f32.msk vm15, v2  }
0x26c: {  	v43 =	vadd.f32 $1.000000000e+00, v22;
	v54 =	vsel vm5, v51, v38;
	v37 =	vadd.f32 $1.000000000e+00, v26;
	v62 =	vld [tilespmem:s20+$0xA0]  }
0x26d: {  	v25 =	vsel vm9, v57, v25;
	v31 =	vadd.f32 $1.000000000e+00, v58;
	vm9 =	veq.s32 v23, $0x4;
	v39 =	vld [tilespmem:s20+$0x80A0]  }
0x26e: {  	v34 =	vsel vm0, v35, v34;
	v38 =	vadd.f32 $1.000000000e+00, v54;
	vm3 =	veq.s32 v18, $0x9  }
0x26f: {  	v59 =	vadd.f32 $1.000000000e+00, v25;
	v41 =	vadd.f32 $1.000000000e+00, v34;
	v37 =	vsel vm12, v37, v26  }
0x270: {  	v26 =	vsel vm8, v31, v58;
	vm12 =	veq.s32 v23, $0x7;
	v9 =	vsel vm6, v38, v54  }
0x271: {  	v38 =	vadd.f32 $1.000000000e+00, v37;
	v30 =	vsel vm10, v59, v25;
	v61 =	vadd.f32 $1.000000000e+00, v26  }
0x272: {  	v32 =	vsel vm12, v60, v11;
	vm12 =	veq.s32 v27, $0x5;
	vm14 =	veq.s32 v62, v39  }
0x273: {  	vm10 =	veq.s32 v18, $0x2;
	v36 =	vadd.f32 $1.000000000e+00, v30;
	v31 =	vadd.s32 v1, v62  }
0x274: {  	v63 =	vadd.f32 $1.000000000e+00, v32;
	v8 =	vsel vm12, v28, v8;
	vm12 =	veq.s32 v27, $0x4  }
0x275: {  	v11 =	vsel vm3, v61, v26;
	vm3 =	veq.s32 v18, $0x6;
	v28 =	vadd.f32 $1.000000000e+00, v8  }
0x276: {  	v19 =	vsel vm12, v24, v19;
	v44 =	vsel vm13, v63, v32;
	vm13 =	veq.s32 v23, $0x5  }
0x277: {  	vm12 =	veq.s32 v27, $0x1;
	v37 =	vsel vm1, v38, v37;
	v8 =	vsel vm13, v28, v8  }
0x278: {  	v49 =	vadd.f32 $1.000000000e+00, v19;
	v47 =	vadd.f32 $1.000000000e+00, v8;
	vm15 =	veq.s32 v23, $0x6;
	[tilespmem:v31+s13+$0x0] =	vst.idx.add.f32.msk vm14, v2  }
0x279: {  	v3 =	vsel vm12, v5, v3;
	v25 =	vsel vm15, v43, v22;
	vm15 =	veq.s32 v21, $0x5;
	v51 =	vld [tilespmem:s20+$0xB0]  }
0x27a: {  	v36 =	vsel vm2, v36, v30;
	v35 =	vadd.f32 $1.000000000e+00, v37;
	v8 =	vsel vm15, v47, v8;
	v31 =	vld [tilespmem:s20+$0x80B0]  }
0x27b: {  	v45 =	vadd.f32 $1.000000000e+00, v44;
	vm13 =	veq.s32 v18, $0x5;
	v24 =	vadd.f32 $1.000000000e+00, v8  }
0x27c: {  	v55 =	vadd.f32 $1.000000000e+00, v3;
	vm15 =	veq.s32 v23, $0x3;
	vm14 =	veq.s32 v27, $0x3  }
0x27d: {  	v20 =	vsel vm14, v20, v12;
	v12 =	vsel vm13, v24, v8;
	vm13 =	veq.s32 v27, $0x2  }
0x27e: {  	vm14 =	veq.s32 v23, $0x1;
	v53 =	vadd.f32 $1.000000000e+00, v20;
	v4 =	vsel vm13, v16, v4  }
0x27f: {  	v3 =	vsel vm14, v55, v3;
	v57 =	vadd.f32 $1.000000000e+00, v4;
	vm12 =	veq.s32 v51, v31  }
0x280: {  	v56 =	vsel vm15, v53, v20;
	vm15 =	veq.s32 v23, $0x2;
	v58 =	vadd.s32 v1, v51  }
0x281: {  	v38 =	vadd.f32 $1.000000000e+00, v36;
	v59 =	vadd.f32 $1.000000000e+00, v3;
	v4 =	vsel vm15, v57, v4  }
0x282: {  	v19 =	vsel vm9, v49, v19;
	vm13 =	veq.s32 v21, $0x1;
	v60 =	vadd.f32 $1.000000000e+00, v4  }
0x283: {  	v46 =	vadd.f32 $1.000000000e+00, v25;
	vm15 =	veq.s32 v21, $0x2;
	v3 =	vsel vm13, v59, v3  }
0x284: {  	vm9 =	veq.s32 v18, $0x1;
	v62 =	vadd.f32 $1.000000000e+00, v3;
	v4 =	vsel vm15, v60, v4  }
0x285: {  	v52 =	vadd.f32 $1.000000000e+00, v19;
	v48 =	vsel vm7, v46, v25;
	v23 =	vadd.f32 $1.000000000e+00, v4;
	[tilespmem:v58+s14+$0x0] =	vst.idx.add.f32.msk vm12, v2  }
0x286: {  	vm7 =	veq.s32 v21, $0x4;
	v50 =	vadd.f32 $1.000000000e+00, v48;
	v16 =	vsel vm9, v62, v3;
	v3 =	vld [tilespmem:s20+$0x80F0]  }
0x287: {  	v22 =	vsel vm4, v45, v44;
	v54 =	vsel vm7, v52, v19;
	v19 =	vsel vm10, v23, v4;
	v23 =	vld [tilespmem:s20+$0xF0]  }
0x288: {  	v44 =	vadd.f32 $1.000000000e+00, v15;
	v45 =	vadd.f32 $1.000000000e+00, v13;
	v29 =	vsel vm3, v50, v48;
	v48 =	vld [tilespmem:s20+$0x80E0]  }
0x289: {  	v32 =	vadd.f32 $1.000000000e+00, v22;
	v47 =	vadd.f32 $1.000000000e+00, v14;
	v8 =	vld [tilespmem:s20+$0xE0]  }
0x28a: {  	vm6 =	veq.s32 v21, $0x3;
	v52 =	vadd.f32 $1.000000000e+00, v17;
	v20 =	vadd.f32 $1.000000000e+00, v56;
	v49 =	vld [tilespmem:s20+$0x80D0]  }
0x28b: {  	vm4 =	veq.s32 v18, $0x4;
	v63 =	vadd.f32 $1.000000000e+00, v54;
	v39 =	vadd.f32 $1.000000000e+00, v11;
	v51 =	vld [tilespmem:s20+$0xD0]  }
0x28c: {  	v50 =	vadd.f32 $1.000000000e+00, v9;
	v30 =	vadd.f32 $1.000000000e+00, v29;
	v61 =	vsel vm6, v20, v56;
	v43 =	vld [tilespmem:s20+$0x80C0]  }
0x28d: {  	v25 =	vsel vm4, v63, v54;
	v54 =	vadd.f32 $1.000000000e+00, v6;
	v20 =	vadd.f32 $1.000000000e+00, v61;
	v46 =	vld [tilespmem:s20+$0xC0]  }
0x28e: {  	v26 =	vadd.f32 $1.000000000e+00, v25;
	vm14 =	veq.s32 v18, $0x3;
	v28 =	vadd.f32 $1.000000000e+00, v12  }
0x28f: {  	v55 =	vadd.f32 $1.000000000e+00, v7;
	v53 =	vadd.f32 $1.000000000e+00, v10;
	v21 =	vsel vm14, v20, v61  }
0x290: {  	v18 =	vadd.f32 $1.000000000e+00, v16;
	v24 =	vadd.f32 $1.000000000e+00, v21  }
0x291: {  	v20 =	vadd.f32 $1.000000000e+00, v19;
	vm11 =	veq.s32 v23, v3;
	vm12 =	veq.s32 v8, v48  }
0x292: {  	vm13 =	veq.s32 v51, v49;
	vm14 =	veq.s32 v46, v43;
	v3 =	vnsel vm11, $0xFFFFFFFF, v23  }
0x293: {  	v23 =	vnsel vm12, $0xFFFFFFFF, v8;
	v27 =	vnsel vm13, $0xFFFFFFFF, v51;
	v31 =	vnsel vm14, $0xFFFFFFFF, v46  }
0x294: {  	vm1 =	veq.s32 v3, $0x11;
	vm0 =	veq.s32 v3, $0x12;
	vm3 =	veq.s32 v23, $0x13  }
0x295: {  	vm2 =	veq.s32 v23, $0x14;
	vm4 =	veq.s32 v23, $0x12;
	vm6 =	veq.s32 v27, $0x13  }
0x296: {  	vm7 =	veq.s32 v27, $0x14;
	vm5 =	veq.s32 v31, $0x12;
	vm15 =	veq.s32 v31, $0x13  }
0x297: {  	vm12 =	veq.s32 v31, $0x14;
	vm13 =	veq.s32 v27, $0x12;
	vm14 =	veq.s32 v31, $0x11  }
0x298: {  	vm9 =	veq.s32 v31, $0xF;
	vm10 =	veq.s32 v31, $0xE;
	vm11 =	veq.s32 v27, $0xF  }
0x299: {  	vm8 =	veq.s32 v3, $0xB;
	v5 =	vsel vm5, v53, v10;
	v6 =	vsel vm15, v54, v6  }
0x29a: {  	v7 =	vsel vm12, v55, v7;
	vm15 =	veq.s32 v27, $0x11;
	v17 =	vsel vm14, v52, v17  }
0x29b: {  	vm12 =	veq.s32 v23, $0x11;
	vm14 =	veq.s32 v27, $0x10;
	v13 =	vsel vm9, v45, v13  }
0x29c: {  	v15 =	vsel vm10, v44, v15;
	vm5 =	veq.s32 v3, $0xE;
	v8 =	vadd.f32 $1.000000000e+00, v6  }
0x29d: {  	vm10 =	veq.s32 v23, $0xC;
	v56 =	vadd.f32 $1.000000000e+00, v7;
	v57 =	vadd.f32 $1.000000000e+00, v5  }
0x29e: {  	vm9 =	veq.s32 v3, $0xA;
	v59 =	vadd.f32 $1.000000000e+00, v17;
	v63 =	vadd.f32 $1.000000000e+00, v13  }
0x29f: {  	v8 =	vsel vm6, v8, v6;
	v4 =	vsel vm7, v56, v7;
	v58 =	vsel vm13, v57, v5  }
0x2a0: {  	vm13 =	veq.s32 v31, $0x10;
	v17 =	vsel vm15, v59, v17;
	vm15 =	veq.s32 v23, $0x10  }
0x2a1: {  	v13 =	vsel vm11, v63, v13;
	vm6 =	veq.s32 v3, $0xD;
	vm7 =	veq.s32 v3, $0xC  }
0x2a2: {  	v60 =	vadd.f32 $1.000000000e+00, v8;
	v43 =	vadd.f32 $1.000000000e+00, v58;
	v61 =	vsel vm13, v47, v14  }
0x2a3: {  	vm11 =	veq.s32 v23, $0xA;
	v62 =	vadd.f32 $1.000000000e+00, v17;
	v14 =	vadd.f32 $1.000000000e+00, v61  }
0x2a4: {  	v6 =	vadd.f32 $1.000000000e+00, v4;
	vm13 =	veq.s32 v27, $0xE;
	v5 =	vsel vm3, v60, v8  }
0x2a5: {  	v7 =	vsel vm4, v43, v58;
	v8 =	vsel vm12, v62, v17;
	v10 =	vsel vm14, v14, v61  }
0x2a6: {  	vm3 =	veq.s32 v3, $0x10;
	v43 =	vadd.f32 $1.000000000e+00, v15;
	v14 =	vadd.f32 $1.000000000e+00, v10  }
0x2a7: {  	vm12 =	veq.s32 v23, $0xF;
	vm4 =	veq.s32 v3, $0xF;
	v17 =	vadd.f32 $1.000000000e+00, v13  }
0x2a8: {  	v10 =	vsel vm15, v14, v10;
	vm15 =	veq.s32 v31, $0xD;
	v14 =	vsel vm13, v43, v15  }
0x2a9: {  	vm14 =	veq.s32 v23, $0xE;
	v44 =	vsel vm15, v42, v33;
	v45 =	vadd.f32 $1.000000000e+00, v14  }
0x2aa: {  	v13 =	vsel vm12, v17, v13;
	vm12 =	veq.s32 v27, $0xD;
	v46 =	vadd.f32 $1.000000000e+00, v44  }
0x2ab: {  	vm13 =	veq.s32 v23, $0xD;
	vm15 =	veq.s32 v27, $0xC;
	v14 =	vsel vm14, v45, v14  }
0x2ac: {  	vm14 =	veq.s32 v31, $0xC;
	v45 =	vor.u32 $0x1, v1;
	v15 =	vsel vm12, v46, v44  }
0x2ad: {  	v47 =	vsel vm14, v41, v34;
	vm12 =	veq.s32 v31, $0xB;
	vm14 =	veq.s32 v31, $0xA  }
0x2ae: {  	v48 =	vadd.f32 $1.000000000e+00, v15;
	v34 =	vadd.f32 $1.000000000e+00, v47;
	v40 =	vsel vm12, v50, v9  }
0x2af: {  	v35 =	vsel vm14, v35, v37;
	vm12 =	veq.s32 v27, $0xA;
	vm14 =	veq.s32 v31, $0x8  }
0x2b0: {  	v49 =	vadd.f32 $1.000000000e+00, v40;
	v53 =	vadd.f32 $1.000000000e+00, v35;
	v56 =	vsel vm14, v38, v36  }
0x2b1: {  	vm14 =	veq.s32 v27, $0x7;
	v9 =	vsel vm13, v48, v15;
	v17 =	vsel vm15, v34, v47  }
0x2b2: {  	vm13 =	veq.s32 v27, $0xB;
	vm15 =	veq.s32 v23, $0xB;
	v58 =	vadd.f32 $1.000000000e+00, v56  }
0x2b3: {  	v47 =	vor.u32 $0x2, v1;
	v48 =	vor.u32 $0x3, v1;
	v50 =	vadd.f32 $1.000000000e+00, v17  }
0x2b4: {  	v51 =	vsel vm13, v49, v40;
	v54 =	vsel vm12, v53, v35;
	vm13 =	veq.s32 v31, $0x9  }
0x2b5: {  	vm12 =	veq.s32 v27, $0x9;
	v53 =	vor.u32 $0x6, v1;
	v52 =	vadd.f32 $1.000000000e+00, v51  }
0x2b6: {  	v55 =	vadd.f32 $1.000000000e+00, v54;
	v11 =	vsel vm13, v39, v11;
	vm13 =	veq.s32 v27, $0x8  }
0x2b7: {  	v15 =	vsel vm10, v50, v17;
	v57 =	vadd.f32 $1.000000000e+00, v11;
	v34 =	vsel vm13, v58, v56  }
0x2b8: {  	vm13 =	veq.s32 v23, $0x8;
	v50 =	vor.u32 $0x4, v1;
	v17 =	vsel vm15, v52, v51  }
0x2b9: {  	v33 =	vsel vm11, v55, v54;
	vm15 =	veq.s32 v31, $0x7;
	v60 =	vadd.f32 $1.000000000e+00, v34  }
0x2ba: {  	vm11 =	veq.s32 v27, $0x2;
	v52 =	vor.u32 $0x5, v1;
	v22 =	vsel vm15, v32, v22  }
0x2bb: {  	v11 =	vsel vm12, v57, v11;
	vm15 =	veq.s32 v23, $0x9;
	vm12 =	veq.s32 v31, $0x6  }
0x2bc: {  	v32 =	vadd.f32 $1.000000000e+00, v22;
	v59 =	vadd.f32 $1.000000000e+00, v11;
	v29 =	vsel vm12, v30, v29  }
0x2bd: {  	v30 =	vsel vm13, v60, v34;
	vm12 =	veq.s32 v31, $0x5;
	vm13 =	veq.s32 v3, $0x7  }
0x2be: {  	v61 =	vadd.f32 $1.000000000e+00, v29;
	v12 =	vsel vm12, v28, v12;
	vm12 =	veq.s32 v23, $0x6  }
0x2bf: {  	v22 =	vsel vm14, v32, v22;
	v11 =	vsel vm15, v59, v11;
	vm15 =	veq.s32 v27, $0x6  }
0x2c0: {  	v63 =	vadd.f32 $1.000000000e+00, v12;
	v32 =	vadd.f32 $1.000000000e+00, v22;
	v62 =	vsel vm15, v61, v29  }
0x2c1: {  	vm14 =	veq.s32 v23, $0x7;
	vm15 =	veq.s32 v27, $0x5;
	v36 =	vadd.f32 $1.000000000e+00, v62  }
0x2c2: {  	v12 =	vsel vm15, v63, v12;
	vm15 =	veq.s32 v31, $0x3;
	v22 =	vsel vm14, v32, v22  }
0x2c3: {  	vm14 =	veq.s32 v31, $0x4;
	v29 =	vadd.f32 $1.000000000e+00, v12;
	v21 =	vsel vm15, v24, v21  }
0x2c4: {  	vm15 =	veq.s32 v27, $0x3;
	v32 =	vadd.f32 $1.000000000e+00, v22;
	v25 =	vsel vm14, v26, v25  }
0x2c5: {  	v28 =	vsel vm12, v36, v62;
	vm14 =	veq.s32 v27, $0x4;
	v26 =	vadd.f32 $1.000000000e+00, v25  }
0x2c6: {  	vm12 =	veq.s32 v23, $0x4;
	v38 =	vadd.f32 $1.000000000e+00, v21;
	v22 =	vsel vm13, v32, v22  }
0x2c7: {  	vm13 =	veq.s32 v23, $0x5;
	v25 =	vsel vm14, v26, v25;
	vm14 =	veq.s32 v31, $0x1  }
0x2c8: {  	v12 =	vsel vm13, v29, v12;
	vm13 =	veq.s32 v31, $0x2;
	v16 =	vsel vm14, v18, v16  }
0x2c9: {  	v37 =	vadd.f32 $1.000000000e+00, v25;
	v19 =	vsel vm13, v20, v19;
	v41 =	vadd.f32 $1.000000000e+00, v16  }
0x2ca: {  	v40 =	vsel vm15, v38, v21;
	vm13 =	veq.s32 v27, $0x1;
	v42 =	vadd.f32 $1.000000000e+00, v19  }
0x2cb: {  	vm15 =	veq.s32 v23, $0x2;
	v24 =	vsel vm12, v37, v25;
	v16 =	vsel vm13, v41, v16  }
0x2cc: {  	v39 =	vadd.f32 $1.000000000e+00, v24;
	v19 =	vsel vm11, v42, v19;
	v21 =	vadd.f32 $1.000000000e+00, v16  }
0x2cd: {  	vm14 =	veq.s32 v23, $0x1;
	vm12 =	veq.s32 v3, $0x4;
	v44 =	vadd.f32 $1.000000000e+00, v19  }
0x2ce: {  	v43 =	vadd.f32 $1.000000000e+00, v40;
	v20 =	vsel vm12, v39, v24;
	v16 =	vsel vm14, v21, v16  }
0x2cf: {  	vm12 =	veq.s32 v23, $0x3;
	v19 =	vsel vm15, v44, v19;
	v46 =	vadd.f32 $1.000000000e+00, v16  }
0x2d0: {  	v18 =	vsel vm12, v43, v40;
	vm12 =	veq.s32 v3, $0x1;
	v49 =	vadd.f32 $1.000000000e+00, v19  }
0x2d1: {  	vm13 =	veq.s32 v3, $0x2;
	v51 =	vadd.f32 $1.000000000e+00, v18;
	v16 =	vsel vm12, v46, v16  }
0x2d2: {  	vm10 =	veq.s32 v3, $0x9;
	vm14 =	veq.s32 v3, $0x3;
	v19 =	vsel vm13, v49, v19;
	[tilespmem:v45+s11+$0x0] =	vst.idx.add.f32.msk $0xffff, v16  }
0x2d3: {  	v55 =	vor.u32 $0x7, v1;
	v54 =	vadd.f32 $1.000000000e+00, v12;
	v18 =	vsel vm14, v51, v18;
	[tilespmem:v47+s11+$0x0] =	vst.idx.add.f32.msk $0xffff, v19  }
0x2d4: {  	v57 =	vor.u32 $0x8, v1;
	v56 =	vadd.f32 $1.000000000e+00, v28;
	vm15 =	veq.s32 v3, $0x5;
	[tilespmem:v48+s11+$0x0] =	vst.idx.add.f32.msk $0xffff, v18  }
0x2d5: {  	v58 =	vor.u32 $0x9, v1;
	v12 =	vsel vm15, v54, v12;
	vm12 =	veq.s32 v3, $0x6;
	[tilespmem:v50+s11+$0x0] =	vst.idx.add.f32.msk $0xffff, v20  }
0x2d6: {  	v59 =	vadd.f32 $1.000000000e+00, v30;
	v61 =	vor.u32 $0xA, v1;
	v60 =	vsel vm12, v56, v28;
	[tilespmem:v52+s11+$0x0] =	vst.idx.add.f32.msk $0xffff, v12  }
0x2d7: {  	v63 =	vor.u32 $0xB, v1;
	v62 =	vadd.f32 $1.000000000e+00, v11;
	vm13 =	veq.s32 v3, $0x8;
	[tilespmem:v53+s11+$0x0] =	vst.idx.add.f32.msk $0xffff, v60  }
0x2d8: {  	v26 =	vor.u32 $0xC, v1;
	v25 =	vadd.f32 $1.000000000e+00, v33;
	v21 =	vsel vm13, v59, v30;
	[tilespmem:v55+s11+$0x0] =	vst.idx.add.f32.msk $0xffff, v22  }
0x2d9: {  	v11 =	vsel vm10, v62, v11;
	v27 =	vadd.f32 $1.000000000e+00, v17;
	v28 =	vor.u32 $0xD, v1;
	[tilespmem:v57+s11+$0x0] =	vst.idx.add.f32.msk $0xffff, v21  }
0x2da: {  	v29 =	vadd.f32 $1.000000000e+00, v15;
	v23 =	vsel vm9, v25, v33;
	v30 =	vor.u32 $0xE, v1;
	[tilespmem:v58+s11+$0x0] =	vst.idx.add.f32.msk $0xffff, v11  }
0x2db: {  	v32 =	vor.u32 $0xF, v1;
	v31 =	vadd.f32 $1.000000000e+00, v9;
	v17 =	vsel vm8, v27, v17;
	[tilespmem:v61+s11+$0x0] =	vst.idx.add.f32.msk $0xffff, v23  }
0x2dc: {  	v34 =	vor.u32 $0x10, v1;
	v15 =	vsel vm7, v29, v15;
	v33 =	vadd.f32 $1.000000000e+00, v14;
	[tilespmem:v63+s11+$0x0] =	vst.idx.add.f32.msk $0xffff, v17  }
0x2dd: {  	v35 =	vadd.f32 $1.000000000e+00, v13;
	v36 =	vor.u32 $0x11, v1;
	v9 =	vsel vm6, v31, v9;
	[tilespmem:v26+s11+$0x0] =	vst.idx.add.f32.msk $0xffff, v15  }
0x2de: {  	v38 =	vor.u32 $0x12, v1;
	v37 =	vadd.f32 $1.000000000e+00, v10;
	v14 =	vsel vm5, v33, v14;
	[tilespmem:v28+s11+$0x0] =	vst.idx.add.f32.msk $0xffff, v9  }
0x2df: {  	v13 =	vsel vm4, v35, v13;
	v39 =	vadd.f32 $1.000000000e+00, v8;
	v40 =	vor.u32 $0x13, v1;
	[tilespmem:v30+s11+$0x0] =	vst.idx.add.f32.msk $0xffff, v14  }
0x2e0: {  	v41 =	vadd.f32 $1.000000000e+00, v7;
	v42 =	vor.u32 $0x14, v1;
	v10 =	vsel vm3, v37, v10;
	[tilespmem:v32+s11+$0x0] =	vst.idx.add.f32.msk $0xffff, v13  }
0x2e1: {  	v4 =	vsel vm2, v6, v4;
	v43 =	vadd.f32 $1.000000000e+00, v5;
	v8 =	vsel vm1, v39, v8;
	[tilespmem:v34+s11+$0x0] =	vst.idx.add.f32.msk $0xffff, v10  }
0x2e2: {  	v7 =	vsel vm0, v41, v7;
	v44 =	vadd.f32 $1.000000000e+00, v4;
	vm14 =	veq.s32 v3, $0x13;
	[tilespmem:v36+s11+$0x0] =	vst.idx.add.f32.msk $0xffff, v8  }
0x2e3: {  	vm15 =	veq.s32 v3, $0x14;
	v3 =	vsel vm14, v43, v5;
	[tilespmem:v38+s11+$0x0] =	vst.idx.add.f32.msk $0xffff, v7  }
0x2e4: {  	v4 =	vsel vm15, v44, v4;
	[tilespmem:v40+s11+$0x0] =	vst.idx.add.f32.msk $0xffff, v3  }
0x2e5: {  	[tilespmem:v42+s11+$0x0] =	vst.idx.add.f32.msk $0xffff, v4  }
0x2e6: {  	v3 =	vld [tilespmem:$0x10000]  }
0x2e7: {  	v4 =	vld [tilespmem:$0x10010]  }
0x2e8: {  	v45 =	vld [tilespmem:$0x10020]  }
0x2e9: {  	v46 =	vld [tilespmem:$0x10030]  }
0x2ea: {  	v7 =	vld [tilespmem:$0x10040]  }
0x2eb: {  	v8 =	vld [tilespmem:$0x10050];
	v3 =	vadd.f32 $0.0e+00, v3  }
0x2ec: {  	v9 =	vld [tilespmem:$0x10060];
	v4 =	vadd.f32 $0.0e+00, v4  }
0x2ed: {  	v47 =	vld [tilespmem:$0x10070];
	v3 =	vadd.f32 v45, v3  }
0x2ee: {  	v48 =	vld [tilespmem:$0x10080];
	v4 =	vadd.f32 v46, v4  }
0x2ef: {  	v49 =	vld [tilespmem:$0x10090];
	v3 =	vadd.f32 v7, v3  }
0x2f0: {  	v50 =	vld [tilespmem:$0x100A0];
	v4 =	vadd.f32 v8, v4  }
0x2f1: {  	v51 =	vld [tilespmem:$0x100B0];
	v3 =	vadd.f32 v9, v3  }
0x2f2: {  	v52 =	vld [tilespmem:$0x100C0];
	v4 =	vadd.f32 v47, v4  }
0x2f3: {  	v53 =	vld [tilespmem:$0x100D0];
	v3 =	vadd.f32 v48, v3  }
0x2f4: {  	v54 =	vld [tilespmem:$0x100E0];
	v4 =	vadd.f32 v49, v4  }
0x2f5: {  	v55 =	vld [tilespmem:$0x100F0];
	v3 =	vadd.f32 v50, v3  }
0x2f6: {  	v56 =	vld [tilespmem:$0x10100];
	v4 =	vadd.f32 v51, v4  }
0x2f7: {  	v57 =	vld [tilespmem:$0x10110];
	v3 =	vadd.f32 v52, v3  }
0x2f8: {  	v58 =	vld [tilespmem:$0x10120];
	v4 =	vadd.f32 v53, v4  }
0x2f9: {  	v59 =	vld [tilespmem:$0x10130];
	v3 =	vadd.f32 v54, v3  }
0x2fa: {  	v60 =	vld [tilespmem:$0x10140];
	v4 =	vadd.f32 v55, v4  }
0x2fb: {  	v61 =	vld [tilespmem:$0x10150];
	v3 =	vadd.f32 v56, v3  }
0x2fc: {  	v62 =	vld [tilespmem:$0x10160];
	v4 =	vadd.f32 v57, v4  }
0x2fd: {  	v63 =	vld [tilespmem:$0x10170];
	v3 =	vadd.f32 v58, v3  }
0x2fe: {  	v12 =	vld [tilespmem:$0x10180];
	v4 =	vadd.f32 v59, v4  }
0x2ff: {  	v13 =	vld [tilespmem:$0x10190];
	v3 =	vadd.f32 v60, v3  }
0x300: {  	v14 =	vld [tilespmem:$0x101A0];
	v4 =	vadd.f32 v61, v4  }
0x301: {  	v15 =	vld [tilespmem:$0x101B0];
	v3 =	vadd.f32 v62, v3  }
0x302: {  	v16 =	vld [tilespmem:$0x101C0];
	v4 =	vadd.f32 v63, v4  }
0x303: {  	v17 =	vld [tilespmem:$0x101D0];
	v3 =	vadd.f32 v12, v3  }
0x304: {  	v18 =	vld [tilespmem:$0x101E0];
	v4 =	vadd.f32 v13, v4  }
0x305: {  	v19 =	vld [tilespmem:$0x101F0];
	v3 =	vadd.f32 v14, v3  }
0x306: {  	v20 =	vld [tilespmem:$0x10200];
	v4 =	vadd.f32 v15, v4  }
0x307: {  	v21 =	vld [tilespmem:$0x10210];
	v3 =	vadd.f32 v16, v3  }
0x308: {  	v22 =	vld [tilespmem:$0x10220];
	v4 =	vadd.f32 v17, v4  }
0x309: {  	v23 =	vld [tilespmem:$0x10230];
	v3 =	vadd.f32 v18, v3  }
0x30a: {  	v24 =	vld [tilespmem:$0x10240];
	v4 =	vadd.f32 v19, v4  }
0x30b: {  	v25 =	vld [tilespmem:$0x10250];
	v3 =	vadd.f32 v20, v3  }
0x30c: {  	v26 =	vld [tilespmem:$0x10260];
	v4 =	vadd.f32 v21, v4  }
0x30d: {  	v27 =	vld [tilespmem:$0x10270];
	v3 =	vadd.f32 v22, v3  }
0x30e: {  	v28 =	vld [tilespmem:$0x10280];
	v4 =	vadd.f32 v23, v4  }
0x30f: {  	v29 =	vld [tilespmem:$0x10290];
	v3 =	vadd.f32 v24, v3  }
0x310: {  	v30 =	vld [tilespmem:$0x102A0];
	v4 =	vadd.f32 v25, v4  }
0x311: {  	v31 =	vld [tilespmem:$0x102B0];
	v3 =	vadd.f32 v26, v3  }
0x312: {  	v32 =	vld [tilespmem:$0x102C0];
	v4 =	vadd.f32 v27, v4  }
0x313: {  	v33 =	vld [tilespmem:$0x102D0];
	v3 =	vadd.f32 v28, v3  }
0x314: {  	v34 =	vld [tilespmem:$0x102E0];
	v4 =	vadd.f32 v29, v4  }
0x315: {  	v35 =	vld [tilespmem:$0x102F0];
	v3 =	vadd.f32 v30, v3  }
0x316: {  	v36 =	vld [tilespmem:$0x10300];
	v4 =	vadd.f32 v31, v4  }
0x317: {  	v37 =	vld [tilespmem:$0x10310];
	v3 =	vadd.f32 v32, v3  }
0x318: {  	v38 =	vld [tilespmem:$0x10320];
	v4 =	vadd.f32 v33, v4  }
0x319: {  	v39 =	vld [tilespmem:$0x10330];
	v3 =	vadd.f32 v34, v3  }
0x31a: {  	v40 =	vld [tilespmem:$0x10340];
	v4 =	vadd.f32 v35, v4  }
0x31b: {  	v41 =	vld [tilespmem:$0x10350];
	v3 =	vadd.f32 v36, v3  }
0x31c: {  	v42 =	vld [tilespmem:$0x10360];
	v4 =	vadd.f32 v37, v4  }
0x31d: {  	v43 =	vld [tilespmem:$0x10370];
	v3 =	vadd.f32 v38, v3  }
0x31e: {  	v44 =	vld [tilespmem:$0x10380];
	v4 =	vadd.f32 v39, v4  }
0x31f: {  	v45 =	vld [tilespmem:$0x10390];
	v3 =	vadd.f32 v40, v3  }
0x320: {  	v46 =	vld [tilespmem:$0x103A0];
	v4 =	vadd.f32 v41, v4  }
0x321: {  	v47 =	vld [tilespmem:$0x103B0];
	v3 =	vadd.f32 v42, v3  }
0x322: {  	v48 =	vld [tilespmem:$0x103C0];
	v4 =	vadd.f32 v43, v4  }
0x323: {  	v49 =	vld [tilespmem:$0x103D0];
	v3 =	vadd.f32 v44, v3  }
0x324: {  	v50 =	vld [tilespmem:$0x103E0];
	v4 =	vadd.f32 v45, v4  }
0x325: {  	v51 =	vld [tilespmem:$0x103F0];
	v3 =	vadd.f32 v46, v3  }
0x326: {  	v52 =	vld [tilespmem:$0x10400];
	v4 =	vadd.f32 v47, v4  }
0x327: {  	v53 =	vld [tilespmem:$0x10410];
	v3 =	vadd.f32 v48, v3  }
0x328: {  	v54 =	vld [tilespmem:$0x10420];
	v4 =	vadd.f32 v49, v4  }
0x329: {  	v55 =	vld [tilespmem:$0x10430];
	v3 =	vadd.f32 v50, v3  }
0x32a: {  	v56 =	vld [tilespmem:$0x10440];
	v4 =	vadd.f32 v51, v4  }
0x32b: {  	v57 =	vld [tilespmem:$0x10450];
	v3 =	vadd.f32 v52, v3  }
0x32c: {  	v58 =	vld [tilespmem:$0x10460];
	v4 =	vadd.f32 v53, v4  }
0x32d: {  	v59 =	vld [tilespmem:$0x10470];
	v3 =	vadd.f32 v54, v3  }
0x32e: {  	v60 =	vld [tilespmem:$0x10480];
	v4 =	vadd.f32 v55, v4  }
0x32f: {  	v61 =	vld [tilespmem:$0x10490];
	v3 =	vadd.f32 v56, v3  }
0x330: {  	v62 =	vld [tilespmem:$0x104A0];
	v4 =	vadd.f32 v57, v4  }
0x331: {  	v63 =	vld [tilespmem:$0x104B0];
	v3 =	vadd.f32 v58, v3  }
0x332: {  	v12 =	vld [tilespmem:$0x104C0];
	v4 =	vadd.f32 v59, v4  }
0x333: {  	v13 =	vld [tilespmem:$0x104D0];
	v3 =	vadd.f32 v60, v3  }
0x334: {  	v14 =	vld [tilespmem:$0x104E0];
	v4 =	vadd.f32 v61, v4  }
0x335: {  	v15 =	vld [tilespmem:$0x104F0];
	v3 =	vadd.f32 v62, v3  }
0x336: {  	v16 =	vld [tilespmem:$0x10500];
	v4 =	vadd.f32 v63, v4  }
0x337: {  	v17 =	vld [tilespmem:$0x10510];
	v3 =	vadd.f32 v12, v3  }
0x338: {  	v18 =	vld [tilespmem:$0x10520];
	v4 =	vadd.f32 v13, v4  }
0x339: {  	v19 =	vld [tilespmem:$0x10530];
	v3 =	vadd.f32 v14, v3  }
0x33a: {  	v20 =	vld [tilespmem:$0x10540];
	v4 =	vadd.f32 v15, v4  }
0x33b: {  	v21 =	vld [tilespmem:$0x10550];
	v3 =	vadd.f32 v16, v3  }
0x33c: {  	v22 =	vld [tilespmem:$0x10560];
	v4 =	vadd.f32 v17, v4  }
0x33d: {  	v23 =	vld [tilespmem:$0x10570];
	v3 =	vadd.f32 v18, v3  }
0x33e: {  	v24 =	vld [tilespmem:$0x10580];
	v4 =	vadd.f32 v19, v4  }
0x33f: {  	v25 =	vld [tilespmem:$0x10590];
	v3 =	vadd.f32 v20, v3  }
0x340: {  	v26 =	vld [tilespmem:$0x105A0];
	v4 =	vadd.f32 v21, v4  }
0x341: {  	v27 =	vld [tilespmem:$0x105B0];
	v3 =	vadd.f32 v22, v3  }
0x342: {  	v28 =	vld [tilespmem:$0x105C0];
	v4 =	vadd.f32 v23, v4  }
0x343: {  	v29 =	vld [tilespmem:$0x105D0];
	v3 =	vadd.f32 v24, v3  }
0x344: {  	v30 =	vld [tilespmem:$0x105E0];
	v4 =	vadd.f32 v25, v4  }
0x345: {  	v31 =	vld [tilespmem:$0x105F0];
	v3 =	vadd.f32 v26, v3  }
0x346: {  	v32 =	vld [tilespmem:$0x10600];
	v4 =	vadd.f32 v27, v4  }
0x347: {  	v33 =	vld [tilespmem:$0x10610];
	v3 =	vadd.f32 v28, v3  }
0x348: {  	v34 =	vld [tilespmem:$0x10620];
	v4 =	vadd.f32 v29, v4  }
0x349: {  	v35 =	vld [tilespmem:$0x10630];
	v3 =	vadd.f32 v30, v3  }
0x34a: {  	v36 =	vld [tilespmem:$0x10640];
	v4 =	vadd.f32 v31, v4  }
0x34b: {  	v37 =	vld [tilespmem:$0x10650];
	v3 =	vadd.f32 v32, v3  }
0x34c: {  	v38 =	vld [tilespmem:$0x10660];
	v4 =	vadd.f32 v33, v4  }
0x34d: {  	v39 =	vld [tilespmem:$0x10670];
	v3 =	vadd.f32 v34, v3  }
0x34e: {  	v40 =	vld [tilespmem:$0x10680];
	v4 =	vadd.f32 v35, v4  }
0x34f: {  	v41 =	vld [tilespmem:$0x10690];
	v3 =	vadd.f32 v36, v3  }
0x350: {  	v42 =	vld [tilespmem:$0x106A0];
	v4 =	vadd.f32 v37, v4  }
0x351: {  	v43 =	vld [tilespmem:$0x106B0];
	v3 =	vadd.f32 v38, v3  }
0x352: {  	v44 =	vld [tilespmem:$0x106C0];
	v4 =	vadd.f32 v39, v4  }
0x353: {  	v45 =	vld [tilespmem:$0x106D0];
	v3 =	vadd.f32 v40, v3  }
0x354: {  	v46 =	vld [tilespmem:$0x106E0];
	v4 =	vadd.f32 v41, v4  }
0x355: {  	v47 =	vld [tilespmem:$0x106F0];
	v3 =	vadd.f32 v42, v3  }
0x356: {  	v48 =	vld [tilespmem:$0x10700];
	v4 =	vadd.f32 v43, v4  }
0x357: {  	v49 =	vld [tilespmem:$0x10710];
	v3 =	vadd.f32 v44, v3  }
0x358: {  	v50 =	vld [tilespmem:$0x10720];
	v4 =	vadd.f32 v45, v4  }
0x359: {  	v51 =	vld [tilespmem:$0x10730];
	v3 =	vadd.f32 v46, v3  }
0x35a: {  	v52 =	vld [tilespmem:$0x10740];
	v4 =	vadd.f32 v47, v4  }
0x35b: {  	v53 =	vld [tilespmem:$0x10750];
	v3 =	vadd.f32 v48, v3  }
0x35c: {  	v54 =	vld [tilespmem:$0x10760];
	v4 =	vadd.f32 v49, v4  }
0x35d: {  	v55 =	vld [tilespmem:$0x10770];
	v3 =	vadd.f32 v50, v3  }
0x35e: {  	v56 =	vld [tilespmem:$0x10780];
	v4 =	vadd.f32 v51, v4  }
0x35f: {  	v57 =	vld [tilespmem:$0x10790];
	v3 =	vadd.f32 v52, v3  }
0x360: {  	v58 =	vld [tilespmem:$0x107A0];
	v4 =	vadd.f32 v53, v4  }
0x361: {  	v59 =	vld [tilespmem:$0x107B0];
	v3 =	vadd.f32 v54, v3  }
0x362: {  	v60 =	vld [tilespmem:$0x107C0];
	v4 =	vadd.f32 v55, v4  }
0x363: {  	v61 =	vld [tilespmem:$0x107D0];
	v3 =	vadd.f32 v56, v3  }
0x364: {  	v62 =	vld [tilespmem:$0x107E0];
	v4 =	vadd.f32 v57, v4  }
0x365: {  	v63 =	vld [tilespmem:$0x107F0];
	v3 =	vadd.f32 v58, v3  }
0x366: {  	v4 =	vadd.f32 v59, v4  }
0x367: {  	v3 =	vadd.f32 v60, v3  }
0x368: {  	v4 =	vadd.f32 v61, v4  }
0x369: {  	v3 =	vadd.f32 v62, v3  }
0x36a: {  	s19 =	sadd.s32 $0x1, s19;
	v4 =	vadd.f32 v63, v4  }
0x36b: {  	p0 =	sne.s32 s19, s8;
	[tilespmem:$0x10800] =	vst v3  }
.Ltmp6:
0x36c: {  	[tilespmem:$0x10810] =	vst v4;
	(pc) =	sbr.rel @p0 .LBB2_1-.Ltmp6, $4  }
0x36d: {  	[hbm4b:s7+s2] =	stream.linear.scatter [tilespmem:s17], [sflag:$0x5], $0x80, $0x38;
	[tilespmem:$0x10880] =	vst v63  }
0x36e: {  	_ =	swait.ge [sflag:s18], $0x80  }
0x36f: {  	[sflag:s18] =	ssyncset.done $0x0  }
0x370: {  	[sflag:s18] =	ssyncadd.s32 $0xFFFFFF80  }
0x371: {  	_ =	sfence.sel $0x180000  }
0x372: {  	[bflag:$0x0] =	sbarrier.arrive $0xFFFF  }
0x373: {  	p0 =	sne.s32 s1, $0x0;
	_ =	strace $0x90000047  }
0x374: {  	s0 =	sadd.s32 @!p0 $0x100000, s0;
	[bflag:$0x2] =	sbarrier.arrive $0xFFFF  }
0x375: {  	[sflag:s0] =	ssyncadd.tile.s32 @!p0 $0x1;
	_ =	shalt  }
.Lfunc_end2:
_tile_overlayer_lowered:
.L_overlay_start_2:
0x376: {  	(tag) =	ssettag $0x2  }
0x377: {  	s0 =	rddreg [dreg:$0x0];
	s2 =	stileid.u32  }
0x378: {  	s1 =	rddreg [dreg:$0x1];
	p0 =	sne.s32 s2, $0x0  }
0x379: {  	s3 =	rddreg [dreg:$0x2];
	[bflag:$0x3] =	sbarrier.arrive $0xFFFF;
	s2 =	simm.s32 @!p0 $0x1C05  }
0x37a: {  	[timem:s3], [sflag:s2] =	dma.local @!p0 [hbm:s0], s1  }
0x37b: {  	s0 =	simm.s32 @!p0 $0x5  }
0x37c: {  	_ =	swait.ge @!p0 [sflag:s0], s1  }
0x37d: {  	s1 =	ssub.s32 @!p0 $0x0, s1;
	[sflag:s0] =	ssyncset.done @!p0 $0x0  }
0x37e: {  	[sflag:s0] =	ssyncadd.s32 @!p0 s1  }
0x37f: {  	[bflag:$0x3] =	sbarrier.arrive $0xFFFF  }
0x380: {  	_ =	shalt  }

</sc_bundles>
